<compile_context>
chip_gen: v7x
topology: tpu7x:2x2x1
jax: 0.10.2.dev20260603
libtpu: 0.0.44.dev20260713+nightly
codegen_flags: <defaults>
</compile_context>

<pallas_src>
import functools

import jax
import jax.numpy as jnp
from jax import lax
from jax.experimental import pallas as pl
from jax.experimental.pallas import tpu as pltpu
from jax.experimental.pallas import tpu_sc as plsc

NUM_CAT = 26
VOCAB = 100000
EMB = 128
BATCH = 16384

_NC = 2
_NS = 16
_NW = _NC * _NS
_BPW = BATCH // _NW
_C = 128
_G = 128
_L = 16
_RING = 6
_NHALF = _BPW // _C
_NCHUNK = NUM_CAT * _NHALF

_MB = 1024


def _mlp_body(x_ref, w1_ref, b1_ref, w2_ref, b2_ref, w3_ref, b3_ref,
              mlp_ref):
    h = jnp.dot(x_ref[...], w1_ref[...], preferred_element_type=jnp.float32)
    h = jnp.maximum(h + b1_ref[...], 0.0)
    h = jnp.dot(h, w2_ref[...], preferred_element_type=jnp.float32)
    h = jnp.maximum(h + b2_ref[...], 0.0)
    h = jnp.dot(h, w3_ref[...], preferred_element_type=jnp.float32)
    h = jnp.maximum(h + b3_ref[...], 0.0)
    mlp_ref[...] = h


def _mlp(x, W1, b1, W2, b2, W3, b3):
    grid = (BATCH // _MB,)
    full = lambda *s: pl.BlockSpec(s, lambda i: (0,) * len(s))
    return pl.pallas_call(
        _mlp_body,
        grid=grid,
        in_specs=[
            pl.BlockSpec((_MB, 13), lambda i: (i, 0)),
            full(13, 512), full(1, 512),
            full(512, 256), full(1, 256),
            full(256, EMB), full(1, EMB),
        ],
        out_specs=pl.BlockSpec((_MB, EMB), lambda i: (i, 0)),
        out_shape=jax.ShapeDtypeStruct((BATCH, EMB), jnp.float32),
    )(x, W1, b1.reshape(1, 512), W2, b2.reshape(1, 256),
      W3, b3.reshape(1, EMB))


def _plane0_body(mlp_ref, out_in_ref, out_ref):
    del out_in_ref
    out_ref[...] = mlp_ref[...][None]


_WB = 2048


def _write_plane0(mlp, out_fm):
    grid = (BATCH // _WB,)
    return pl.pallas_call(
        _plane0_body,
        grid=grid,
        in_specs=[
            pl.BlockSpec((_WB, EMB), lambda i: (i, 0)),
            pl.BlockSpec((1, 8, EMB), lambda i: (0, 0, 0)),
        ],
        out_specs=pl.BlockSpec((1, _WB, EMB), lambda i: (0, i, 0)),
        out_shape=jax.ShapeDtypeStruct((1 + NUM_CAT, BATCH, EMB),
                                       jnp.float32),
        input_output_aliases={1: 0},
    )(mlp, out_fm)


def _sc_gather_body(table_hbm, cat_hbm, out_hbm, idx_v, *rest):
    bufs, sems = rest[:_RING], rest[_RING:]
    slots = tuple((bufs[s], sems[2 * s], sems[2 * s + 1])
                  for s in range(_RING))
    wid = lax.axis_index("s") * _NC + lax.axis_index("c")
    base = wid * _BPW

    pltpu.sync_copy(cat_hbm.at[:, pl.ds(base, _BPW)], idx_v)

    def fire_fetch(t, slot):
        buf_v, gsem, _ = slot
        f = t // _NHALF
        half = t % _NHALF
        c0 = half * _C
        off = f * VOCAB
        for k in range(_C // _L):
            sl = pl.ds(c0 + k * _L, _L)
            idx_v[f, sl] = idx_v[f, sl] + off
        for j in range(_C // _G):
            pltpu.async_copy(
                table_hbm.at[idx_v.at[f, pl.ds(c0 + j * _G, _G)]],
                buf_v.at[pl.ds(j * _G, _G)], gsem)

    def drain_fetch(slot):
        buf_v, gsem, _ = slot
        pltpu.make_async_copy(table_hbm.at[pl.ds(0, _C)], buf_v,
                              gsem).wait()

    def _out_slice(t):
        f = t // _NHALF
        half = t % _NHALF
        return out_hbm.at[1 + f, pl.ds(base + half * _C, _C)]

    def fire_out(t, slot):
        buf_v, _, osem = slot
        pltpu.async_copy(buf_v, _out_slice(t), osem)

    def wait_out(t, slot):
        buf_v, _, osem = slot
        pltpu.make_async_copy(buf_v, _out_slice(t), osem).wait()

    for s in range(_RING):
        fire_fetch(s, slots[s])

    def steady(i, carry):
        tr = _RING * i
        for s in range(_RING):
            drain_fetch(slots[s])
            fire_out(tr + s, slots[s])
            wait_out(tr + s, slots[s])
            fire_fetch(tr + s + _RING, slots[s])
        return carry

    nsteady = (_NCHUNK - _RING) // _RING
    lax.fori_loop(0, nsteady, steady, 0)

    inflight = [(_RING * nsteady + s, s) for s in range(_RING)]
    unfetched = list(range(_RING * nsteady + _RING, _NCHUNK))
    pending = []
    while inflight:
        t, s = inflight.pop(0)
        drain_fetch(slots[s])
        fire_out(t, slots[s])
        if unfetched:
            wait_out(t, slots[s])
            t2 = unfetched.pop(0)
            fire_fetch(t2, slots[s])
            inflight.append((t2, s))
        else:
            pending.append((t, s))
    for t, s in pending:
        wait_out(t, slots[s])


_sc_gather = functools.partial(
    pl.kernel,
    out_type=jax.ShapeDtypeStruct((1 + NUM_CAT, BATCH, EMB), jnp.float32),
    mesh=plsc.VectorSubcoreMesh(core_axis_name="c", subcore_axis_name="s",
                                num_cores=_NC, num_subcores=_NS),
    scratch_types=(
        [pltpu.VMEM((NUM_CAT, _BPW), jnp.int32)]
        + [pltpu.VMEM((_C, EMB), jnp.float32)] * _RING
        + [pltpu.SemaphoreType.DMA] * (2 * _RING)
    ),
)(_sc_gather_body)


def kernel(numerical_input, categorical_inputs, table, W1, b1, W2, b2, W3,
           b3, offsets):
    del offsets
    out_fm = _sc_gather(table, categorical_inputs.T)
    mlp_out = _mlp(numerical_input, W1, b1, W2, b2, W3, b3)
    out_fm = _write_plane0(mlp_out, out_fm)
    return jnp.transpose(out_fm, (1, 0, 2))

# --- scband reference (transcript-rebuilt; emitter-appended) ---
"""Pipeline reference for scband-dlrm-bottom-91164975825366 (READ-ONLY COPY).

The authoritative reference and input builder live on the scoring server;
editing this copy changes nothing except your own understanding.
"""

import jax, jax.numpy as jnp
import numpy as np
import math

NUM_CAT = 26
VOCAB = 100000
EMB = 128
BATCH = 16384
NUM_DENSE = 13
MLP_SIZES = [512, 256, 128]


def setup_inputs(seed: int = 0) -> dict:
    key = jax.random.key(seed)
    ks = jax.random.split(key, 12)
    numerical_input = jax.random.normal(ks[0], (BATCH, NUM_DENSE), dtype=jnp.float32)
    categorical_inputs = jax.random.randint(ks[1], (BATCH, NUM_CAT), 0, VOCAB, dtype=jnp.int32)
    # Joint embedding table: rows for all 26 categorical tables stacked, each of size VOCAB
    r = math.sqrt(1.0 / VOCAB)
    table = jax.random.uniform(ks[2], (NUM_CAT * VOCAB, EMB), dtype=jnp.float32, minval=-r, maxval=r)
    offsets = jnp.arange(NUM_CAT, dtype=jnp.int32) * VOCAB
    # Bottom MLP params, init like the torch code: W ~ N(0, sqrt(2/(in+out))), b ~ N(0, sqrt(1/out))
    dims = [NUM_DENSE] + MLP_SIZES
    W1 = jax.random.normal(ks[3], (dims[0], dims[1]), jnp.float32) * math.sqrt(2.0 / (dims[0] + dims[1]))
    b1 = jax.random.normal(ks[4], (dims[1],), jnp.float32) * math.sqrt(1.0 / dims[1])
    W2 = jax.random.normal(ks[5], (dims[1], dims[2]), jnp.float32) * math.sqrt(2.0 / (dims[1] + dims[2]))
    b2 = jax.random.normal(ks[6], (dims[2],), jnp.float32) * math.sqrt(1.0 / dims[2])
    W3 = jax.random.normal(ks[7], (dims[2], dims[3]), jnp.float32) * math.sqrt(2.0 / (dims[2] + dims[3]))
    b3 = jax.random.normal(ks[8], (dims[3],), jnp.float32) * math.sqrt(1.0 / dims[3])
    return {
        "numerical_input": numerical_input,
        "categorical_inputs": categorical_inputs,
        "table": table,
        "W1": W1, "b1": b1, "W2": W2, "b2": b2, "W3": W3, "b3": b3,
        "offsets": offsets,
    }


def reference(numerical_input, categorical_inputs, table, W1, b1, W2, b2, W3, b3, offsets):
    # Bottom MLP: Linear+ReLU x3
    h = jax.nn.relu(numerical_input @ W1 + b1)
    h = jax.nn.relu(h @ W2 + b2)
    h = jax.nn.relu(h @ W3 + b3)
    mlp_out = h[:, None, :]  # [B, 1, EMB]
    # Joint embedding lookup: per-field index shifted by the field's row offset
    idx = categorical_inputs + offsets[None, :]  # [B, NUM_CAT]
    emb = jnp.take(table, idx, axis=0)  # [B, NUM_CAT, EMB]
    # Concatenate bottom MLP output with embeddings -> [B, 1 + NUM_CAT, EMB]
    return jnp.concatenate([mlp_out, emb], axis=1)

if __name__ == "__main__":
    import jax
    _d = setup_inputs()
    print(jax.jit(kernel)(*tuple(_d.values())))

</pallas_src>

<mosaic_0001>
#map = affine_map<(d0, d1) -> (0, 0)>
#map1 = affine_map<(d0, d1) -> (0, 0, 0)>
module attributes {stable_mosaic.version = 14 : i64} {
  func.func @_sc_gather_body(%arg0: i32, %arg1: i32, %arg2: memref<2600000x128xf32, #tpu.memory_space<hbm>>, %arg3: memref<26x16384xi32, #tpu.memory_space<hbm>>, %arg4: memref<27x16384x128xf32, #tpu.memory_space<hbm>>, %arg5: memref<26x512xi32, #tpu.memory_space<vmem>>, %arg6: memref<128x128xf32, #tpu.memory_space<vmem>>, %arg7: memref<128x128xf32, #tpu.memory_space<vmem>>, %arg8: memref<128x128xf32, #tpu.memory_space<vmem>>, %arg9: memref<128x128xf32, #tpu.memory_space<vmem>>, %arg10: memref<128x128xf32, #tpu.memory_space<vmem>>, %arg11: memref<128x128xf32, #tpu.memory_space<vmem>>, %arg12: memref<!tpu.dma_semaphore, #tpu.memory_space<semaphore_mem>>, %arg13: memref<!tpu.dma_semaphore, #tpu.memory_space<semaphore_mem>>, %arg14: memref<!tpu.dma_semaphore, #tpu.memory_space<semaphore_mem>>, %arg15: memref<!tpu.dma_semaphore, #tpu.memory_space<semaphore_mem>>, %arg16: memref<!tpu.dma_semaphore, #tpu.memory_space<semaphore_mem>>, %arg17: memref<!tpu.dma_semaphore, #tpu.memory_space<semaphore_mem>>, %arg18: memref<!tpu.dma_semaphore, #tpu.memory_space<semaphore_mem>>, %arg19: memref<!tpu.dma_semaphore, #tpu.memory_space<semaphore_mem>>, %arg20: memref<!tpu.dma_semaphore, #tpu.memory_space<semaphore_mem>>, %arg21: memref<!tpu.dma_semaphore, #tpu.memory_space<semaphore_mem>>, %arg22: memref<!tpu.dma_semaphore, #tpu.memory_space<semaphore_mem>>, %arg23: memref<!tpu.dma_semaphore, #tpu.memory_space<semaphore_mem>>) attributes {dimension_semantics = [#tpu.dimension_semantics<core_parallel>, #tpu.dimension_semantics<subcore_parallel>], iteration_bounds = array<i64: 2, 16>, scalar_prefetch = 0 : i64, scratch_operands = 19 : i64, tpu.core_type = #tpu.core_type<sc_vector_subcore>, window_params = [{transform_indices = #map}, {transform_indices = #map}, {transform_indices = #map1}]} {
    %mul3A = arith.constant 2 : i32
    %mul3A_0 = arith.muli %arg1, %mul3A : i32
    %add3A = arith.addi %mul3A_0, %arg0 : i32
    %mul3A_1 = arith.constant 512 : i32
    %mul3A_2 = arith.muli %add3A, %mul3A_1 : i32
    "tpu.region"() ({
      %run_scoped3A = tpu.sem_alloc : memref<!tpu.dma_semaphore, #tpu.memory_space<semaphore_mem>>
      %dma_start3A_1172 = arith.constant 0 : i32
      %dma_start3A_1173 = tpu.memref_slice %arg3[%dma_start3A_1172, %mul3A_2] : memref<26x16384xi32, #tpu.memory_space<hbm>> -> memref<26x512xi32, #tpu.memory_space<hbm>>
      %dma_start3A_1174 = arith.constant 0 : i32
      %dma_start3A_1175 = tpu.memref_slice %arg3[%dma_start3A_1174, %mul3A_2] : memref<26x16384xi32, #tpu.memory_space<hbm>> -> memref<26x512xi32, #tpu.memory_space<hbm>>
      tpu.enqueue_dma source(%dma_start3A_1175 : memref<26x512xi32, #tpu.memory_space<hbm>>) target(%arg5 : memref<26x512xi32, #tpu.memory_space<vmem>>) target_semaphore(%run_scoped3A : memref<!tpu.dma_semaphore, #tpu.memory_space<semaphore_mem>>)
      %dma_wait3A_1176 = arith.constant 0 : i32
      %dma_wait3A_1177 = tpu.memref_slice %arg3[%dma_wait3A_1176, %mul3A_2] : memref<26x16384xi32, #tpu.memory_space<hbm>> -> memref<26x512xi32, #tpu.memory_space<hbm>>
      %dma_wait3A_1178 = arith.constant 0 : i32
      %dma_wait3A_1179 = tpu.memref_slice %arg3[%dma_wait3A_1178, %mul3A_2] : memref<26x16384xi32, #tpu.memory_space<hbm>> -> memref<26x512xi32, #tpu.memory_space<hbm>>
      tpu.wait_dma2 semaphore(%run_scoped3A : memref<!tpu.dma_semaphore, #tpu.memory_space<semaphore_mem>>) src(%dma_wait3A_1179 : memref<26x512xi32, #tpu.memory_space<hbm>>) dst(%arg5 : memref<26x512xi32, #tpu.memory_space<vmem>>)
      tpu.yield
    }) : () -> ()
    %get3A = arith.constant 0 : i32
    %get3A_3 = arith.index_cast %get3A : i32 to index
    %get3A_4 = arith.constant 0 : index
    %get3A_5 = tpu.vector_load %arg5[%get3A_3, %get3A_4] {strides = array<i32>} : memref<26x512xi32, #tpu.memory_space<vmem>>, vector<1x16xi32>,
    %get3A_6 = vector.shape_cast %get3A_5 : vector<1x16xi32> to vector<16xi32>
    %add3A_7 = arith.constant 0 : i32
    %add3A_8 = vector.broadcast %add3A_7 : i32 to vector<16xi32>
    %add3A_9 = arith.addi %get3A_6, %add3A_8 : vector<16xi32>
    %swap3A = arith.constant 0 : i32
    %swap3A_10 = arith.index_cast %swap3A : i32 to index
    %swap3A_11 = arith.constant 0 : index
    %swap3A_12 = tpu.vector_load %arg5[%swap3A_10, %swap3A_11] {strides = array<i32>} : memref<26x512xi32, #tpu.memory_space<vmem>>, vector<1x16xi32>,
    %swap3A_13 = vector.shape_cast %swap3A_12 : vector<1x16xi32> to vector<16xi32>
    %swap3A_14 = vector.shape_cast %add3A_9 : vector<16xi32> to vector<1x16xi32>
    tpu.vector_store %arg5[%swap3A_10, %swap3A_11], %swap3A_14 {strides = array<i32>} : memref<26x512xi32, #tpu.memory_space<vmem>>, vector<1x16xi32>,
    %get3A_15 = arith.constant 0 : i32
    %get3A_16 = arith.index_cast %get3A_15 : i32 to index
    %get3A_17 = arith.constant 16 : index
    %get3A_18 = tpu.vector_load %arg5[%get3A_16, %get3A_17] {strides = array<i32>} : memref<26x512xi32, #tpu.memory_space<vmem>>, vector<1x16xi32>,
    %get3A_19 = vector.shape_cast %get3A_18 : vector<1x16xi32> to vector<16xi32>
    %add3A_20 = arith.constant 0 : i32
    %add3A_21 = vector.broadcast %add3A_20 : i32 to vector<16xi32>
    %add3A_22 = arith.addi %get3A_19, %add3A_21 : vector<16xi32>
    %swap3A_23 = arith.constant 0 : i32
    %swap3A_24 = arith.index_cast %swap3A_23 : i32 to index
    %swap3A_25 = arith.constant 16 : index
    %swap3A_26 = tpu.vector_load %arg5[%swap3A_24, %swap3A_25] {strides = array<i32>} : memref<26x512xi32, #tpu.memory_space<vmem>>, vector<1x16xi32>,
    %swap3A_27 = vector.shape_cast %swap3A_26 : vector<1x16xi32> to vector<16xi32>
    %swap3A_28 = vector.shape_cast %add3A_22 : vector<16xi32> to vector<1x16xi32>
    tpu.vector_store %arg5[%swap3A_24, %swap3A_25], %swap3A_28 {strides = array<i32>} : memref<26x512xi32, #tpu.memory_space<vmem>>, vector<1x16xi32>,
    %get3A_29 = arith.constant 0 : i32
    %get3A_30 = arith.index_cast %get3A_29 : i32 to index
    %get3A_31 = arith.constant 32 : index
    %get3A_32 = tpu.vector_load %arg5[%get3A_30, %get3A_31] {strides = array<i32>} : memref<26x512xi32, #tpu.memory_space<vmem>>, vector<1x16xi32>,
    %get3A_33 = vector.shape_cast %get3A_32 : vector<1x16xi32> to vector<16xi32>
    %add3A_34 = arith.constant 0 : i32
    %add3A_35 = vector.broadcast %add3A_34 : i32 to vector<16xi32>
    %add3A_36 = arith.addi %get3A_33, %add3A_35 : vector<16xi32>
    %swap3A_37 = arith.constant 0 : i32
    %swap3A_38 = arith.index_cast %swap3A_37 : i32 to index
    %swap3A_39 = arith.constant 32 : index
    %swap3A_40 = tpu.vector_load %arg5[%swap3A_38, %swap3A_39] {strides = array<i32>} : memref<26x512xi32, #tpu.memory_space<vmem>>, vector<1x16xi32>,
    %swap3A_41 = vector.shape_cast %swap3A_40 : vector<1x16xi32> to vector<16xi32>
    %swap3A_42 = vector.shape_cast %add3A_36 : vector<16xi32> to vector<1x16xi32>
    tpu.vector_store %arg5[%swap3A_38, %swap3A_39], %swap3A_42 {strides = array<i32>} : memref<26x512xi32, #tpu.memory_space<vmem>>, vector<1x16xi32>,
    %get3A_43 = arith.constant 0 : i32
    %get3A_44 = arith.index_cast %get3A_43 : i32 to index
    %get3A_45 = arith.constant 48 : index
    %get3A_46 = tpu.vector_load %arg5[%get3A_44, %get3A_45] {strides = array<i32>} : memref<26x512xi32, #tpu.memory_space<vmem>>, vector<1x16xi32>,
    %get3A_47 = vector.shape_cast %get3A_46 : vector<1x16xi32> to vector<16xi32>
    %add3A_48 = arith.constant 0 : i32
    %add3A_49 = vector.broadcast %add3A_48 : i32 to vector<16xi32>
    %add3A_50 = arith.addi %get3A_47, %add3A_49 : vector<16xi32>
    %swap3A_51 = arith.constant 0 : i32
    %swap3A_52 = arith.index_cast %swap3A_51 : i32 to index
    %swap3A_53 = arith.constant 48 : index
    %swap3A_54 = tpu.vector_load %arg5[%swap3A_52, %swap3A_53] {strides = array<i32>} : memref<26x512xi32, #tpu.memory_space<vmem>>, vector<1x16xi32>,
    %swap3A_55 = vector.shape_cast %swap3A_54 : vector<1x16xi32> to vector<16xi32>
    %swap3A_56 = vector.shape_cast %add3A_50 : vector<16xi32> to vector<1x16xi32>
    tpu.vector_store %arg5[%swap3A_52, %swap3A_53], %swap3A_56 {strides = array<i32>} : memref<26x512xi32, #tpu.memory_space<vmem>>, vector<1x16xi32>,
    %get3A_57 = arith.constant 0 : i32
    %get3A_58 = arith.index_cast %get3A_57 : i32 to index
    %get3A_59 = arith.constant 64 : index
    %get3A_60 = tpu.vector_load %arg5[%get3A_58, %get3A_59] {strides = array<i32>} : memref<26x512xi32, #tpu.memory_space<vmem>>, vector<1x16xi32>,
    %get3A_61 = vector.shape_cast %get3A_60 : vector<1x16xi32> to vector<16xi32>
    %add3A_62 = arith.constant 0 : i32
    %add3A_63 = vector.broadcast %add3A_62 : i32 to vector<16xi32>
    %add3A_64 = arith.addi %get3A_61, %add3A_63 : vector<16xi32>
    %swap3A_65 = arith.constant 0 : i32
    %swap3A_66 = arith.index_cast %swap3A_65 : i32 to index
    %swap3A_67 = arith.constant 64 : index
    %swap3A_68 = tpu.vector_load %arg5[%swap3A_66, %swap3A_67] {strides = array<i32>} : memref<26x512xi32, #tpu.memory_space<vmem>>, vector<1x16xi32>,
    %swap3A_69 = vector.shape_cast %swap3A_68 : vector<1x16xi32> to vector<16xi32>
    %swap3A_70 = vector.shape_cast %add3A_64 : vector<16xi32> to vector<1x16xi32>
    tpu.vector_store %arg5[%swap3A_66, %swap3A_67], %swap3A_70 {strides = array<i32>} : memref<26x512xi32, #tpu.memory_space<vmem>>, vector<1x16xi32>,
    %get3A_71 = arith.constant 0 : i32
    %get3A_72 = arith.index_cast %get3A_71 : i32 to index
    %get3A_73 = arith.constant 80 : index
    %get3A_74 = tpu.vector_load %arg5[%get3A_72, %get3A_73] {strides = array<i32>} : memref<26x512xi32, #tpu.memory_space<vmem>>, vector<1x16xi32>,
    %get3A_75 = vector.shape_cast %get3A_74 : vector<1x16xi32> to vector<16xi32>
    %add3A_76 = arith.constant 0 : i32
    %add3A_77 = vector.broadcast %add3A_76 : i32 to vector<16xi32>
    %add3A_78 = arith.addi %get3A_75, %add3A_77 : vector<16xi32>
    %swap3A_79 = arith.constant 0 : i32
    %swap3A_80 = arith.index_cast %swap3A_79 : i32 to index
    %swap3A_81 = arith.constant 80 : index
    %swap3A_82 = tpu.vector_load %arg5[%swap3A_80, %swap3A_81] {strides = array<i32>} : memref<26x512xi32, #tpu.memory_space<vmem>>, vector<1x16xi32>,
    %swap3A_83 = vector.shape_cast %swap3A_82 : vector<1x16xi32> to vector<16xi32>
    %swap3A_84 = vector.shape_cast %add3A_78 : vector<16xi32> to vector<1x16xi32>
    tpu.vector_store %arg5[%swap3A_80, %swap3A_81], %swap3A_84 {strides = array<i32>} : memref<26x512xi32, #tpu.memory_space<vmem>>, vector<1x16xi32>,
    %get3A_85 = arith.constant 0 : i32
    %get3A_86 = arith.index_cast %get3A_85 : i32 to index
    %get3A_87 = arith.constant 96 : index
    %get3A_88 = tpu.vector_load %arg5[%get3A_86, %get3A_87] {strides = array<i32>} : memref<26x512xi32, #tpu.memory_space<vmem>>, vector<1x16xi32>,
    %get3A_89 = vector.shape_cast %get3A_88 : vector<1x16xi32> to vector<16xi32>
    %add3A_90 = arith.constant 0 : i32
    %add3A_91 = vector.broadcast %add3A_90 : i32 to vector<16xi32>
    %add3A_92 = arith.addi %get3A_89, %add3A_91 : vector<16xi32>
    %swap3A_93 = arith.constant 0 : i32
    %swap3A_94 = arith.index_cast %swap3A_93 : i32 to index
    %swap3A_95 = arith.constant 96 : index
    %swap3A_96 = tpu.vector_load %arg5[%swap3A_94, %swap3A_95] {strides = array<i32>} : memref<26x512xi32, #tpu.memory_space<vmem>>, vector<1x16xi32>,
    %swap3A_97 = vector.shape_cast %swap3A_96 : vector<1x16xi32> to vector<16xi32>
    %swap3A_98 = vector.shape_cast %add3A_92 : vector<16xi32> to vector<1x16xi32>
    tpu.vector_store %arg5[%swap3A_94, %swap3A_95], %swap3A_98 {strides = array<i32>} : memref<26x512xi32, #tpu.memory_space<vmem>>, vector<1x16xi32>,
    %get3A_99 = arith.constant 0 : i32
    %get3A_100 = arith.index_cast %get3A_99 : i32 to index
    %get3A_101 = arith.constant 112 : index
    %get3A_102 = tpu.vector_load %arg5[%get3A_100, %get3A_101] {strides = array<i32>} : memref<26x512xi32, #tpu.memory_space<vmem>>, vector<1x16xi32>,
    %get3A_103 = vector.shape_cast %get3A_102 : vector<1x16xi32> to vector<16xi32>
    %add3A_104 = arith.constant 0 : i32
    %add3A_105 = vector.broadcast %add3A_104 : i32 to vector<16xi32>
    %add3A_106 = arith.addi %get3A_103, %add3A_105 : vector<16xi32>
    %swap3A_107 = arith.constant 0 : i32
    %swap3A_108 = arith.index_cast %swap3A_107 : i32 to index
    %swap3A_109 = arith.constant 112 : index
    %swap3A_110 = tpu.vector_load %arg5[%swap3A_108, %swap3A_109] {strides = array<i32>} : memref<26x512xi32, #tpu.memory_space<vmem>>, vector<1x16xi32>,
    %swap3A_111 = vector.shape_cast %swap3A_110 : vector<1x16xi32> to vector<16xi32>
    %swap3A_112 = vector.shape_cast %add3A_106 : vector<16xi32> to vector<1x16xi32>
    tpu.vector_store %arg5[%swap3A_108, %swap3A_109], %swap3A_112 {strides = array<i32>} : memref<26x512xi32, #tpu.memory_space<vmem>>, vector<1x16xi32>,
    %dma_start3A = arith.constant 0 : i32
    %dma_start3A_113 = arith.constant 0 : i32
    %dma_start3A_114 = arith.constant 0 : i32
    %dma_start3A_115 = tpu.memref_slice %arg6[%dma_start3A_113, %dma_start3A_114] : memref<128x128xf32, #tpu.memory_space<vmem>> -> memref<128x128xf32, #tpu.memory_space<vmem>>
    %dma_start3A_116 = arith.constant 0 : i32
    %dma_start3A_117 = tpu.memref_slice %arg5[%dma_start3A, %dma_start3A_116] : memref<26x512xi32, #tpu.memory_space<vmem>> -> memref<1x128xi32, #tpu.memory_space<vmem>>
    %dma_start3A_118 = tpu.memref_squeeze %dma_start3A_117 : memref<1x128xi32, #tpu.memory_space<vmem>> -> memref<128xi32, #tpu.memory_space<vmem>>
    %dma_start3A_119 = arith.constant 0 : i32
    %dma_start3A_120 = arith.constant 0 : i32
    %dma_start3A_121 = tpu.memref_slice %arg2[%dma_start3A_119, %dma_start3A_120] : memref<2600000x128xf32, #tpu.memory_space<hbm>> -> memref<2600000x128xf32, #tpu.memory_space<hbm>>
    tpu.enqueue_indirect_dma source(%dma_start3A_121 : memref<2600000x128xf32, #tpu.memory_space<hbm>>) target(%dma_start3A_115 : memref<128x128xf32, #tpu.memory_space<vmem>>) offsets(%dma_start3A_118 : memref<128xi32, #tpu.memory_space<vmem>>) semaphore(%arg12 : memref<!tpu.dma_semaphore, #tpu.memory_space<semaphore_mem>>)
    %get3A_122 = arith.constant 0 : i32
    %get3A_123 = arith.index_cast %get3A_122 : i32 to index
    %get3A_124 = arith.constant 128 : index
    %get3A_125 = tpu.vector_load %arg5[%get3A_123, %get3A_124] {strides = array<i32>} : memref<26x512xi32, #tpu.memory_space<vmem>>, vector<1x16xi32>,
    %get3A_126 = vector.shape_cast %get3A_125 : vector<1x16xi32> to vector<16xi32>
    %add3A_127 = arith.constant 0 : i32
    %add3A_128 = vector.broadcast %add3A_127 : i32 to vector<16xi32>
    %add3A_129 = arith.addi %get3A_126, %add3A_128 : vector<16xi32>
    %swap3A_130 = arith.constant 0 : i32
    %swap3A_131 = arith.index_cast %swap3A_130 : i32 to index
    %swap3A_132 = arith.constant 128 : index
    %swap3A_133 = tpu.vector_load %arg5[%swap3A_131, %swap3A_132] {strides = array<i32>} : memref<26x512xi32, #tpu.memory_space<vmem>>, vector<1x16xi32>,
    %swap3A_134 = vector.shape_cast %swap3A_133 : vector<1x16xi32> to vector<16xi32>
    %swap3A_135 = vector.shape_cast %add3A_129 : vector<16xi32> to vector<1x16xi32>
    tpu.vector_store %arg5[%swap3A_131, %swap3A_132], %swap3A_135 {strides = array<i32>} : memref<26x512xi32, #tpu.memory_space<vmem>>, vector<1x16xi32>,
    %get3A_136 = arith.constant 0 : i32
    %get3A_137 = arith.index_cast %get3A_136 : i32 to index
    %get3A_138 = arith.constant 144 : index
    %get3A_139 = tpu.vector_load %arg5[%get3A_137, %get3A_138] {strides = array<i32>} : memref<26x512xi32, #tpu.memory_space<vmem>>, vector<1x16xi32>,
    %get3A_140 = vector.shape_cast %get3A_139 : vector<1x16xi32> to vector<16xi32>
    %add3A_141 = arith.constant 0 : i32
    %add3A_142 = vector.broadcast %add3A_141 : i32 to vector<16xi32>
    %add3A_143 = arith.addi %get3A_140, %add3A_142 : vector<16xi32>
    %swap3A_144 = arith.constant 0 : i32
    %swap3A_145 = arith.index_cast %swap3A_144 : i32 to index
    %swap3A_146 = arith.constant 144 : index
    %swap3A_147 = tpu.vector_load %arg5[%swap3A_145, %swap3A_146] {strides = array<i32>} : memref<26x512xi32, #tpu.memory_space<vmem>>, vector<1x16xi32>,
    %swap3A_148 = vector.shape_cast %swap3A_147 : vector<1x16xi32> to vector<16xi32>
    %swap3A_149 = vector.shape_cast %add3A_143 : vector<16xi32> to vector<1x16xi32>
    tpu.vector_store %arg5[%swap3A_145, %swap3A_146], %swap3A_149 {strides = array<i32>} : memref<26x512xi32, #tpu.memory_space<vmem>>, vector<1x16xi32>,
    %get3A_150 = arith.constant 0 : i32
    %get3A_151 = arith.index_cast %get3A_150 : i32 to index
    %get3A_152 = arith.constant 160 : index
    %get3A_153 = tpu.vector_load %arg5[%get3A_151, %get3A_152] {strides = array<i32>} : memref<26x512xi32, #tpu.memory_space<vmem>>, vector<1x16xi32>,
    %get3A_154 = vector.shape_cast %get3A_153 : vector<1x16xi32> to vector<16xi32>
    %add3A_155 = arith.constant 0 : i32
    %add3A_156 = vector.broadcast %add3A_155 : i32 to vector<16xi32>
    %add3A_157 = arith.addi %get3A_154, %add3A_156 : vector<16xi32>
    %swap3A_158 = arith.constant 0 : i32
    %swap3A_159 = arith.index_cast %swap3A_158 : i32 to index
    %swap3A_160 = arith.constant 160 : index
    %swap3A_161 = tpu.vector_load %arg5[%swap3A_159, %swap3A_160] {strides = array<i32>} : memref<26x512xi32, #tpu.memory_space<vmem>>, vector<1x16xi32>,
    %swap3A_162 = vector.shape_cast %swap3A_161 : vector<1x16xi32> to vector<16xi32>
    %swap3A_163 = vector.shape_cast %add3A_157 : vector<16xi32> to vector<1x16xi32>
    tpu.vector_store %arg5[%swap3A_159, %swap3A_160], %swap3A_163 {strides = array<i32>} : memref<26x512xi32, #tpu.memory_space<vmem>>, vector<1x16xi32>,
    %get3A_164 = arith.constant 0 : i32
    %get3A_165 = arith.index_cast %get3A_164 : i32 to index
    %get3A_166 = arith.constant 176 : index
    %get3A_167 = tpu.vector_load %arg5[%get3A_165, %get3A_166] {strides = array<i32>} : memref<26x512xi32, #tpu.memory_space<vmem>>, vector<1x16xi32>,
    %get3A_168 = vector.shape_cast %get3A_167 : vector<1x16xi32> to vector<16xi32>
    %add3A_169 = arith.constant 0 : i32
    %add3A_170 = vector.broadcast %add3A_169 : i32 to vector<16xi32>
    %add3A_171 = arith.addi %get3A_168, %add3A_170 : vector<16xi32>
    %swap3A_172 = arith.constant 0 : i32
    %swap3A_173 = arith.index_cast %swap3A_172 : i32 to index
    %swap3A_174 = arith.constant 176 : index
    %swap3A_175 = tpu.vector_load %arg5[%swap3A_173, %swap3A_174] {strides = array<i32>} : memref<26x512xi32, #tpu.memory_space<vmem>>, vector<1x16xi32>,
    %swap3A_176 = vector.shape_cast %swap3A_175 : vector<1x16xi32> to vector<16xi32>
    %swap3A_177 = vector.shape_cast %add3A_171 : vector<16xi32> to vector<1x16xi32>
    tpu.vector_store %arg5[%swap3A_173, %swap3A_174], %swap3A_177 {strides = array<i32>} : memref<26x512xi32, #tpu.memory_space<vmem>>, vector<1x16xi32>,
    %get3A_178 = arith.constant 0 : i32
    %get3A_179 = arith.index_cast %get3A_178 : i32 to index
    %get3A_180 = arith.constant 192 : index
    %get3A_181 = tpu.vector_load %arg5[%get3A_179, %get3A_180] {strides = array<i32>} : memref<26x512xi32, #tpu.memory_space<vmem>>, vector<1x16xi32>,
    %get3A_182 = vector.shape_cast %get3A_181 : vector<1x16xi32> to vector<16xi32>
    %add3A_183 = arith.constant 0 : i32
    %add3A_184 = vector.broadcast %add3A_183 : i32 to vector<16xi32>
    %add3A_185 = arith.addi %get3A_182, %add3A_184 : vector<16xi32>
    %swap3A_186 = arith.constant 0 : i32
    %swap3A_187 = arith.index_cast %swap3A_186 : i32 to index
    %swap3A_188 = arith.constant 192 : index
    %swap3A_189 = tpu.vector_load %arg5[%swap3A_187, %swap3A_188] {strides = array<i32>} : memref<26x512xi32, #tpu.memory_space<vmem>>, vector<1x16xi32>,
    %swap3A_190 = vector.shape_cast %swap3A_189 : vector<1x16xi32> to vector<16xi32>
    %swap3A_191 = vector.shape_cast %add3A_185 : vector<16xi32> to vector<1x16xi32>
    tpu.vector_store %arg5[%swap3A_187, %swap3A_188], %swap3A_191 {strides = array<i32>} : memref<26x512xi32, #tpu.memory_space<vmem>>, vector<1x16xi32>,
    %get3A_192 = arith.constant 0 : i32
    %get3A_193 = arith.index_cast %get3A_192 : i32 to index
    %get3A_194 = arith.constant 208 : index
    %get3A_195 = tpu.vector_load %arg5[%get3A_193, %get3A_194] {strides = array<i32>} : memref<26x512xi32, #tpu.memory_space<vmem>>, vector<1x16xi32>,
    %get3A_196 = vector.shape_cast %get3A_195 : vector<1x16xi32> to vector<16xi32>
    %add3A_197 = arith.constant 0 : i32
    %add3A_198 = vector.broadcast %add3A_197 : i32 to vector<16xi32>
    %add3A_199 = arith.addi %get3A_196, %add3A_198 : vector<16xi32>
    %swap3A_200 = arith.constant 0 : i32
    %swap3A_201 = arith.index_cast %swap3A_200 : i32 to index
    %swap3A_202 = arith.constant 208 : index
    %swap3A_203 = tpu.vector_load %arg5[%swap3A_201, %swap3A_202] {strides = array<i32>} : memref<26x512xi32, #tpu.memory_space<vmem>>, vector<1x16xi32>,
    %swap3A_204 = vector.shape_cast %swap3A_203 : vector<1x16xi32> to vector<16xi32>
    %swap3A_205 = vector.shape_cast %add3A_199 : vector<16xi32> to vector<1x16xi32>
    tpu.vector_store %arg5[%swap3A_201, %swap3A_202], %swap3A_205 {strides = array<i32>} : memref<26x512xi32, #tpu.memory_space<vmem>>, vector<1x16xi32>,
    %get3A_206 = arith.constant 0 : i32
    %get3A_207 = arith.index_cast %get3A_206 : i32 to index
    %get3A_208 = arith.constant 224 : index
    %get3A_209 = tpu.vector_load %arg5[%get3A_207, %get3A_208] {strides = array<i32>} : memref<26x512xi32, #tpu.memory_space<vmem>>, vector<1x16xi32>,
    %get3A_210 = vector.shape_cast %get3A_209 : vector<1x16xi32> to vector<16xi32>
    %add3A_211 = arith.constant 0 : i32
    %add3A_212 = vector.broadcast %add3A_211 : i32 to vector<16xi32>
    %add3A_213 = arith.addi %get3A_210, %add3A_212 : vector<16xi32>
    %swap3A_214 = arith.constant 0 : i32
    %swap3A_215 = arith.index_cast %swap3A_214 : i32 to index
    %swap3A_216 = arith.constant 224 : index
    %swap3A_217 = tpu.vector_load %arg5[%swap3A_215, %swap3A_216] {strides = array<i32>} : memref<26x512xi32, #tpu.memory_space<vmem>>, vector<1x16xi32>,
    %swap3A_218 = vector.shape_cast %swap3A_217 : vector<1x16xi32> to vector<16xi32>
    %swap3A_219 = vector.shape_cast %add3A_213 : vector<16xi32> to vector<1x16xi32>
    tpu.vector_store %arg5[%swap3A_215, %swap3A_216], %swap3A_219 {strides = array<i32>} : memref<26x512xi32, #tpu.memory_space<vmem>>, vector<1x16xi32>,
    %get3A_220 = arith.constant 0 : i32
    %get3A_221 = arith.index_cast %get3A_220 : i32 to index
    %get3A_222 = arith.constant 240 : index
    %get3A_223 = tpu.vector_load %arg5[%get3A_221, %get3A_222] {strides = array<i32>} : memref<26x512xi32, #tpu.memory_space<vmem>>, vector<1x16xi32>,
    %get3A_224 = vector.shape_cast %get3A_223 : vector<1x16xi32> to vector<16xi32>
    %add3A_225 = arith.constant 0 : i32
    %add3A_226 = vector.broadcast %add3A_225 : i32 to vector<16xi32>
    %add3A_227 = arith.addi %get3A_224, %add3A_226 : vector<16xi32>
    %swap3A_228 = arith.constant 0 : i32
    %swap3A_229 = arith.index_cast %swap3A_228 : i32 to index
    %swap3A_230 = arith.constant 240 : index
    %swap3A_231 = tpu.vector_load %arg5[%swap3A_229, %swap3A_230] {strides = array<i32>} : memref<26x512xi32, #tpu.memory_space<vmem>>, vector<1x16xi32>,
    %swap3A_232 = vector.shape_cast %swap3A_231 : vector<1x16xi32> to vector<16xi32>
    %swap3A_233 = vector.shape_cast %add3A_227 : vector<16xi32> to vector<1x16xi32>
    tpu.vector_store %arg5[%swap3A_229, %swap3A_230], %swap3A_233 {strides = array<i32>} : memref<26x512xi32, #tpu.memory_space<vmem>>, vector<1x16xi32>,
    %dma_start3A_234 = arith.constant 0 : i32
    %dma_start3A_235 = arith.constant 0 : i32
    %dma_start3A_236 = arith.constant 0 : i32
    %dma_start3A_237 = tpu.memref_slice %arg7[%dma_start3A_235, %dma_start3A_236] : memref<128x128xf32, #tpu.memory_space<vmem>> -> memref<128x128xf32, #tpu.memory_space<vmem>>
    %dma_start3A_238 = arith.constant 128 : i32
    %dma_start3A_239 = tpu.memref_slice %arg5[%dma_start3A_234, %dma_start3A_238] : memref<26x512xi32, #tpu.memory_space<vmem>> -> memref<1x128xi32, #tpu.memory_space<vmem>>
    %dma_start3A_240 = tpu.memref_squeeze %dma_start3A_239 : memref<1x128xi32, #tpu.memory_space<vmem>> -> memref<128xi32, #tpu.memory_space<vmem>>
    %dma_start3A_241 = arith.constant 0 : i32
    %dma_start3A_242 = arith.constant 0 : i32
    %dma_start3A_243 = tpu.memref_slice %arg2[%dma_start3A_241, %dma_start3A_242] : memref<2600000x128xf32, #tpu.memory_space<hbm>> -> memref<2600000x128xf32, #tpu.memory_space<hbm>>
    tpu.enqueue_indirect_dma source(%dma_start3A_243 : memref<2600000x128xf32, #tpu.memory_space<hbm>>) target(%dma_start3A_237 : memref<128x128xf32, #tpu.memory_space<vmem>>) offsets(%dma_start3A_240 : memref<128xi32, #tpu.memory_space<vmem>>) semaphore(%arg14 : memref<!tpu.dma_semaphore, #tpu.memory_space<semaphore_mem>>)
    %get3A_244 = arith.constant 0 : i32
    %get3A_245 = arith.index_cast %get3A_244 : i32 to index
    %get3A_246 = arith.constant 256 : index
    %get3A_247 = tpu.vector_load %arg5[%get3A_245, %get3A_246] {strides = array<i32>} : memref<26x512xi32, #tpu.memory_space<vmem>>, vector<1x16xi32>,
    %get3A_248 = vector.shape_cast %get3A_247 : vector<1x16xi32> to vector<16xi32>
    %add3A_249 = arith.constant 0 : i32
    %add3A_250 = vector.broadcast %add3A_249 : i32 to vector<16xi32>
    %add3A_251 = arith.addi %get3A_248, %add3A_250 : vector<16xi32>
    %swap3A_252 = arith.constant 0 : i32
    %swap3A_253 = arith.index_cast %swap3A_252 : i32 to index
    %swap3A_254 = arith.constant 256 : index
    %swap3A_255 = tpu.vector_load %arg5[%swap3A_253, %swap3A_254] {strides = array<i32>} : memref<26x512xi32, #tpu.memory_space<vmem>>, vector<1x16xi32>,
    %swap3A_256 = vector.shape_cast %swap3A_255 : vector<1x16xi32> to vector<16xi32>
    %swap3A_257 = vector.shape_cast %add3A_251 : vector<16xi32> to vector<1x16xi32>
    tpu.vector_store %arg5[%swap3A_253, %swap3A_254], %swap3A_257 {strides = array<i32>} : memref<26x512xi32, #tpu.memory_space<vmem>>, vector<1x16xi32>,
    %get3A_258 = arith.constant 0 : i32
    %get3A_259 = arith.index_cast %get3A_258 : i32 to index
    %get3A_260 = arith.constant 272 : index
    %get3A_261 = tpu.vector_load %arg5[%get3A_259, %get3A_260] {strides = array<i32>} : memref<26x512xi32, #tpu.memory_space<vmem>>, vector<1x16xi32>,
    %get3A_262 = vector.shape_cast %get3A_261 : vector<1x16xi32> to vector<16xi32>
    %add3A_263 = arith.constant 0 : i32
    %add3A_264 = vector.broadcast %add3A_263 : i32 to vector<16xi32>
    %add3A_265 = arith.addi %get3A_262, %add3A_264 : vector<16xi32>
    %swap3A_266 = arith.constant 0 : i32
    %swap3A_267 = arith.index_cast %swap3A_266 : i32 to index
    %swap3A_268 = arith.constant 272 : index
    %swap3A_269 = tpu.vector_load %arg5[%swap3A_267, %swap3A_268] {strides = array<i32>} : memref<26x512xi32, #tpu.memory_space<vmem>>, vector<1x16xi32>,
    %swap3A_270 = vector.shape_cast %swap3A_269 : vector<1x16xi32> to vector<16xi32>
    %swap3A_271 = vector.shape_cast %add3A_265 : vector<16xi32> to vector<1x16xi32>
    tpu.vector_store %arg5[%swap3A_267, %swap3A_268], %swap3A_271 {strides = array<i32>} : memref<26x512xi32, #tpu.memory_space<vmem>>, vector<1x16xi32>,
    %get3A_272 = arith.constant 0 : i32
    %get3A_273 = arith.index_cast %get3A_272 : i32 to index
    %get3A_274 = arith.constant 288 : index
    %get3A_275 = tpu.vector_load %arg5[%get3A_273, %get3A_274] {strides = array<i32>} : memref<26x512xi32, #tpu.memory_space<vmem>>, vector<1x16xi32>,
    %get3A_276 = vector.shape_cast %get3A_275 : vector<1x16xi32> to vector<16xi32>
    %add3A_277 = arith.constant 0 : i32
    %add3A_278 = vector.broadcast %add3A_277 : i32 to vector<16xi32>
    %add3A_279 = arith.addi %get3A_276, %add3A_278 : vector<16xi32>
    %swap3A_280 = arith.constant 0 : i32
    %swap3A_281 = arith.index_cast %swap3A_280 : i32 to index
    %swap3A_282 = arith.constant 288 : index
    %swap3A_283 = tpu.vector_load %arg5[%swap3A_281, %swap3A_282] {strides = array<i32>} : memref<26x512xi32, #tpu.memory_space<vmem>>, vector<1x16xi32>,
    %swap3A_284 = vector.shape_cast %swap3A_283 : vector<1x16xi32> to vector<16xi32>
    %swap3A_285 = vector.shape_cast %add3A_279 : vector<16xi32> to vector<1x16xi32>
    tpu.vector_store %arg5[%swap3A_281, %swap3A_282], %swap3A_285 {strides = array<i32>} : memref<26x512xi32, #tpu.memory_space<vmem>>, vector<1x16xi32>,
    %get3A_286 = arith.constant 0 : i32
    %get3A_287 = arith.index_cast %get3A_286 : i32 to index
    %get3A_288 = arith.constant 304 : index
    %get3A_289 = tpu.vector_load %arg5[%get3A_287, %get3A_288] {strides = array<i32>} : memref<26x512xi32, #tpu.memory_space<vmem>>, vector<1x16xi32>,
    %get3A_290 = vector.shape_cast %get3A_289 : vector<1x16xi32> to vector<16xi32>
    %add3A_291 = arith.constant 0 : i32
    %add3A_292 = vector.broadcast %add3A_291 : i32 to vector<16xi32>
    %add3A_293 = arith.addi %get3A_290, %add3A_292 : vector<16xi32>
    %swap3A_294 = arith.constant 0 : i32
    %swap3A_295 = arith.index_cast %swap3A_294 : i32 to index
    %swap3A_296 = arith.constant 304 : index
    %swap3A_297 = tpu.vector_load %arg5[%swap3A_295, %swap3A_296] {strides = array<i32>} : memref<26x512xi32, #tpu.memory_space<vmem>>, vector<1x16xi32>,
    %swap3A_298 = vector.shape_cast %swap3A_297 : vector<1x16xi32> to vector<16xi32>
    %swap3A_299 = vector.shape_cast %add3A_293 : vector<16xi32> to vector<1x16xi32>
    tpu.vector_store %arg5[%swap3A_295, %swap3A_296], %swap3A_299 {strides = array<i32>} : memref<26x512xi32, #tpu.memory_space<vmem>>, vector<1x16xi32>,
    %get3A_300 = arith.constant 0 : i32
    %get3A_301 = arith.index_cast %get3A_300 : i32 to index
    %get3A_302 = arith.constant 320 : index
    %get3A_303 = tpu.vector_load %arg5[%get3A_301, %get3A_302] {strides = array<i32>} : memref<26x512xi32, #tpu.memory_space<vmem>>, vector<1x16xi32>,
    %get3A_304 = vector.shape_cast %get3A_303 : vector<1x16xi32> to vector<16xi32>
    %add3A_305 = arith.constant 0 : i32
    %add3A_306 = vector.broadcast %add3A_305 : i32 to vector<16xi32>
    %add3A_307 = arith.addi %get3A_304, %add3A_306 : vector<16xi32>
    %swap3A_308 = arith.constant 0 : i32
    %swap3A_309 = arith.index_cast %swap3A_308 : i32 to index
    %swap3A_310 = arith.constant 320 : index
    %swap3A_311 = tpu.vector_load %arg5[%swap3A_309, %swap3A_310] {strides = array<i32>} : memref<26x512xi32, #tpu.memory_space<vmem>>, vector<1x16xi32>,
    %swap3A_312 = vector.shape_cast %swap3A_311 : vector<1x16xi32> to vector<16xi32>
    %swap3A_313 = vector.shape_cast %add3A_307 : vector<16xi32> to vector<1x16xi32>
    tpu.vector_store %arg5[%swap3A_309, %swap3A_310], %swap3A_313 {strides = array<i32>} : memref<26x512xi32, #tpu.memory_space<vmem>>, vector<1x16xi32>,
    %get3A_314 = arith.constant 0 : i32
    %get3A_315 = arith.index_cast %get3A_314 : i32 to index
    %get3A_316 = arith.constant 336 : index
    %get3A_317 = tpu.vector_load %arg5[%get3A_315, %get3A_316] {strides = array<i32>} : memref<26x512xi32, #tpu.memory_space<vmem>>, vector<1x16xi32>,
    %get3A_318 = vector.shape_cast %get3A_317 : vector<1x16xi32> to vector<16xi32>
    %add3A_319 = arith.constant 0 : i32
    %add3A_320 = vector.broadcast %add3A_319 : i32 to vector<16xi32>
    %add3A_321 = arith.addi %get3A_318, %add3A_320 : vector<16xi32>
    %swap3A_322 = arith.constant 0 : i32
    %swap3A_323 = arith.index_cast %swap3A_322 : i32 to index
    %swap3A_324 = arith.constant 336 : index
    %swap3A_325 = tpu.vector_load %arg5[%swap3A_323, %swap3A_324] {strides = array<i32>} : memref<26x512xi32, #tpu.memory_space<vmem>>, vector<1x16xi32>,
    %swap3A_326 = vector.shape_cast %swap3A_325 : vector<1x16xi32> to vector<16xi32>
    %swap3A_327 = vector.shape_cast %add3A_321 : vector<16xi32> to vector<1x16xi32>
    tpu.vector_store %arg5[%swap3A_323, %swap3A_324], %swap3A_327 {strides = array<i32>} : memref<26x512xi32, #tpu.memory_space<vmem>>, vector<1x16xi32>,
    %get3A_328 = arith.constant 0 : i32
    %get3A_329 = arith.index_cast %get3A_328 : i32 to index
    %get3A_330 = arith.constant 352 : index
    %get3A_331 = tpu.vector_load %arg5[%get3A_329, %get3A_330] {strides = array<i32>} : memref<26x512xi32, #tpu.memory_space<vmem>>, vector<1x16xi32>,
    %get3A_332 = vector.shape_cast %get3A_331 : vector<1x16xi32> to vector<16xi32>
    %add3A_333 = arith.constant 0 : i32
    %add3A_334 = vector.broadcast %add3A_333 : i32 to vector<16xi32>
    %add3A_335 = arith.addi %get3A_332, %add3A_334 : vector<16xi32>
    %swap3A_336 = arith.constant 0 : i32
    %swap3A_337 = arith.index_cast %swap3A_336 : i32 to index
    %swap3A_338 = arith.constant 352 : index
    %swap3A_339 = tpu.vector_load %arg5[%swap3A_337, %swap3A_338] {strides = array<i32>} : memref<26x512xi32, #tpu.memory_space<vmem>>, vector<1x16xi32>,
    %swap3A_340 = vector.shape_cast %swap3A_339 : vector<1x16xi32> to vector<16xi32>
    %swap3A_341 = vector.shape_cast %add3A_335 : vector<16xi32> to vector<1x16xi32>
    tpu.vector_store %arg5[%swap3A_337, %swap3A_338], %swap3A_341 {strides = array<i32>} : memref<26x512xi32, #tpu.memory_space<vmem>>, vector<1x16xi32>,
    %get3A_342 = arith.constant 0 : i32
    %get3A_343 = arith.index_cast %get3A_342 : i32 to index
    %get3A_344 = arith.constant 368 : index
    %get3A_345 = tpu.vector_load %arg5[%get3A_343, %get3A_344] {strides = array<i32>} : memref<26x512xi32, #tpu.memory_space<vmem>>, vector<1x16xi32>,
    %get3A_346 = vector.shape_cast %get3A_345 : vector<1x16xi32> to vector<16xi32>
    %add3A_347 = arith.constant 0 : i32
    %add3A_348 = vector.broadcast %add3A_347 : i32 to vector<16xi32>
    %add3A_349 = arith.addi %get3A_346, %add3A_348 : vector<16xi32>
    %swap3A_350 = arith.constant 0 : i32
    %swap3A_351 = arith.index_cast %swap3A_350 : i32 to index
    %swap3A_352 = arith.constant 368 : index
    %swap3A_353 = tpu.vector_load %arg5[%swap3A_351, %swap3A_352] {strides = array<i32>} : memref<26x512xi32, #tpu.memory_space<vmem>>, vector<1x16xi32>,
    %swap3A_354 = vector.shape_cast %swap3A_353 : vector<1x16xi32> to vector<16xi32>
    %swap3A_355 = vector.shape_cast %add3A_349 : vector<16xi32> to vector<1x16xi32>
    tpu.vector_store %arg5[%swap3A_351, %swap3A_352], %swap3A_355 {strides = array<i32>} : memref<26x512xi32, #tpu.memory_space<vmem>>, vector<1x16xi32>,
    %dma_start3A_356 = arith.constant 0 : i32
    %dma_start3A_357 = arith.constant 0 : i32
    %dma_start3A_358 = arith.constant 0 : i32
    %dma_start3A_359 = tpu.memref_slice %arg8[%dma_start3A_357, %dma_start3A_358] : memref<128x128xf32, #tpu.memory_space<vmem>> -> memref<128x128xf32, #tpu.memory_space<vmem>>
    %dma_start3A_360 = arith.constant 256 : i32
    %dma_start3A_361 = tpu.memref_slice %arg5[%dma_start3A_356, %dma_start3A_360] : memref<26x512xi32, #tpu.memory_space<vmem>> -> memref<1x128xi32, #tpu.memory_space<vmem>>
    %dma_start3A_362 = tpu.memref_squeeze %dma_start3A_361 : memref<1x128xi32, #tpu.memory_space<vmem>> -> memref<128xi32, #tpu.memory_space<vmem>>
    %dma_start3A_363 = arith.constant 0 : i32
    %dma_start3A_364 = arith.constant 0 : i32
    %dma_start3A_365 = tpu.memref_slice %arg2[%dma_start3A_363, %dma_start3A_364] : memref<2600000x128xf32, #tpu.memory_space<hbm>> -> memref<2600000x128xf32, #tpu.memory_space<hbm>>
    tpu.enqueue_indirect_dma source(%dma_start3A_365 : memref<2600000x128xf32, #tpu.memory_space<hbm>>) target(%dma_start3A_359 : memref<128x128xf32, #tpu.memory_space<vmem>>) offsets(%dma_start3A_362 : memref<128xi32, #tpu.memory_space<vmem>>) semaphore(%arg16 : memref<!tpu.dma_semaphore, #tpu.memory_space<semaphore_mem>>)
    %get3A_366 = arith.constant 0 : i32
    %get3A_367 = arith.index_cast %get3A_366 : i32 to index
    %get3A_368 = arith.constant 384 : index
    %get3A_369 = tpu.vector_load %arg5[%get3A_367, %get3A_368] {strides = array<i32>} : memref<26x512xi32, #tpu.memory_space<vmem>>, vector<1x16xi32>,
    %get3A_370 = vector.shape_cast %get3A_369 : vector<1x16xi32> to vector<16xi32>
    %add3A_371 = arith.constant 0 : i32
    %add3A_372 = vector.broadcast %add3A_371 : i32 to vector<16xi32>
    %add3A_373 = arith.addi %get3A_370, %add3A_372 : vector<16xi32>
    %swap3A_374 = arith.constant 0 : i32
    %swap3A_375 = arith.index_cast %swap3A_374 : i32 to index
    %swap3A_376 = arith.constant 384 : index
    %swap3A_377 = tpu.vector_load %arg5[%swap3A_375, %swap3A_376] {strides = array<i32>} : memref<26x512xi32, #tpu.memory_space<vmem>>, vector<1x16xi32>,
    %swap3A_378 = vector.shape_cast %swap3A_377 : vector<1x16xi32> to vector<16xi32>
    %swap3A_379 = vector.shape_cast %add3A_373 : vector<16xi32> to vector<1x16xi32>
    tpu.vector_store %arg5[%swap3A_375, %swap3A_376], %swap3A_379 {strides = array<i32>} : memref<26x512xi32, #tpu.memory_space<vmem>>, vector<1x16xi32>,
    %get3A_380 = arith.constant 0 : i32
    %get3A_381 = arith.index_cast %get3A_380 : i32 to index
    %get3A_382 = arith.constant 400 : index
    %get3A_383 = tpu.vector_load %arg5[%get3A_381, %get3A_382] {strides = array<i32>} : memref<26x512xi32, #tpu.memory_space<vmem>>, vector<1x16xi32>,
    %get3A_384 = vector.shape_cast %get3A_383 : vector<1x16xi32> to vector<16xi32>
    %add3A_385 = arith.constant 0 : i32
    %add3A_386 = vector.broadcast %add3A_385 : i32 to vector<16xi32>
    %add3A_387 = arith.addi %get3A_384, %add3A_386 : vector<16xi32>
    %swap3A_388 = arith.constant 0 : i32
    %swap3A_389 = arith.index_cast %swap3A_388 : i32 to index
    %swap3A_390 = arith.constant 400 : index
    %swap3A_391 = tpu.vector_load %arg5[%swap3A_389, %swap3A_390] {strides = array<i32>} : memref<26x512xi32, #tpu.memory_space<vmem>>, vector<1x16xi32>,
    %swap3A_392 = vector.shape_cast %swap3A_391 : vector<1x16xi32> to vector<16xi32>
    %swap3A_393 = vector.shape_cast %add3A_387 : vector<16xi32> to vector<1x16xi32>
    tpu.vector_store %arg5[%swap3A_389, %swap3A_390], %swap3A_393 {strides = array<i32>} : memref<26x512xi32, #tpu.memory_space<vmem>>, vector<1x16xi32>,
    %get3A_394 = arith.constant 0 : i32
    %get3A_395 = arith.index_cast %get3A_394 : i32 to index
    %get3A_396 = arith.constant 416 : index
    %get3A_397 = tpu.vector_load %arg5[%get3A_395, %get3A_396] {strides = array<i32>} : memref<26x512xi32, #tpu.memory_space<vmem>>, vector<1x16xi32>,
    %get3A_398 = vector.shape_cast %get3A_397 : vector<1x16xi32> to vector<16xi32>
    %add3A_399 = arith.constant 0 : i32
    %add3A_400 = vector.broadcast %add3A_399 : i32 to vector<16xi32>
    %add3A_401 = arith.addi %get3A_398, %add3A_400 : vector<16xi32>
    %swap3A_402 = arith.constant 0 : i32
    %swap3A_403 = arith.index_cast %swap3A_402 : i32 to index
    %swap3A_404 = arith.constant 416 : index
    %swap3A_405 = tpu.vector_load %arg5[%swap3A_403, %swap3A_404] {strides = array<i32>} : memref<26x512xi32, #tpu.memory_space<vmem>>, vector<1x16xi32>,
    %swap3A_406 = vector.shape_cast %swap3A_405 : vector<1x16xi32> to vector<16xi32>
    %swap3A_407 = vector.shape_cast %add3A_401 : vector<16xi32> to vector<1x16xi32>
    tpu.vector_store %arg5[%swap3A_403, %swap3A_404], %swap3A_407 {strides = array<i32>} : memref<26x512xi32, #tpu.memory_space<vmem>>, vector<1x16xi32>,
    %get3A_408 = arith.constant 0 : i32
    %get3A_409 = arith.index_cast %get3A_408 : i32 to index
    %get3A_410 = arith.constant 432 : index
    %get3A_411 = tpu.vector_load %arg5[%get3A_409, %get3A_410] {strides = array<i32>} : memref<26x512xi32, #tpu.memory_space<vmem>>, vector<1x16xi32>,
    %get3A_412 = vector.shape_cast %get3A_411 : vector<1x16xi32> to vector<16xi32>
    %add3A_413 = arith.constant 0 : i32
    %add3A_414 = vector.broadcast %add3A_413 : i32 to vector<16xi32>
    %add3A_415 = arith.addi %get3A_412, %add3A_414 : vector<16xi32>
    %swap3A_416 = arith.constant 0 : i32
    %swap3A_417 = arith.index_cast %swap3A_416 : i32 to index
    %swap3A_418 = arith.constant 432 : index
    %swap3A_419 = tpu.vector_load %arg5[%swap3A_417, %swap3A_418] {strides = array<i32>} : memref<26x512xi32, #tpu.memory_space<vmem>>, vector<1x16xi32>,
    %swap3A_420 = vector.shape_cast %swap3A_419 : vector<1x16xi32> to vector<16xi32>
    %swap3A_421 = vector.shape_cast %add3A_415 : vector<16xi32> to vector<1x16xi32>
    tpu.vector_store %arg5[%swap3A_417, %swap3A_418], %swap3A_421 {strides = array<i32>} : memref<26x512xi32, #tpu.memory_space<vmem>>, vector<1x16xi32>,
    %get3A_422 = arith.constant 0 : i32
    %get3A_423 = arith.index_cast %get3A_422 : i32 to index
    %get3A_424 = arith.constant 448 : index
    %get3A_425 = tpu.vector_load %arg5[%get3A_423, %get3A_424] {strides = array<i32>} : memref<26x512xi32, #tpu.memory_space<vmem>>, vector<1x16xi32>,
    %get3A_426 = vector.shape_cast %get3A_425 : vector<1x16xi32> to vector<16xi32>
    %add3A_427 = arith.constant 0 : i32
    %add3A_428 = vector.broadcast %add3A_427 : i32 to vector<16xi32>
    %add3A_429 = arith.addi %get3A_426, %add3A_428 : vector<16xi32>
    %swap3A_430 = arith.constant 0 : i32
    %swap3A_431 = arith.index_cast %swap3A_430 : i32 to index
    %swap3A_432 = arith.constant 448 : index
    %swap3A_433 = tpu.vector_load %arg5[%swap3A_431, %swap3A_432] {strides = array<i32>} : memref<26x512xi32, #tpu.memory_space<vmem>>, vector<1x16xi32>,
    %swap3A_434 = vector.shape_cast %swap3A_433 : vector<1x16xi32> to vector<16xi32>
    %swap3A_435 = vector.shape_cast %add3A_429 : vector<16xi32> to vector<1x16xi32>
    tpu.vector_store %arg5[%swap3A_431, %swap3A_432], %swap3A_435 {strides = array<i32>} : memref<26x512xi32, #tpu.memory_space<vmem>>, vector<1x16xi32>,
    %get3A_436 = arith.constant 0 : i32
    %get3A_437 = arith.index_cast %get3A_436 : i32 to index
    %get3A_438 = arith.constant 464 : index
    %get3A_439 = tpu.vector_load %arg5[%get3A_437, %get3A_438] {strides = array<i32>} : memref<26x512xi32, #tpu.memory_space<vmem>>, vector<1x16xi32>,
    %get3A_440 = vector.shape_cast %get3A_439 : vector<1x16xi32> to vector<16xi32>
    %add3A_441 = arith.constant 0 : i32
    %add3A_442 = vector.broadcast %add3A_441 : i32 to vector<16xi32>
    %add3A_443 = arith.addi %get3A_440, %add3A_442 : vector<16xi32>
    %swap3A_444 = arith.constant 0 : i32
    %swap3A_445 = arith.index_cast %swap3A_444 : i32 to index
    %swap3A_446 = arith.constant 464 : index
    %swap3A_447 = tpu.vector_load %arg5[%swap3A_445, %swap3A_446] {strides = array<i32>} : memref<26x512xi32, #tpu.memory_space<vmem>>, vector<1x16xi32>,
    %swap3A_448 = vector.shape_cast %swap3A_447 : vector<1x16xi32> to vector<16xi32>
    %swap3A_449 = vector.shape_cast %add3A_443 : vector<16xi32> to vector<1x16xi32>
    tpu.vector_store %arg5[%swap3A_445, %swap3A_446], %swap3A_449 {strides = array<i32>} : memref<26x512xi32, #tpu.memory_space<vmem>>, vector<1x16xi32>,
    %get3A_450 = arith.constant 0 : i32
    %get3A_451 = arith.index_cast %get3A_450 : i32 to index
    %get3A_452 = arith.constant 480 : index
    %get3A_453 = tpu.vector_load %arg5[%get3A_451, %get3A_452] {strides = array<i32>} : memref<26x512xi32, #tpu.memory_space<vmem>>, vector<1x16xi32>,
    %get3A_454 = vector.shape_cast %get3A_453 : vector<1x16xi32> to vector<16xi32>
    %add3A_455 = arith.constant 0 : i32
    %add3A_456 = vector.broadcast %add3A_455 : i32 to vector<16xi32>
    %add3A_457 = arith.addi %get3A_454, %add3A_456 : vector<16xi32>
    %swap3A_458 = arith.constant 0 : i32
    %swap3A_459 = arith.index_cast %swap3A_458 : i32 to index
    %swap3A_460 = arith.constant 480 : index
    %swap3A_461 = tpu.vector_load %arg5[%swap3A_459, %swap3A_460] {strides = array<i32>} : memref<26x512xi32, #tpu.memory_space<vmem>>, vector<1x16xi32>,
    %swap3A_462 = vector.shape_cast %swap3A_461 : vector<1x16xi32> to vector<16xi32>
    %swap3A_463 = vector.shape_cast %add3A_457 : vector<16xi32> to vector<1x16xi32>
    tpu.vector_store %arg5[%swap3A_459, %swap3A_460], %swap3A_463 {strides = array<i32>} : memref<26x512xi32, #tpu.memory_space<vmem>>, vector<1x16xi32>,
    %get3A_464 = arith.constant 0 : i32
    %get3A_465 = arith.index_cast %get3A_464 : i32 to index
    %get3A_466 = arith.constant 496 : index
    %get3A_467 = tpu.vector_load %arg5[%get3A_465, %get3A_466] {strides = array<i32>} : memref<26x512xi32, #tpu.memory_space<vmem>>, vector<1x16xi32>,
    %get3A_468 = vector.shape_cast %get3A_467 : vector<1x16xi32> to vector<16xi32>
    %add3A_469 = arith.constant 0 : i32
    %add3A_470 = vector.broadcast %add3A_469 : i32 to vector<16xi32>
    %add3A_471 = arith.addi %get3A_468, %add3A_470 : vector<16xi32>
    %swap3A_472 = arith.constant 0 : i32
    %swap3A_473 = arith.index_cast %swap3A_472 : i32 to index
    %swap3A_474 = arith.constant 496 : index
    %swap3A_475 = tpu.vector_load %arg5[%swap3A_473, %swap3A_474] {strides = array<i32>} : memref<26x512xi32, #tpu.memory_space<vmem>>, vector<1x16xi32>,
    %swap3A_476 = vector.shape_cast %swap3A_475 : vector<1x16xi32> to vector<16xi32>
    %swap3A_477 = vector.shape_cast %add3A_471 : vector<16xi32> to vector<1x16xi32>
    tpu.vector_store %arg5[%swap3A_473, %swap3A_474], %swap3A_477 {strides = array<i32>} : memref<26x512xi32, #tpu.memory_space<vmem>>, vector<1x16xi32>,
    %dma_start3A_478 = arith.constant 0 : i32
    %dma_start3A_479 = arith.constant 0 : i32
    %dma_start3A_480 = arith.constant 0 : i32
    %dma_start3A_481 = tpu.memref_slice %arg9[%dma_start3A_479, %dma_start3A_480] : memref<128x128xf32, #tpu.memory_space<vmem>> -> memref<128x128xf32, #tpu.memory_space<vmem>>
    %dma_start3A_482 = arith.constant 384 : i32
    %dma_start3A_483 = tpu.memref_slice %arg5[%dma_start3A_478, %dma_start3A_482] : memref<26x512xi32, #tpu.memory_space<vmem>> -> memref<1x128xi32, #tpu.memory_space<vmem>>
    %dma_start3A_484 = tpu.memref_squeeze %dma_start3A_483 : memref<1x128xi32, #tpu.memory_space<vmem>> -> memref<128xi32, #tpu.memory_space<vmem>>
    %dma_start3A_485 = arith.constant 0 : i32
    %dma_start3A_486 = arith.constant 0 : i32
    %dma_start3A_487 = tpu.memref_slice %arg2[%dma_start3A_485, %dma_start3A_486] : memref<2600000x128xf32, #tpu.memory_space<hbm>> -> memref<2600000x128xf32, #tpu.memory_space<hbm>>
    tpu.enqueue_indirect_dma source(%dma_start3A_487 : memref<2600000x128xf32, #tpu.memory_space<hbm>>) target(%dma_start3A_481 : memref<128x128xf32, #tpu.memory_space<vmem>>) offsets(%dma_start3A_484 : memref<128xi32, #tpu.memory_space<vmem>>) semaphore(%arg18 : memref<!tpu.dma_semaphore, #tpu.memory_space<semaphore_mem>>)
    %get3A_488 = arith.constant 1 : i32
    %get3A_489 = arith.index_cast %get3A_488 : i32 to index
    %get3A_490 = arith.constant 0 : index
    %get3A_491 = tpu.vector_load %arg5[%get3A_489, %get3A_490] {strides = array<i32>} : memref<26x512xi32, #tpu.memory_space<vmem>>, vector<1x16xi32>,
    %get3A_492 = vector.shape_cast %get3A_491 : vector<1x16xi32> to vector<16xi32>
    %add3A_493 = arith.constant 100000 : i32
    %add3A_494 = vector.broadcast %add3A_493 : i32 to vector<16xi32>
    %add3A_495 = arith.addi %get3A_492, %add3A_494 : vector<16xi32>
    %swap3A_496 = arith.constant 1 : i32
    %swap3A_497 = arith.index_cast %swap3A_496 : i32 to index
    %swap3A_498 = arith.constant 0 : index
    %swap3A_499 = tpu.vector_load %arg5[%swap3A_497, %swap3A_498] {strides = array<i32>} : memref<26x512xi32, #tpu.memory_space<vmem>>, vector<1x16xi32>,
    %swap3A_500 = vector.shape_cast %swap3A_499 : vector<1x16xi32> to vector<16xi32>
    %swap3A_501 = vector.shape_cast %add3A_495 : vector<16xi32> to vector<1x16xi32>
    tpu.vector_store %arg5[%swap3A_497, %swap3A_498], %swap3A_501 {strides = array<i32>} : memref<26x512xi32, #tpu.memory_space<vmem>>, vector<1x16xi32>,
    %get3A_502 = arith.constant 1 : i32
    %get3A_503 = arith.index_cast %get3A_502 : i32 to index
    %get3A_504 = arith.constant 16 : index
    %get3A_505 = tpu.vector_load %arg5[%get3A_503, %get3A_504] {strides = array<i32>} : memref<26x512xi32, #tpu.memory_space<vmem>>, vector<1x16xi32>,
    %get3A_506 = vector.shape_cast %get3A_505 : vector<1x16xi32> to vector<16xi32>
    %add3A_507 = arith.constant 100000 : i32
    %add3A_508 = vector.broadcast %add3A_507 : i32 to vector<16xi32>
    %add3A_509 = arith.addi %get3A_506, %add3A_508 : vector<16xi32>
    %swap3A_510 = arith.constant 1 : i32
    %swap3A_511 = arith.index_cast %swap3A_510 : i32 to index
    %swap3A_512 = arith.constant 16 : index
    %swap3A_513 = tpu.vector_load %arg5[%swap3A_511, %swap3A_512] {strides = array<i32>} : memref<26x512xi32, #tpu.memory_space<vmem>>, vector<1x16xi32>,
    %swap3A_514 = vector.shape_cast %swap3A_513 : vector<1x16xi32> to vector<16xi32>
    %swap3A_515 = vector.shape_cast %add3A_509 : vector<16xi32> to vector<1x16xi32>
    tpu.vector_store %arg5[%swap3A_511, %swap3A_512], %swap3A_515 {strides = array<i32>} : memref<26x512xi32, #tpu.memory_space<vmem>>, vector<1x16xi32>,
    %get3A_516 = arith.constant 1 : i32
    %get3A_517 = arith.index_cast %get3A_516 : i32 to index
    %get3A_518 = arith.constant 32 : index
    %get3A_519 = tpu.vector_load %arg5[%get3A_517, %get3A_518] {strides = array<i32>} : memref<26x512xi32, #tpu.memory_space<vmem>>, vector<1x16xi32>,
    %get3A_520 = vector.shape_cast %get3A_519 : vector<1x16xi32> to vector<16xi32>
    %add3A_521 = arith.constant 100000 : i32
    %add3A_522 = vector.broadcast %add3A_521 : i32 to vector<16xi32>
    %add3A_523 = arith.addi %get3A_520, %add3A_522 : vector<16xi32>
    %swap3A_524 = arith.constant 1 : i32
    %swap3A_525 = arith.index_cast %swap3A_524 : i32 to index
    %swap3A_526 = arith.constant 32 : index
    %swap3A_527 = tpu.vector_load %arg5[%swap3A_525, %swap3A_526] {strides = array<i32>} : memref<26x512xi32, #tpu.memory_space<vmem>>, vector<1x16xi32>,
    %swap3A_528 = vector.shape_cast %swap3A_527 : vector<1x16xi32> to vector<16xi32>
    %swap3A_529 = vector.shape_cast %add3A_523 : vector<16xi32> to vector<1x16xi32>
    tpu.vector_store %arg5[%swap3A_525, %swap3A_526], %swap3A_529 {strides = array<i32>} : memref<26x512xi32, #tpu.memory_space<vmem>>, vector<1x16xi32>,
    %get3A_530 = arith.constant 1 : i32
    %get3A_531 = arith.index_cast %get3A_530 : i32 to index
    %get3A_532 = arith.constant 48 : index
    %get3A_533 = tpu.vector_load %arg5[%get3A_531, %get3A_532] {strides = array<i32>} : memref<26x512xi32, #tpu.memory_space<vmem>>, vector<1x16xi32>,
    %get3A_534 = vector.shape_cast %get3A_533 : vector<1x16xi32> to vector<16xi32>
    %add3A_535 = arith.constant 100000 : i32
    %add3A_536 = vector.broadcast %add3A_535 : i32 to vector<16xi32>
    %add3A_537 = arith.addi %get3A_534, %add3A_536 : vector<16xi32>
    %swap3A_538 = arith.constant 1 : i32
    %swap3A_539 = arith.index_cast %swap3A_538 : i32 to index
    %swap3A_540 = arith.constant 48 : index
    %swap3A_541 = tpu.vector_load %arg5[%swap3A_539, %swap3A_540] {strides = array<i32>} : memref<26x512xi32, #tpu.memory_space<vmem>>, vector<1x16xi32>,
    %swap3A_542 = vector.shape_cast %swap3A_541 : vector<1x16xi32> to vector<16xi32>
    %swap3A_543 = vector.shape_cast %add3A_537 : vector<16xi32> to vector<1x16xi32>
    tpu.vector_store %arg5[%swap3A_539, %swap3A_540], %swap3A_543 {strides = array<i32>} : memref<26x512xi32, #tpu.memory_space<vmem>>, vector<1x16xi32>,
    %get3A_544 = arith.constant 1 : i32
    %get3A_545 = arith.index_cast %get3A_544 : i32 to index
    %get3A_546 = arith.constant 64 : index
    %get3A_547 = tpu.vector_load %arg5[%get3A_545, %get3A_546] {strides = array<i32>} : memref<26x512xi32, #tpu.memory_space<vmem>>, vector<1x16xi32>,
    %get3A_548 = vector.shape_cast %get3A_547 : vector<1x16xi32> to vector<16xi32>
    %add3A_549 = arith.constant 100000 : i32
    %add3A_550 = vector.broadcast %add3A_549 : i32 to vector<16xi32>
    %add3A_551 = arith.addi %get3A_548, %add3A_550 : vector<16xi32>
    %swap3A_552 = arith.constant 1 : i32
    %swap3A_553 = arith.index_cast %swap3A_552 : i32 to index
    %swap3A_554 = arith.constant 64 : index
    %swap3A_555 = tpu.vector_load %arg5[%swap3A_553, %swap3A_554] {strides = array<i32>} : memref<26x512xi32, #tpu.memory_space<vmem>>, vector<1x16xi32>,
    %swap3A_556 = vector.shape_cast %swap3A_555 : vector<1x16xi32> to vector<16xi32>
    %swap3A_557 = vector.shape_cast %add3A_551 : vector<16xi32> to vector<1x16xi32>
    tpu.vector_store %arg5[%swap3A_553, %swap3A_554], %swap3A_557 {strides = array<i32>} : memref<26x512xi32, #tpu.memory_space<vmem>>, vector<1x16xi32>,
    %get3A_558 = arith.constant 1 : i32
    %get3A_559 = arith.index_cast %get3A_558 : i32 to index
    %get3A_560 = arith.constant 80 : index
    %get3A_561 = tpu.vector_load %arg5[%get3A_559, %get3A_560] {strides = array<i32>} : memref<26x512xi32, #tpu.memory_space<vmem>>, vector<1x16xi32>,
    %get3A_562 = vector.shape_cast %get3A_561 : vector<1x16xi32> to vector<16xi32>
    %add3A_563 = arith.constant 100000 : i32
    %add3A_564 = vector.broadcast %add3A_563 : i32 to vector<16xi32>
    %add3A_565 = arith.addi %get3A_562, %add3A_564 : vector<16xi32>
    %swap3A_566 = arith.constant 1 : i32
    %swap3A_567 = arith.index_cast %swap3A_566 : i32 to index
    %swap3A_568 = arith.constant 80 : index
    %swap3A_569 = tpu.vector_load %arg5[%swap3A_567, %swap3A_568] {strides = array<i32>} : memref<26x512xi32, #tpu.memory_space<vmem>>, vector<1x16xi32>,
    %swap3A_570 = vector.shape_cast %swap3A_569 : vector<1x16xi32> to vector<16xi32>
    %swap3A_571 = vector.shape_cast %add3A_565 : vector<16xi32> to vector<1x16xi32>
    tpu.vector_store %arg5[%swap3A_567, %swap3A_568], %swap3A_571 {strides = array<i32>} : memref<26x512xi32, #tpu.memory_space<vmem>>, vector<1x16xi32>,
    %get3A_572 = arith.constant 1 : i32
    %get3A_573 = arith.index_cast %get3A_572 : i32 to index
    %get3A_574 = arith.constant 96 : index
    %get3A_575 = tpu.vector_load %arg5[%get3A_573, %get3A_574] {strides = array<i32>} : memref<26x512xi32, #tpu.memory_space<vmem>>, vector<1x16xi32>,
    %get3A_576 = vector.shape_cast %get3A_575 : vector<1x16xi32> to vector<16xi32>
    %add3A_577 = arith.constant 100000 : i32
    %add3A_578 = vector.broadcast %add3A_577 : i32 to vector<16xi32>
    %add3A_579 = arith.addi %get3A_576, %add3A_578 : vector<16xi32>
    %swap3A_580 = arith.constant 1 : i32
    %swap3A_581 = arith.index_cast %swap3A_580 : i32 to index
    %swap3A_582 = arith.constant 96 : index
    %swap3A_583 = tpu.vector_load %arg5[%swap3A_581, %swap3A_582] {strides = array<i32>} : memref<26x512xi32, #tpu.memory_space<vmem>>, vector<1x16xi32>,
    %swap3A_584 = vector.shape_cast %swap3A_583 : vector<1x16xi32> to vector<16xi32>
    %swap3A_585 = vector.shape_cast %add3A_579 : vector<16xi32> to vector<1x16xi32>
    tpu.vector_store %arg5[%swap3A_581, %swap3A_582], %swap3A_585 {strides = array<i32>} : memref<26x512xi32, #tpu.memory_space<vmem>>, vector<1x16xi32>,
    %get3A_586 = arith.constant 1 : i32
    %get3A_587 = arith.index_cast %get3A_586 : i32 to index
    %get3A_588 = arith.constant 112 : index
    %get3A_589 = tpu.vector_load %arg5[%get3A_587, %get3A_588] {strides = array<i32>} : memref<26x512xi32, #tpu.memory_space<vmem>>, vector<1x16xi32>,
    %get3A_590 = vector.shape_cast %get3A_589 : vector<1x16xi32> to vector<16xi32>
    %add3A_591 = arith.constant 100000 : i32
    %add3A_592 = vector.broadcast %add3A_591 : i32 to vector<16xi32>
    %add3A_593 = arith.addi %get3A_590, %add3A_592 : vector<16xi32>
    %swap3A_594 = arith.constant 1 : i32
    %swap3A_595 = arith.index_cast %swap3A_594 : i32 to index
    %swap3A_596 = arith.constant 112 : index
    %swap3A_597 = tpu.vector_load %arg5[%swap3A_595, %swap3A_596] {strides = array<i32>} : memref<26x512xi32, #tpu.memory_space<vmem>>, vector<1x16xi32>,
    %swap3A_598 = vector.shape_cast %swap3A_597 : vector<1x16xi32> to vector<16xi32>
    %swap3A_599 = vector.shape_cast %add3A_593 : vector<16xi32> to vector<1x16xi32>
    tpu.vector_store %arg5[%swap3A_595, %swap3A_596], %swap3A_599 {strides = array<i32>} : memref<26x512xi32, #tpu.memory_space<vmem>>, vector<1x16xi32>,
    %dma_start3A_600 = arith.constant 1 : i32
    %dma_start3A_601 = arith.constant 0 : i32
    %dma_start3A_602 = arith.constant 0 : i32
    %dma_start3A_603 = tpu.memref_slice %arg10[%dma_start3A_601, %dma_start3A_602] : memref<128x128xf32, #tpu.memory_space<vmem>> -> memref<128x128xf32, #tpu.memory_space<vmem>>
    %dma_start3A_604 = arith.constant 0 : i32
    %dma_start3A_605 = tpu.memref_slice %arg5[%dma_start3A_600, %dma_start3A_604] : memref<26x512xi32, #tpu.memory_space<vmem>> -> memref<1x128xi32, #tpu.memory_space<vmem>>
    %dma_start3A_606 = tpu.memref_squeeze %dma_start3A_605 : memref<1x128xi32, #tpu.memory_space<vmem>> -> memref<128xi32, #tpu.memory_space<vmem>>
    %dma_start3A_607 = arith.constant 0 : i32
    %dma_start3A_608 = arith.constant 0 : i32
    %dma_start3A_609 = tpu.memref_slice %arg2[%dma_start3A_607, %dma_start3A_608] : memref<2600000x128xf32, #tpu.memory_space<hbm>> -> memref<2600000x128xf32, #tpu.memory_space<hbm>>
    tpu.enqueue_indirect_dma source(%dma_start3A_609 : memref<2600000x128xf32, #tpu.memory_space<hbm>>) target(%dma_start3A_603 : memref<128x128xf32, #tpu.memory_space<vmem>>) offsets(%dma_start3A_606 : memref<128xi32, #tpu.memory_space<vmem>>) semaphore(%arg20 : memref<!tpu.dma_semaphore, #tpu.memory_space<semaphore_mem>>)
    %get3A_610 = arith.constant 1 : i32
    %get3A_611 = arith.index_cast %get3A_610 : i32 to index
    %get3A_612 = arith.constant 128 : index
    %get3A_613 = tpu.vector_load %arg5[%get3A_611, %get3A_612] {strides = array<i32>} : memref<26x512xi32, #tpu.memory_space<vmem>>, vector<1x16xi32>,
    %get3A_614 = vector.shape_cast %get3A_613 : vector<1x16xi32> to vector<16xi32>
    %add3A_615 = arith.constant 100000 : i32
    %add3A_616 = vector.broadcast %add3A_615 : i32 to vector<16xi32>
    %add3A_617 = arith.addi %get3A_614, %add3A_616 : vector<16xi32>
    %swap3A_618 = arith.constant 1 : i32
    %swap3A_619 = arith.index_cast %swap3A_618 : i32 to index
    %swap3A_620 = arith.constant 128 : index
    %swap3A_621 = tpu.vector_load %arg5[%swap3A_619, %swap3A_620] {strides = array<i32>} : memref<26x512xi32, #tpu.memory_space<vmem>>, vector<1x16xi32>,
    %swap3A_622 = vector.shape_cast %swap3A_621 : vector<1x16xi32> to vector<16xi32>
    %swap3A_623 = vector.shape_cast %add3A_617 : vector<16xi32> to vector<1x16xi32>
    tpu.vector_store %arg5[%swap3A_619, %swap3A_620], %swap3A_623 {strides = array<i32>} : memref<26x512xi32, #tpu.memory_space<vmem>>, vector<1x16xi32>,
    %get3A_624 = arith.constant 1 : i32
    %get3A_625 = arith.index_cast %get3A_624 : i32 to index
    %get3A_626 = arith.constant 144 : index
    %get3A_627 = tpu.vector_load %arg5[%get3A_625, %get3A_626] {strides = array<i32>} : memref<26x512xi32, #tpu.memory_space<vmem>>, vector<1x16xi32>,
    %get3A_628 = vector.shape_cast %get3A_627 : vector<1x16xi32> to vector<16xi32>
    %add3A_629 = arith.constant 100000 : i32
    %add3A_630 = vector.broadcast %add3A_629 : i32 to vector<16xi32>
    %add3A_631 = arith.addi %get3A_628, %add3A_630 : vector<16xi32>
    %swap3A_632 = arith.constant 1 : i32
    %swap3A_633 = arith.index_cast %swap3A_632 : i32 to index
    %swap3A_634 = arith.constant 144 : index
    %swap3A_635 = tpu.vector_load %arg5[%swap3A_633, %swap3A_634] {strides = array<i32>} : memref<26x512xi32, #tpu.memory_space<vmem>>, vector<1x16xi32>,
    %swap3A_636 = vector.shape_cast %swap3A_635 : vector<1x16xi32> to vector<16xi32>
    %swap3A_637 = vector.shape_cast %add3A_631 : vector<16xi32> to vector<1x16xi32>
    tpu.vector_store %arg5[%swap3A_633, %swap3A_634], %swap3A_637 {strides = array<i32>} : memref<26x512xi32, #tpu.memory_space<vmem>>, vector<1x16xi32>,
    %get3A_638 = arith.constant 1 : i32
    %get3A_639 = arith.index_cast %get3A_638 : i32 to index
    %get3A_640 = arith.constant 160 : index
    %get3A_641 = tpu.vector_load %arg5[%get3A_639, %get3A_640] {strides = array<i32>} : memref<26x512xi32, #tpu.memory_space<vmem>>, vector<1x16xi32>,
    %get3A_642 = vector.shape_cast %get3A_641 : vector<1x16xi32> to vector<16xi32>
    %add3A_643 = arith.constant 100000 : i32
    %add3A_644 = vector.broadcast %add3A_643 : i32 to vector<16xi32>
    %add3A_645 = arith.addi %get3A_642, %add3A_644 : vector<16xi32>
    %swap3A_646 = arith.constant 1 : i32
    %swap3A_647 = arith.index_cast %swap3A_646 : i32 to index
    %swap3A_648 = arith.constant 160 : index
    %swap3A_649 = tpu.vector_load %arg5[%swap3A_647, %swap3A_648] {strides = array<i32>} : memref<26x512xi32, #tpu.memory_space<vmem>>, vector<1x16xi32>,
    %swap3A_650 = vector.shape_cast %swap3A_649 : vector<1x16xi32> to vector<16xi32>
    %swap3A_651 = vector.shape_cast %add3A_645 : vector<16xi32> to vector<1x16xi32>
    tpu.vector_store %arg5[%swap3A_647, %swap3A_648], %swap3A_651 {strides = array<i32>} : memref<26x512xi32, #tpu.memory_space<vmem>>, vector<1x16xi32>,
    %get3A_652 = arith.constant 1 : i32
    %get3A_653 = arith.index_cast %get3A_652 : i32 to index
    %get3A_654 = arith.constant 176 : index
    %get3A_655 = tpu.vector_load %arg5[%get3A_653, %get3A_654] {strides = array<i32>} : memref<26x512xi32, #tpu.memory_space<vmem>>, vector<1x16xi32>,
    %get3A_656 = vector.shape_cast %get3A_655 : vector<1x16xi32> to vector<16xi32>
    %add3A_657 = arith.constant 100000 : i32
    %add3A_658 = vector.broadcast %add3A_657 : i32 to vector<16xi32>
    %add3A_659 = arith.addi %get3A_656, %add3A_658 : vector<16xi32>
    %swap3A_660 = arith.constant 1 : i32
    %swap3A_661 = arith.index_cast %swap3A_660 : i32 to index
    %swap3A_662 = arith.constant 176 : index
    %swap3A_663 = tpu.vector_load %arg5[%swap3A_661, %swap3A_662] {strides = array<i32>} : memref<26x512xi32, #tpu.memory_space<vmem>>, vector<1x16xi32>,
    %swap3A_664 = vector.shape_cast %swap3A_663 : vector<1x16xi32> to vector<16xi32>
    %swap3A_665 = vector.shape_cast %add3A_659 : vector<16xi32> to vector<1x16xi32>
    tpu.vector_store %arg5[%swap3A_661, %swap3A_662], %swap3A_665 {strides = array<i32>} : memref<26x512xi32, #tpu.memory_space<vmem>>, vector<1x16xi32>,
    %get3A_666 = arith.constant 1 : i32
    %get3A_667 = arith.index_cast %get3A_666 : i32 to index
    %get3A_668 = arith.constant 192 : index
    %get3A_669 = tpu.vector_load %arg5[%get3A_667, %get3A_668] {strides = array<i32>} : memref<26x512xi32, #tpu.memory_space<vmem>>, vector<1x16xi32>,
    %get3A_670 = vector.shape_cast %get3A_669 : vector<1x16xi32> to vector<16xi32>
    %add3A_671 = arith.constant 100000 : i32
    %add3A_672 = vector.broadcast %add3A_671 : i32 to vector<16xi32>
    %add3A_673 = arith.addi %get3A_670, %add3A_672 : vector<16xi32>
    %swap3A_674 = arith.constant 1 : i32
    %swap3A_675 = arith.index_cast %swap3A_674 : i32 to index
    %swap3A_676 = arith.constant 192 : index
    %swap3A_677 = tpu.vector_load %arg5[%swap3A_675, %swap3A_676] {strides = array<i32>} : memref<26x512xi32, #tpu.memory_space<vmem>>, vector<1x16xi32>,
    %swap3A_678 = vector.shape_cast %swap3A_677 : vector<1x16xi32> to vector<16xi32>
    %swap3A_679 = vector.shape_cast %add3A_673 : vector<16xi32> to vector<1x16xi32>
    tpu.vector_store %arg5[%swap3A_675, %swap3A_676], %swap3A_679 {strides = array<i32>} : memref<26x512xi32, #tpu.memory_space<vmem>>, vector<1x16xi32>,
    %get3A_680 = arith.constant 1 : i32
    %get3A_681 = arith.index_cast %get3A_680 : i32 to index
    %get3A_682 = arith.constant 208 : index
    %get3A_683 = tpu.vector_load %arg5[%get3A_681, %get3A_682] {strides = array<i32>} : memref<26x512xi32, #tpu.memory_space<vmem>>, vector<1x16xi32>,
    %get3A_684 = vector.shape_cast %get3A_683 : vector<1x16xi32> to vector<16xi32>
    %add3A_685 = arith.constant 100000 : i32
    %add3A_686 = vector.broadcast %add3A_685 : i32 to vector<16xi32>
    %add3A_687 = arith.addi %get3A_684, %add3A_686 : vector<16xi32>
    %swap3A_688 = arith.constant 1 : i32
    %swap3A_689 = arith.index_cast %swap3A_688 : i32 to index
    %swap3A_690 = arith.constant 208 : index
    %swap3A_691 = tpu.vector_load %arg5[%swap3A_689, %swap3A_690] {strides = array<i32>} : memref<26x512xi32, #tpu.memory_space<vmem>>, vector<1x16xi32>,
    %swap3A_692 = vector.shape_cast %swap3A_691 : vector<1x16xi32> to vector<16xi32>
    %swap3A_693 = vector.shape_cast %add3A_687 : vector<16xi32> to vector<1x16xi32>
    tpu.vector_store %arg5[%swap3A_689, %swap3A_690], %swap3A_693 {strides = array<i32>} : memref<26x512xi32, #tpu.memory_space<vmem>>, vector<1x16xi32>,
    %get3A_694 = arith.constant 1 : i32
    %get3A_695 = arith.index_cast %get3A_694 : i32 to index
    %get3A_696 = arith.constant 224 : index
    %get3A_697 = tpu.vector_load %arg5[%get3A_695, %get3A_696] {strides = array<i32>} : memref<26x512xi32, #tpu.memory_space<vmem>>, vector<1x16xi32>,
    %get3A_698 = vector.shape_cast %get3A_697 : vector<1x16xi32> to vector<16xi32>
    %add3A_699 = arith.constant 100000 : i32
    %add3A_700 = vector.broadcast %add3A_699 : i32 to vector<16xi32>
    %add3A_701 = arith.addi %get3A_698, %add3A_700 : vector<16xi32>
    %swap3A_702 = arith.constant 1 : i32
    %swap3A_703 = arith.index_cast %swap3A_702 : i32 to index
    %swap3A_704 = arith.constant 224 : index
    %swap3A_705 = tpu.vector_load %arg5[%swap3A_703, %swap3A_704] {strides = array<i32>} : memref<26x512xi32, #tpu.memory_space<vmem>>, vector<1x16xi32>,
    %swap3A_706 = vector.shape_cast %swap3A_705 : vector<1x16xi32> to vector<16xi32>
    %swap3A_707 = vector.shape_cast %add3A_701 : vector<16xi32> to vector<1x16xi32>
    tpu.vector_store %arg5[%swap3A_703, %swap3A_704], %swap3A_707 {strides = array<i32>} : memref<26x512xi32, #tpu.memory_space<vmem>>, vector<1x16xi32>,
    %get3A_708 = arith.constant 1 : i32
    %get3A_709 = arith.index_cast %get3A_708 : i32 to index
    %get3A_710 = arith.constant 240 : index
    %get3A_711 = tpu.vector_load %arg5[%get3A_709, %get3A_710] {strides = array<i32>} : memref<26x512xi32, #tpu.memory_space<vmem>>, vector<1x16xi32>,
    %get3A_712 = vector.shape_cast %get3A_711 : vector<1x16xi32> to vector<16xi32>
    %add3A_713 = arith.constant 100000 : i32
    %add3A_714 = vector.broadcast %add3A_713 : i32 to vector<16xi32>
    %add3A_715 = arith.addi %get3A_712, %add3A_714 : vector<16xi32>
    %swap3A_716 = arith.constant 1 : i32
    %swap3A_717 = arith.index_cast %swap3A_716 : i32 to index
    %swap3A_718 = arith.constant 240 : index
    %swap3A_719 = tpu.vector_load %arg5[%swap3A_717, %swap3A_718] {strides = array<i32>} : memref<26x512xi32, #tpu.memory_space<vmem>>, vector<1x16xi32>,
    %swap3A_720 = vector.shape_cast %swap3A_719 : vector<1x16xi32> to vector<16xi32>
    %swap3A_721 = vector.shape_cast %add3A_715 : vector<16xi32> to vector<1x16xi32>
    tpu.vector_store %arg5[%swap3A_717, %swap3A_718], %swap3A_721 {strides = array<i32>} : memref<26x512xi32, #tpu.memory_space<vmem>>, vector<1x16xi32>,
    %dma_start3A_722 = arith.constant 1 : i32
    %dma_start3A_723 = arith.constant 0 : i32
    %dma_start3A_724 = arith.constant 0 : i32
    %dma_start3A_725 = tpu.memref_slice %arg11[%dma_start3A_723, %dma_start3A_724] : memref<128x128xf32, #tpu.memory_space<vmem>> -> memref<128x128xf32, #tpu.memory_space<vmem>>
    %dma_start3A_726 = arith.constant 128 : i32
    %dma_start3A_727 = tpu.memref_slice %arg5[%dma_start3A_722, %dma_start3A_726] : memref<26x512xi32, #tpu.memory_space<vmem>> -> memref<1x128xi32, #tpu.memory_space<vmem>>
    %dma_start3A_728 = tpu.memref_squeeze %dma_start3A_727 : memref<1x128xi32, #tpu.memory_space<vmem>> -> memref<128xi32, #tpu.memory_space<vmem>>
    %dma_start3A_729 = arith.constant 0 : i32
    %dma_start3A_730 = arith.constant 0 : i32
    %dma_start3A_731 = tpu.memref_slice %arg2[%dma_start3A_729, %dma_start3A_730] : memref<2600000x128xf32, #tpu.memory_space<hbm>> -> memref<2600000x128xf32, #tpu.memory_space<hbm>>
    tpu.enqueue_indirect_dma source(%dma_start3A_731 : memref<2600000x128xf32, #tpu.memory_space<hbm>>) target(%dma_start3A_725 : memref<128x128xf32, #tpu.memory_space<vmem>>) offsets(%dma_start3A_728 : memref<128xi32, #tpu.memory_space<vmem>>) semaphore(%arg22 : memref<!tpu.dma_semaphore, #tpu.memory_space<semaphore_mem>>)
    %scan3A = arith.constant 0 : i32
    %scan3A_732 = arith.constant 0 : i32
    %scan3A_733 = arith.constant 16 : i32
    %scan3A_734 = arith.addi %scan3A_732, %scan3A_733 : i32
    %scan3A_735 = arith.constant 1 : i32
    scf.for %scan3A_1172 = %scan3A_732 to %scan3A_734 step %scan3A_735  : i32 {
      %mul3A_1173 = arith.constant 6 : i32
      %mul3A_1174 = arith.muli %mul3A_1173, %scan3A_1172 : i32
      %dma_wait3A_1175 = arith.constant 0 : i32
      %dma_wait3A_1176 = arith.constant 0 : i32
      %dma_wait3A_1177 = tpu.memref_slice %arg2[%dma_wait3A_1175, %dma_wait3A_1176] : memref<2600000x128xf32, #tpu.memory_space<hbm>> -> memref<128x128xf32, #tpu.memory_space<hbm>>
      %dma_wait3A_1178 = arith.constant 0 : i32
      %dma_wait3A_1179 = arith.constant 0 : i32
      %dma_wait3A_1180 = tpu.memref_slice %arg2[%dma_wait3A_1178, %dma_wait3A_1179] : memref<2600000x128xf32, #tpu.memory_space<hbm>> -> memref<128x128xf32, #tpu.memory_space<hbm>>
      tpu.wait_dma2 semaphore(%arg12 : memref<!tpu.dma_semaphore, #tpu.memory_space<semaphore_mem>>) src(%dma_wait3A_1180 : memref<128x128xf32, #tpu.memory_space<hbm>>) dst(%arg6 : memref<128x128xf32, #tpu.memory_space<vmem>>)
      %add3A_1181 = arith.constant 0 : i32
      %add3A_1182 = arith.addi %mul3A_1174, %add3A_1181 : i32
      %jit3A = arith.constant 4 : i32
      %div3A = arith.divsi %add3A_1182, %jit3A : i32
      %sign3A = arith.constant 0 : i32
      %sign3A_1183 = arith.cmpi sgt, %add3A_1182, %sign3A : i32
      %sign3A_1184 = arith.extui %sign3A_1183 : i1 to i32
      %sign3A_1185 = arith.constant 0 : i32
      %sign3A_1186 = arith.cmpi slt, %add3A_1182, %sign3A_1185 : i32
      %sign3A_1187 = arith.extui %sign3A_1186 : i1 to i32
      %sign3A_1188 = arith.subi %sign3A_1184, %sign3A_1187 : i32
      %sign3A_1189 = arith.constant 0 : i32
      %sign3A_1190 = arith.cmpi sgt, %jit3A, %sign3A_1189 : i32
      %sign3A_1191 = arith.extui %sign3A_1190 : i1 to i32
      %sign3A_1192 = arith.constant 0 : i32
      %sign3A_1193 = arith.cmpi slt, %jit3A, %sign3A_1192 : i32
      %sign3A_1194 = arith.extui %sign3A_1193 : i1 to i32
      %sign3A_1195 = arith.subi %sign3A_1191, %sign3A_1194 : i32
      %ne3A = arith.cmpi ne, %sign3A_1188, %sign3A_1195 : i32
      %rem3A = arith.remsi %add3A_1182, %jit3A : i32
      %ne3A_1196 = arith.constant 0 : i32
      %ne3A_1197 = arith.cmpi ne, %rem3A, %ne3A_1196 : i32
      %and3A = arith.andi %ne3A, %ne3A_1197 : i1
      %sub3A = arith.constant 1 : i32
      %sub3A_1198 = arith.subi %div3A, %sub3A : i32
      %select_n3A = arith.select %and3A, %sub3A_1198, %div3A : i32
      %jit3A_1199 = arith.constant 4 : i32
      %eq3A = arith.constant 0 : i32
      %eq3A_1200 = arith.cmpi eq, %jit3A_1199, %eq3A : i32
      %jit3A_1201 = arith.constant 1 : i32
      %select_n3A_1202 = arith.select %eq3A_1200, %jit3A_1201, %jit3A_1199 : i32
      %rem3A_1203 = arith.remsi %add3A_1182, %select_n3A_1202 : i32
      %ne3A_1204 = arith.constant 0 : i32
      %ne3A_1205 = arith.cmpi ne, %rem3A_1203, %ne3A_1204 : i32
      %lt3A = arith.constant 0 : i32
      %lt3A_1206 = arith.cmpi slt, %rem3A_1203, %lt3A : i32
      %lt3A_1207 = arith.constant 0 : i32
      %lt3A_1208 = arith.cmpi slt, %select_n3A_1202, %lt3A_1207 : i32
      %ne3A_1209 = arith.xori %lt3A_1206, %lt3A_1208 : i1
      %and3A_1210 = arith.andi %ne3A_1209, %ne3A_1205 : i1
      %add3A_1211 = arith.addi %rem3A_1203, %select_n3A_1202 : i32
      %select_n3A_1212 = arith.select %and3A_1210, %add3A_1211, %rem3A_1203 : i32
      %add3A_1213 = arith.constant 1 : i32
      %add3A_1214 = arith.addi %add3A_1213, %select_n3A : i32
      %mul3A_1215 = arith.constant 128 : i32
      %mul3A_1216 = arith.muli %select_n3A_1212, %mul3A_1215 : i32
      %add3A_1217 = arith.addi %mul3A_2, %mul3A_1216 : i32
      %dma_start3A_1218 = arith.constant 0 : i32
      %dma_start3A_1219 = tpu.memref_slice %arg4[%add3A_1214, %add3A_1217, %dma_start3A_1218] : memref<27x16384x128xf32, #tpu.memory_space<hbm>> -> memref<1x128x128xf32, #tpu.memory_space<hbm>>
      %dma_start3A_1220 = tpu.memref_squeeze %dma_start3A_1219 : memref<1x128x128xf32, #tpu.memory_space<hbm>> -> memref<128x128xf32, #tpu.memory_space<hbm>>
      %dma_start3A_1221 = arith.constant 0 : i32
      %dma_start3A_1222 = tpu.memref_slice %arg4[%add3A_1214, %add3A_1217, %dma_start3A_1221] : memref<27x16384x128xf32, #tpu.memory_space<hbm>> -> memref<1x128x128xf32, #tpu.memory_space<hbm>>
      %dma_start3A_1223 = tpu.memref_squeeze %dma_start3A_1222 : memref<1x128x128xf32, #tpu.memory_space<hbm>> -> memref<128x128xf32, #tpu.memory_space<hbm>>
      tpu.enqueue_dma source(%arg6 : memref<128x128xf32, #tpu.memory_space<vmem>>) target(%dma_start3A_1223 : memref<128x128xf32, #tpu.memory_space<hbm>>) target_semaphore(%arg13 : memref<!tpu.dma_semaphore, #tpu.memory_space<semaphore_mem>>)
      %add3A_1224 = arith.constant 0 : i32
      %add3A_1225 = arith.addi %mul3A_1174, %add3A_1224 : i32
      %jit3A_1226 = arith.constant 4 : i32
      %div3A_1227 = arith.divsi %add3A_1225, %jit3A_1226 : i32
      %sign3A_1228 = arith.constant 0 : i32
      %sign3A_1229 = arith.cmpi sgt, %add3A_1225, %sign3A_1228 : i32
      %sign3A_1230 = arith.extui %sign3A_1229 : i1 to i32
      %sign3A_1231 = arith.constant 0 : i32
      %sign3A_1232 = arith.cmpi slt, %add3A_1225, %sign3A_1231 : i32
      %sign3A_1233 = arith.extui %sign3A_1232 : i1 to i32
      %sign3A_1234 = arith.subi %sign3A_1230, %sign3A_1233 : i32
      %sign3A_1235 = arith.constant 0 : i32
      %sign3A_1236 = arith.cmpi sgt, %jit3A_1226, %sign3A_1235 : i32
      %sign3A_1237 = arith.extui %sign3A_1236 : i1 to i32
      %sign3A_1238 = arith.constant 0 : i32
      %sign3A_1239 = arith.cmpi slt, %jit3A_1226, %sign3A_1238 : i32
      %sign3A_1240 = arith.extui %sign3A_1239 : i1 to i32
      %sign3A_1241 = arith.subi %sign3A_1237, %sign3A_1240 : i32
      %ne3A_1242 = arith.cmpi ne, %sign3A_1234, %sign3A_1241 : i32
      %rem3A_1243 = arith.remsi %add3A_1225, %jit3A_1226 : i32
      %ne3A_1244 = arith.constant 0 : i32
      %ne3A_1245 = arith.cmpi ne, %rem3A_1243, %ne3A_1244 : i32
      %and3A_1246 = arith.andi %ne3A_1242, %ne3A_1245 : i1
      %sub3A_1247 = arith.constant 1 : i32
      %sub3A_1248 = arith.subi %div3A_1227, %sub3A_1247 : i32
      %select_n3A_1249 = arith.select %and3A_1246, %sub3A_1248, %div3A_1227 : i32
      %jit3A_1250 = arith.constant 4 : i32
      %eq3A_1251 = arith.constant 0 : i32
      %eq3A_1252 = arith.cmpi eq, %jit3A_1250, %eq3A_1251 : i32
      %jit3A_1253 = arith.constant 1 : i32
      %select_n3A_1254 = arith.select %eq3A_1252, %jit3A_1253, %jit3A_1250 : i32
      %rem3A_1255 = arith.remsi %add3A_1225, %select_n3A_1254 : i32
      %ne3A_1256 = arith.constant 0 : i32
      %ne3A_1257 = arith.cmpi ne, %rem3A_1255, %ne3A_1256 : i32
      %lt3A_1258 = arith.constant 0 : i32
      %lt3A_1259 = arith.cmpi slt, %rem3A_1255, %lt3A_1258 : i32
      %lt3A_1260 = arith.constant 0 : i32
      %lt3A_1261 = arith.cmpi slt, %select_n3A_1254, %lt3A_1260 : i32
      %ne3A_1262 = arith.xori %lt3A_1259, %lt3A_1261 : i1
      %and3A_1263 = arith.andi %ne3A_1262, %ne3A_1257 : i1
      %add3A_1264 = arith.addi %rem3A_1255, %select_n3A_1254 : i32
      %select_n3A_1265 = arith.select %and3A_1263, %add3A_1264, %rem3A_1255 : i32
      %add3A_1266 = arith.constant 1 : i32
      %add3A_1267 = arith.addi %add3A_1266, %select_n3A_1249 : i32
      %mul3A_1268 = arith.constant 128 : i32
      %mul3A_1269 = arith.muli %select_n3A_1265, %mul3A_1268 : i32
      %add3A_1270 = arith.addi %mul3A_2, %mul3A_1269 : i32
      %dma_wait3A_1271 = arith.constant 0 : i32
      %dma_wait3A_1272 = tpu.memref_slice %arg4[%add3A_1267, %add3A_1270, %dma_wait3A_1271] : memref<27x16384x128xf32, #tpu.memory_space<hbm>> -> memref<1x128x128xf32, #tpu.memory_space<hbm>>
      %dma_wait3A_1273 = tpu.memref_squeeze %dma_wait3A_1272 : memref<1x128x128xf32, #tpu.memory_space<hbm>> -> memref<128x128xf32, #tpu.memory_space<hbm>>
      %dma_wait3A_1274 = arith.constant 0 : i32
      %dma_wait3A_1275 = tpu.memref_slice %arg4[%add3A_1267, %add3A_1270, %dma_wait3A_1274] : memref<27x16384x128xf32, #tpu.memory_space<hbm>> -> memref<1x128x128xf32, #tpu.memory_space<hbm>>
      %dma_wait3A_1276 = tpu.memref_squeeze %dma_wait3A_1275 : memref<1x128x128xf32, #tpu.memory_space<hbm>> -> memref<128x128xf32, #tpu.memory_space<hbm>>
      tpu.wait_dma2 semaphore(%arg13 : memref<!tpu.dma_semaphore, #tpu.memory_space<semaphore_mem>>) src(%arg6 : memref<128x128xf32, #tpu.memory_space<vmem>>) dst(%dma_wait3A_1276 : memref<128x128xf32, #tpu.memory_space<hbm>>)
      %add3A_1277 = arith.constant 0 : i32
      %add3A_1278 = arith.addi %mul3A_1174, %add3A_1277 : i32
      %add3A_1279 = arith.constant 6 : i32
      %add3A_1280 = arith.addi %add3A_1278, %add3A_1279 : i32
      %jit3A_1281 = arith.constant 4 : i32
      %div3A_1282 = arith.divsi %add3A_1280, %jit3A_1281 : i32
      %sign3A_1283 = arith.constant 0 : i32
      %sign3A_1284 = arith.cmpi sgt, %add3A_1280, %sign3A_1283 : i32
      %sign3A_1285 = arith.extui %sign3A_1284 : i1 to i32
      %sign3A_1286 = arith.constant 0 : i32
      %sign3A_1287 = arith.cmpi slt, %add3A_1280, %sign3A_1286 : i32
      %sign3A_1288 = arith.extui %sign3A_1287 : i1 to i32
      %sign3A_1289 = arith.subi %sign3A_1285, %sign3A_1288 : i32
      %sign3A_1290 = arith.constant 0 : i32
      %sign3A_1291 = arith.cmpi sgt, %jit3A_1281, %sign3A_1290 : i32
      %sign3A_1292 = arith.extui %sign3A_1291 : i1 to i32
      %sign3A_1293 = arith.constant 0 : i32
      %sign3A_1294 = arith.cmpi slt, %jit3A_1281, %sign3A_1293 : i32
      %sign3A_1295 = arith.extui %sign3A_1294 : i1 to i32
      %sign3A_1296 = arith.subi %sign3A_1292, %sign3A_1295 : i32
      %ne3A_1297 = arith.cmpi ne, %sign3A_1289, %sign3A_1296 : i32
      %rem3A_1298 = arith.remsi %add3A_1280, %jit3A_1281 : i32
      %ne3A_1299 = arith.constant 0 : i32
      %ne3A_1300 = arith.cmpi ne, %rem3A_1298, %ne3A_1299 : i32
      %and3A_1301 = arith.andi %ne3A_1297, %ne3A_1300 : i1
      %sub3A_1302 = arith.constant 1 : i32
      %sub3A_1303 = arith.subi %div3A_1282, %sub3A_1302 : i32
      %select_n3A_1304 = arith.select %and3A_1301, %sub3A_1303, %div3A_1282 : i32
      %jit3A_1305 = arith.constant 4 : i32
      %eq3A_1306 = arith.constant 0 : i32
      %eq3A_1307 = arith.cmpi eq, %jit3A_1305, %eq3A_1306 : i32
      %jit3A_1308 = arith.constant 1 : i32
      %select_n3A_1309 = arith.select %eq3A_1307, %jit3A_1308, %jit3A_1305 : i32
      %rem3A_1310 = arith.remsi %add3A_1280, %select_n3A_1309 : i32
      %ne3A_1311 = arith.constant 0 : i32
      %ne3A_1312 = arith.cmpi ne, %rem3A_1310, %ne3A_1311 : i32
      %lt3A_1313 = arith.constant 0 : i32
      %lt3A_1314 = arith.cmpi slt, %rem3A_1310, %lt3A_1313 : i32
      %lt3A_1315 = arith.constant 0 : i32
      %lt3A_1316 = arith.cmpi slt, %select_n3A_1309, %lt3A_1315 : i32
      %ne3A_1317 = arith.xori %lt3A_1314, %lt3A_1316 : i1
      %and3A_1318 = arith.andi %ne3A_1317, %ne3A_1312 : i1
      %add3A_1319 = arith.addi %rem3A_1310, %select_n3A_1309 : i32
      %select_n3A_1320 = arith.select %and3A_1318, %add3A_1319, %rem3A_1310 : i32
      %mul3A_1321 = arith.constant 128 : i32
      %mul3A_1322 = arith.muli %select_n3A_1320, %mul3A_1321 : i32
      %mul3A_1323 = arith.constant 100000 : i32
      %mul3A_1324 = arith.muli %select_n3A_1304, %mul3A_1323 : i32
      %add3A_1325 = arith.constant 0 : i32
      %add3A_1326 = arith.addi %mul3A_1322, %add3A_1325 : i32
      %get3A_1327 = arith.index_cast %select_n3A_1304 : i32 to index
      %get3A_1328 = arith.index_cast %add3A_1326 : i32 to index
      %get3A_1329 = tpu.vector_load %arg5[%get3A_1327, %get3A_1328] {strides = array<i32>} : memref<26x512xi32, #tpu.memory_space<vmem>>, vector<1x16xi32>,
      %get3A_1330 = vector.shape_cast %get3A_1329 : vector<1x16xi32> to vector<16xi32>
      %add3A_1331 = vector.broadcast %mul3A_1324 : i32 to vector<16xi32>
      %add3A_1332 = arith.addi %get3A_1330, %add3A_1331 : vector<16xi32>
      %swap3A_1333 = arith.index_cast %select_n3A_1304 : i32 to index
      %swap3A_1334 = arith.index_cast %add3A_1326 : i32 to index
      %swap3A_1335 = tpu.vector_load %arg5[%swap3A_1333, %swap3A_1334] {strides = array<i32>} : memref<26x512xi32, #tpu.memory_space<vmem>>, vector<1x16xi32>,
      %swap3A_1336 = vector.shape_cast %swap3A_1335 : vector<1x16xi32> to vector<16xi32>
      %swap3A_1337 = vector.shape_cast %add3A_1332 : vector<16xi32> to vector<1x16xi32>
      tpu.vector_store %arg5[%swap3A_1333, %swap3A_1334], %swap3A_1337 {strides = array<i32>} : memref<26x512xi32, #tpu.memory_space<vmem>>, vector<1x16xi32>,
      %add3A_1338 = arith.constant 16 : i32
      %add3A_1339 = arith.addi %mul3A_1322, %add3A_1338 : i32
      %get3A_1340 = arith.index_cast %select_n3A_1304 : i32 to index
      %get3A_1341 = arith.index_cast %add3A_1339 : i32 to index
      %get3A_1342 = tpu.vector_load %arg5[%get3A_1340, %get3A_1341] {strides = array<i32>} : memref<26x512xi32, #tpu.memory_space<vmem>>, vector<1x16xi32>,
      %get3A_1343 = vector.shape_cast %get3A_1342 : vector<1x16xi32> to vector<16xi32>
      %add3A_1344 = vector.broadcast %mul3A_1324 : i32 to vector<16xi32>
      %add3A_1345 = arith.addi %get3A_1343, %add3A_1344 : vector<16xi32>
      %swap3A_1346 = arith.index_cast %select_n3A_1304 : i32 to index
      %swap3A_1347 = arith.index_cast %add3A_1339 : i32 to index
      %swap3A_1348 = tpu.vector_load %arg5[%swap3A_1346, %swap3A_1347] {strides = array<i32>} : memref<26x512xi32, #tpu.memory_space<vmem>>, vector<1x16xi32>,
      %swap3A_1349 = vector.shape_cast %swap3A_1348 : vector<1x16xi32> to vector<16xi32>
      %swap3A_1350 = vector.shape_cast %add3A_1345 : vector<16xi32> to vector<1x16xi32>
      tpu.vector_store %arg5[%swap3A_1346, %swap3A_1347], %swap3A_1350 {strides = array<i32>} : memref<26x512xi32, #tpu.memory_space<vmem>>, vector<1x16xi32>,
      %add3A_1351 = arith.constant 32 : i32
      %add3A_1352 = arith.addi %mul3A_1322, %add3A_1351 : i32
      %get3A_1353 = arith.index_cast %select_n3A_1304 : i32 to index
      %get3A_1354 = arith.index_cast %add3A_1352 : i32 to index
      %get3A_1355 = tpu.vector_load %arg5[%get3A_1353, %get3A_1354] {strides = array<i32>} : memref<26x512xi32, #tpu.memory_space<vmem>>, vector<1x16xi32>,
      %get3A_1356 = vector.shape_cast %get3A_1355 : vector<1x16xi32> to vector<16xi32>
      %add3A_1357 = vector.broadcast %mul3A_1324 : i32 to vector<16xi32>
      %add3A_1358 = arith.addi %get3A_1356, %add3A_1357 : vector<16xi32>
      %swap3A_1359 = arith.index_cast %select_n3A_1304 : i32 to index
      %swap3A_1360 = arith.index_cast %add3A_1352 : i32 to index
      %swap3A_1361 = tpu.vector_load %arg5[%swap3A_1359, %swap3A_1360] {strides = array<i32>} : memref<26x512xi32, #tpu.memory_space<vmem>>, vector<1x16xi32>,
      %swap3A_1362 = vector.shape_cast %swap3A_1361 : vector<1x16xi32> to vector<16xi32>
      %swap3A_1363 = vector.shape_cast %add3A_1358 : vector<16xi32> to vector<1x16xi32>
      tpu.vector_store %arg5[%swap3A_1359, %swap3A_1360], %swap3A_1363 {strides = array<i32>} : memref<26x512xi32, #tpu.memory_space<vmem>>, vector<1x16xi32>,
      %add3A_1364 = arith.constant 48 : i32
      %add3A_1365 = arith.addi %mul3A_1322, %add3A_1364 : i32
      %get3A_1366 = arith.index_cast %select_n3A_1304 : i32 to index
      %get3A_1367 = arith.index_cast %add3A_1365 : i32 to index
      %get3A_1368 = tpu.vector_load %arg5[%get3A_1366, %get3A_1367] {strides = array<i32>} : memref<26x512xi32, #tpu.memory_space<vmem>>, vector<1x16xi32>,
      %get3A_1369 = vector.shape_cast %get3A_1368 : vector<1x16xi32> to vector<16xi32>
      %add3A_1370 = vector.broadcast %mul3A_1324 : i32 to vector<16xi32>
      %add3A_1371 = arith.addi %get3A_1369, %add3A_1370 : vector<16xi32>
      %swap3A_1372 = arith.index_cast %select_n3A_1304 : i32 to index
      %swap3A_1373 = arith.index_cast %add3A_1365 : i32 to index
      %swap3A_1374 = tpu.vector_load %arg5[%swap3A_1372, %swap3A_1373] {strides = array<i32>} : memref<26x512xi32, #tpu.memory_space<vmem>>, vector<1x16xi32>,
      %swap3A_1375 = vector.shape_cast %swap3A_1374 : vector<1x16xi32> to vector<16xi32>
      %swap3A_1376 = vector.shape_cast %add3A_1371 : vector<16xi32> to vector<1x16xi32>
      tpu.vector_store %arg5[%swap3A_1372, %swap3A_1373], %swap3A_1376 {strides = array<i32>} : memref<26x512xi32, #tpu.memory_space<vmem>>, vector<1x16xi32>,
      %add3A_1377 = arith.constant 64 : i32
      %add3A_1378 = arith.addi %mul3A_1322, %add3A_1377 : i32
      %get3A_1379 = arith.index_cast %select_n3A_1304 : i32 to index
      %get3A_1380 = arith.index_cast %add3A_1378 : i32 to index
      %get3A_1381 = tpu.vector_load %arg5[%get3A_1379, %get3A_1380] {strides = array<i32>} : memref<26x512xi32, #tpu.memory_space<vmem>>, vector<1x16xi32>,
      %get3A_1382 = vector.shape_cast %get3A_1381 : vector<1x16xi32> to vector<16xi32>
      %add3A_1383 = vector.broadcast %mul3A_1324 : i32 to vector<16xi32>
      %add3A_1384 = arith.addi %get3A_1382, %add3A_1383 : vector<16xi32>
      %swap3A_1385 = arith.index_cast %select_n3A_1304 : i32 to index
      %swap3A_1386 = arith.index_cast %add3A_1378 : i32 to index
      %swap3A_1387 = tpu.vector_load %arg5[%swap3A_1385, %swap3A_1386] {strides = array<i32>} : memref<26x512xi32, #tpu.memory_space<vmem>>, vector<1x16xi32>,
      %swap3A_1388 = vector.shape_cast %swap3A_1387 : vector<1x16xi32> to vector<16xi32>
      %swap3A_1389 = vector.shape_cast %add3A_1384 : vector<16xi32> to vector<1x16xi32>
      tpu.vector_store %arg5[%swap3A_1385, %swap3A_1386], %swap3A_1389 {strides = array<i32>} : memref<26x512xi32, #tpu.memory_space<vmem>>, vector<1x16xi32>,
      %add3A_1390 = arith.constant 80 : i32
      %add3A_1391 = arith.addi %mul3A_1322, %add3A_1390 : i32
      %get3A_1392 = arith.index_cast %select_n3A_1304 : i32 to index
      %get3A_1393 = arith.index_cast %add3A_1391 : i32 to index
      %get3A_1394 = tpu.vector_load %arg5[%get3A_1392, %get3A_1393] {strides = array<i32>} : memref<26x512xi32, #tpu.memory_space<vmem>>, vector<1x16xi32>,
      %get3A_1395 = vector.shape_cast %get3A_1394 : vector<1x16xi32> to vector<16xi32>
      %add3A_1396 = vector.broadcast %mul3A_1324 : i32 to vector<16xi32>
      %add3A_1397 = arith.addi %get3A_1395, %add3A_1396 : vector<16xi32>
      %swap3A_1398 = arith.index_cast %select_n3A_1304 : i32 to index
      %swap3A_1399 = arith.index_cast %add3A_1391 : i32 to index
      %swap3A_1400 = tpu.vector_load %arg5[%swap3A_1398, %swap3A_1399] {strides = array<i32>} : memref<26x512xi32, #tpu.memory_space<vmem>>, vector<1x16xi32>,
      %swap3A_1401 = vector.shape_cast %swap3A_1400 : vector<1x16xi32> to vector<16xi32>
      %swap3A_1402 = vector.shape_cast %add3A_1397 : vector<16xi32> to vector<1x16xi32>
      tpu.vector_store %arg5[%swap3A_1398, %swap3A_1399], %swap3A_1402 {strides = array<i32>} : memref<26x512xi32, #tpu.memory_space<vmem>>, vector<1x16xi32>,
      %add3A_1403 = arith.constant 96 : i32
      %add3A_1404 = arith.addi %mul3A_1322, %add3A_1403 : i32
      %get3A_1405 = arith.index_cast %select_n3A_1304 : i32 to index
      %get3A_1406 = arith.index_cast %add3A_1404 : i32 to index
      %get3A_1407 = tpu.vector_load %arg5[%get3A_1405, %get3A_1406] {strides = array<i32>} : memref<26x512xi32, #tpu.memory_space<vmem>>, vector<1x16xi32>,
      %get3A_1408 = vector.shape_cast %get3A_1407 : vector<1x16xi32> to vector<16xi32>
      %add3A_1409 = vector.broadcast %mul3A_1324 : i32 to vector<16xi32>
      %add3A_1410 = arith.addi %get3A_1408, %add3A_1409 : vector<16xi32>
      %swap3A_1411 = arith.index_cast %select_n3A_1304 : i32 to index
      %swap3A_1412 = arith.index_cast %add3A_1404 : i32 to index
      %swap3A_1413 = tpu.vector_load %arg5[%swap3A_1411, %swap3A_1412] {strides = array<i32>} : memref<26x512xi32, #tpu.memory_space<vmem>>, vector<1x16xi32>,
      %swap3A_1414 = vector.shape_cast %swap3A_1413 : vector<1x16xi32> to vector<16xi32>
      %swap3A_1415 = vector.shape_cast %add3A_1410 : vector<16xi32> to vector<1x16xi32>
      tpu.vector_store %arg5[%swap3A_1411, %swap3A_1412], %swap3A_1415 {strides = array<i32>} : memref<26x512xi32, #tpu.memory_space<vmem>>, vector<1x16xi32>,
      %add3A_1416 = arith.constant 112 : i32
      %add3A_1417 = arith.addi %mul3A_1322, %add3A_1416 : i32
      %get3A_1418 = arith.index_cast %select_n3A_1304 : i32 to index
      %get3A_1419 = arith.index_cast %add3A_1417 : i32 to index
      %get3A_1420 = tpu.vector_load %arg5[%get3A_1418, %get3A_1419] {strides = array<i32>} : memref<26x512xi32, #tpu.memory_space<vmem>>, vector<1x16xi32>,
      %get3A_1421 = vector.shape_cast %get3A_1420 : vector<1x16xi32> to vector<16xi32>
      %add3A_1422 = vector.broadcast %mul3A_1324 : i32 to vector<16xi32>
      %add3A_1423 = arith.addi %get3A_1421, %add3A_1422 : vector<16xi32>
      %swap3A_1424 = arith.index_cast %select_n3A_1304 : i32 to index
      %swap3A_1425 = arith.index_cast %add3A_1417 : i32 to index
      %swap3A_1426 = tpu.vector_load %arg5[%swap3A_1424, %swap3A_1425] {strides = array<i32>} : memref<26x512xi32, #tpu.memory_space<vmem>>, vector<1x16xi32>,
      %swap3A_1427 = vector.shape_cast %swap3A_1426 : vector<1x16xi32> to vector<16xi32>
      %swap3A_1428 = vector.shape_cast %add3A_1423 : vector<16xi32> to vector<1x16xi32>
      tpu.vector_store %arg5[%swap3A_1424, %swap3A_1425], %swap3A_1428 {strides = array<i32>} : memref<26x512xi32, #tpu.memory_space<vmem>>, vector<1x16xi32>,
      %add3A_1429 = arith.constant 0 : i32
      %add3A_1430 = arith.addi %mul3A_1322, %add3A_1429 : i32
      %dma_start3A_1431 = arith.constant 0 : i32
      %dma_start3A_1432 = arith.constant 0 : i32
      %dma_start3A_1433 = tpu.memref_slice %arg6[%dma_start3A_1431, %dma_start3A_1432] : memref<128x128xf32, #tpu.memory_space<vmem>> -> memref<128x128xf32, #tpu.memory_space<vmem>>
      %dma_start3A_1434 = tpu.memref_slice %arg5[%select_n3A_1304, %add3A_1430] : memref<26x512xi32, #tpu.memory_space<vmem>> -> memref<1x128xi32, #tpu.memory_space<vmem>>
      %dma_start3A_1435 = tpu.memref_squeeze %dma_start3A_1434 : memref<1x128xi32, #tpu.memory_space<vmem>> -> memref<128xi32, #tpu.memory_space<vmem>>
      %dma_start3A_1436 = arith.constant 0 : i32
      %dma_start3A_1437 = arith.constant 0 : i32
      %dma_start3A_1438 = tpu.memref_slice %arg2[%dma_start3A_1436, %dma_start3A_1437] : memref<2600000x128xf32, #tpu.memory_space<hbm>> -> memref<2600000x128xf32, #tpu.memory_space<hbm>>
      tpu.enqueue_indirect_dma source(%dma_start3A_1438 : memref<2600000x128xf32, #tpu.memory_space<hbm>>) target(%dma_start3A_1433 : memref<128x128xf32, #tpu.memory_space<vmem>>) offsets(%dma_start3A_1435 : memref<128xi32, #tpu.memory_space<vmem>>) semaphore(%arg12 : memref<!tpu.dma_semaphore, #tpu.memory_space<semaphore_mem>>)
      %dma_wait3A_1439 = arith.constant 0 : i32
      %dma_wait3A_1440 = arith.constant 0 : i32
      %dma_wait3A_1441 = tpu.memref_slice %arg2[%dma_wait3A_1439, %dma_wait3A_1440] : memref<2600000x128xf32, #tpu.memory_space<hbm>> -> memref<128x128xf32, #tpu.memory_space<hbm>>
      %dma_wait3A_1442 = arith.constant 0 : i32
      %dma_wait3A_1443 = arith.constant 0 : i32
      %dma_wait3A_1444 = tpu.memref_slice %arg2[%dma_wait3A_1442, %dma_wait3A_1443] : memref<2600000x128xf32, #tpu.memory_space<hbm>> -> memref<128x128xf32, #tpu.memory_space<hbm>>
      tpu.wait_dma2 semaphore(%arg14 : memref<!tpu.dma_semaphore, #tpu.memory_space<semaphore_mem>>) src(%dma_wait3A_1444 : memref<128x128xf32, #tpu.memory_space<hbm>>) dst(%arg7 : memref<128x128xf32, #tpu.memory_space<vmem>>)
      %add3A_1445 = arith.constant 1 : i32
      %add3A_1446 = arith.addi %mul3A_1174, %add3A_1445 : i32
      %jit3A_1447 = arith.constant 4 : i32
      %div3A_1448 = arith.divsi %add3A_1446, %jit3A_1447 : i32
      %sign3A_1449 = arith.constant 0 : i32
      %sign3A_1450 = arith.cmpi sgt, %add3A_1446, %sign3A_1449 : i32
      %sign3A_1451 = arith.extui %sign3A_1450 : i1 to i32
      %sign3A_1452 = arith.constant 0 : i32
      %sign3A_1453 = arith.cmpi slt, %add3A_1446, %sign3A_1452 : i32
      %sign3A_1454 = arith.extui %sign3A_1453 : i1 to i32
      %sign3A_1455 = arith.subi %sign3A_1451, %sign3A_1454 : i32
      %sign3A_1456 = arith.constant 0 : i32
      %sign3A_1457 = arith.cmpi sgt, %jit3A_1447, %sign3A_1456 : i32
      %sign3A_1458 = arith.extui %sign3A_1457 : i1 to i32
      %sign3A_1459 = arith.constant 0 : i32
      %sign3A_1460 = arith.cmpi slt, %jit3A_1447, %sign3A_1459 : i32
      %sign3A_1461 = arith.extui %sign3A_1460 : i1 to i32
      %sign3A_1462 = arith.subi %sign3A_1458, %sign3A_1461 : i32
      %ne3A_1463 = arith.cmpi ne, %sign3A_1455, %sign3A_1462 : i32
      %rem3A_1464 = arith.remsi %add3A_1446, %jit3A_1447 : i32
      %ne3A_1465 = arith.constant 0 : i32
      %ne3A_1466 = arith.cmpi ne, %rem3A_1464, %ne3A_1465 : i32
      %and3A_1467 = arith.andi %ne3A_1463, %ne3A_1466 : i1
      %sub3A_1468 = arith.constant 1 : i32
      %sub3A_1469 = arith.subi %div3A_1448, %sub3A_1468 : i32
      %select_n3A_1470 = arith.select %and3A_1467, %sub3A_1469, %div3A_1448 : i32
      %jit3A_1471 = arith.constant 4 : i32
      %eq3A_1472 = arith.constant 0 : i32
      %eq3A_1473 = arith.cmpi eq, %jit3A_1471, %eq3A_1472 : i32
      %jit3A_1474 = arith.constant 1 : i32
      %select_n3A_1475 = arith.select %eq3A_1473, %jit3A_1474, %jit3A_1471 : i32
      %rem3A_1476 = arith.remsi %add3A_1446, %select_n3A_1475 : i32
      %ne3A_1477 = arith.constant 0 : i32
      %ne3A_1478 = arith.cmpi ne, %rem3A_1476, %ne3A_1477 : i32
      %lt3A_1479 = arith.constant 0 : i32
      %lt3A_1480 = arith.cmpi slt, %rem3A_1476, %lt3A_1479 : i32
      %lt3A_1481 = arith.constant 0 : i32
      %lt3A_1482 = arith.cmpi slt, %select_n3A_1475, %lt3A_1481 : i32
      %ne3A_1483 = arith.xori %lt3A_1480, %lt3A_1482 : i1
      %and3A_1484 = arith.andi %ne3A_1483, %ne3A_1478 : i1
      %add3A_1485 = arith.addi %rem3A_1476, %select_n3A_1475 : i32
      %select_n3A_1486 = arith.select %and3A_1484, %add3A_1485, %rem3A_1476 : i32
      %add3A_1487 = arith.constant 1 : i32
      %add3A_1488 = arith.addi %add3A_1487, %select_n3A_1470 : i32
      %mul3A_1489 = arith.constant 128 : i32
      %mul3A_1490 = arith.muli %select_n3A_1486, %mul3A_1489 : i32
      %add3A_1491 = arith.addi %mul3A_2, %mul3A_1490 : i32
      %dma_start3A_1492 = arith.constant 0 : i32
      %dma_start3A_1493 = tpu.memref_slice %arg4[%add3A_1488, %add3A_1491, %dma_start3A_1492] : memref<27x16384x128xf32, #tpu.memory_space<hbm>> -> memref<1x128x128xf32, #tpu.memory_space<hbm>>
      %dma_start3A_1494 = tpu.memref_squeeze %dma_start3A_1493 : memref<1x128x128xf32, #tpu.memory_space<hbm>> -> memref<128x128xf32, #tpu.memory_space<hbm>>
      %dma_start3A_1495 = arith.constant 0 : i32
      %dma_start3A_1496 = tpu.memref_slice %arg4[%add3A_1488, %add3A_1491, %dma_start3A_1495] : memref<27x16384x128xf32, #tpu.memory_space<hbm>> -> memref<1x128x128xf32, #tpu.memory_space<hbm>>
      %dma_start3A_1497 = tpu.memref_squeeze %dma_start3A_1496 : memref<1x128x128xf32, #tpu.memory_space<hbm>> -> memref<128x128xf32, #tpu.memory_space<hbm>>
      tpu.enqueue_dma source(%arg7 : memref<128x128xf32, #tpu.memory_space<vmem>>) target(%dma_start3A_1497 : memref<128x128xf32, #tpu.memory_space<hbm>>) target_semaphore(%arg15 : memref<!tpu.dma_semaphore, #tpu.memory_space<semaphore_mem>>)
      %add3A_1498 = arith.constant 1 : i32
      %add3A_1499 = arith.addi %mul3A_1174, %add3A_1498 : i32
      %jit3A_1500 = arith.constant 4 : i32
      %div3A_1501 = arith.divsi %add3A_1499, %jit3A_1500 : i32
      %sign3A_1502 = arith.constant 0 : i32
      %sign3A_1503 = arith.cmpi sgt, %add3A_1499, %sign3A_1502 : i32
      %sign3A_1504 = arith.extui %sign3A_1503 : i1 to i32
      %sign3A_1505 = arith.constant 0 : i32
      %sign3A_1506 = arith.cmpi slt, %add3A_1499, %sign3A_1505 : i32
      %sign3A_1507 = arith.extui %sign3A_1506 : i1 to i32
      %sign3A_1508 = arith.subi %sign3A_1504, %sign3A_1507 : i32
      %sign3A_1509 = arith.constant 0 : i32
      %sign3A_1510 = arith.cmpi sgt, %jit3A_1500, %sign3A_1509 : i32
      %sign3A_1511 = arith.extui %sign3A_1510 : i1 to i32
      %sign3A_1512 = arith.constant 0 : i32
      %sign3A_1513 = arith.cmpi slt, %jit3A_1500, %sign3A_1512 : i32
      %sign3A_1514 = arith.extui %sign3A_1513 : i1 to i32
      %sign3A_1515 = arith.subi %sign3A_1511, %sign3A_1514 : i32
      %ne3A_1516 = arith.cmpi ne, %sign3A_1508, %sign3A_1515 : i32
      %rem3A_1517 = arith.remsi %add3A_1499, %jit3A_1500 : i32
      %ne3A_1518 = arith.constant 0 : i32
      %ne3A_1519 = arith.cmpi ne, %rem3A_1517, %ne3A_1518 : i32
      %and3A_1520 = arith.andi %ne3A_1516, %ne3A_1519 : i1
      %sub3A_1521 = arith.constant 1 : i32
      %sub3A_1522 = arith.subi %div3A_1501, %sub3A_1521 : i32
      %select_n3A_1523 = arith.select %and3A_1520, %sub3A_1522, %div3A_1501 : i32
      %jit3A_1524 = arith.constant 4 : i32
      %eq3A_1525 = arith.constant 0 : i32
      %eq3A_1526 = arith.cmpi eq, %jit3A_1524, %eq3A_1525 : i32
      %jit3A_1527 = arith.constant 1 : i32
      %select_n3A_1528 = arith.select %eq3A_1526, %jit3A_1527, %jit3A_1524 : i32
      %rem3A_1529 = arith.remsi %add3A_1499, %select_n3A_1528 : i32
      %ne3A_1530 = arith.constant 0 : i32
      %ne3A_1531 = arith.cmpi ne, %rem3A_1529, %ne3A_1530 : i32
      %lt3A_1532 = arith.constant 0 : i32
      %lt3A_1533 = arith.cmpi slt, %rem3A_1529, %lt3A_1532 : i32
      %lt3A_1534 = arith.constant 0 : i32
      %lt3A_1535 = arith.cmpi slt, %select_n3A_1528, %lt3A_1534 : i32
      %ne3A_1536 = arith.xori %lt3A_1533, %lt3A_1535 : i1
      %and3A_1537 = arith.andi %ne3A_1536, %ne3A_1531 : i1
      %add3A_1538 = arith.addi %rem3A_1529, %select_n3A_1528 : i32
      %select_n3A_1539 = arith.select %and3A_1537, %add3A_1538, %rem3A_1529 : i32
      %add3A_1540 = arith.constant 1 : i32
      %add3A_1541 = arith.addi %add3A_1540, %select_n3A_1523 : i32
      %mul3A_1542 = arith.constant 128 : i32
      %mul3A_1543 = arith.muli %select_n3A_1539, %mul3A_1542 : i32
      %add3A_1544 = arith.addi %mul3A_2, %mul3A_1543 : i32
      %dma_wait3A_1545 = arith.constant 0 : i32
      %dma_wait3A_1546 = tpu.memref_slice %arg4[%add3A_1541, %add3A_1544, %dma_wait3A_1545] : memref<27x16384x128xf32, #tpu.memory_space<hbm>> -> memref<1x128x128xf32, #tpu.memory_space<hbm>>
      %dma_wait3A_1547 = tpu.memref_squeeze %dma_wait3A_1546 : memref<1x128x128xf32, #tpu.memory_space<hbm>> -> memref<128x128xf32, #tpu.memory_space<hbm>>
      %dma_wait3A_1548 = arith.constant 0 : i32
      %dma_wait3A_1549 = tpu.memref_slice %arg4[%add3A_1541, %add3A_1544, %dma_wait3A_1548] : memref<27x16384x128xf32, #tpu.memory_space<hbm>> -> memref<1x128x128xf32, #tpu.memory_space<hbm>>
      %dma_wait3A_1550 = tpu.memref_squeeze %dma_wait3A_1549 : memref<1x128x128xf32, #tpu.memory_space<hbm>> -> memref<128x128xf32, #tpu.memory_space<hbm>>
      tpu.wait_dma2 semaphore(%arg15 : memref<!tpu.dma_semaphore, #tpu.memory_space<semaphore_mem>>) src(%arg7 : memref<128x128xf32, #tpu.memory_space<vmem>>) dst(%dma_wait3A_1550 : memref<128x128xf32, #tpu.memory_space<hbm>>)
      %add3A_1551 = arith.constant 1 : i32
      %add3A_1552 = arith.addi %mul3A_1174, %add3A_1551 : i32
      %add3A_1553 = arith.constant 6 : i32
      %add3A_1554 = arith.addi %add3A_1552, %add3A_1553 : i32
      %jit3A_1555 = arith.constant 4 : i32
      %div3A_1556 = arith.divsi %add3A_1554, %jit3A_1555 : i32
      %sign3A_1557 = arith.constant 0 : i32
      %sign3A_1558 = arith.cmpi sgt, %add3A_1554, %sign3A_1557 : i32
      %sign3A_1559 = arith.extui %sign3A_1558 : i1 to i32
      %sign3A_1560 = arith.constant 0 : i32
      %sign3A_1561 = arith.cmpi slt, %add3A_1554, %sign3A_1560 : i32
      %sign3A_1562 = arith.extui %sign3A_1561 : i1 to i32
      %sign3A_1563 = arith.subi %sign3A_1559, %sign3A_1562 : i32
      %sign3A_1564 = arith.constant 0 : i32
      %sign3A_1565 = arith.cmpi sgt, %jit3A_1555, %sign3A_1564 : i32
      %sign3A_1566 = arith.extui %sign3A_1565 : i1 to i32
      %sign3A_1567 = arith.constant 0 : i32
      %sign3A_1568 = arith.cmpi slt, %jit3A_1555, %sign3A_1567 : i32
      %sign3A_1569 = arith.extui %sign3A_1568 : i1 to i32
      %sign3A_1570 = arith.subi %sign3A_1566, %sign3A_1569 : i32
      %ne3A_1571 = arith.cmpi ne, %sign3A_1563, %sign3A_1570 : i32
      %rem3A_1572 = arith.remsi %add3A_1554, %jit3A_1555 : i32
      %ne3A_1573 = arith.constant 0 : i32
      %ne3A_1574 = arith.cmpi ne, %rem3A_1572, %ne3A_1573 : i32
      %and3A_1575 = arith.andi %ne3A_1571, %ne3A_1574 : i1
      %sub3A_1576 = arith.constant 1 : i32
      %sub3A_1577 = arith.subi %div3A_1556, %sub3A_1576 : i32
      %select_n3A_1578 = arith.select %and3A_1575, %sub3A_1577, %div3A_1556 : i32
      %jit3A_1579 = arith.constant 4 : i32
      %eq3A_1580 = arith.constant 0 : i32
      %eq3A_1581 = arith.cmpi eq, %jit3A_1579, %eq3A_1580 : i32
      %jit3A_1582 = arith.constant 1 : i32
      %select_n3A_1583 = arith.select %eq3A_1581, %jit3A_1582, %jit3A_1579 : i32
      %rem3A_1584 = arith.remsi %add3A_1554, %select_n3A_1583 : i32
      %ne3A_1585 = arith.constant 0 : i32
      %ne3A_1586 = arith.cmpi ne, %rem3A_1584, %ne3A_1585 : i32
      %lt3A_1587 = arith.constant 0 : i32
      %lt3A_1588 = arith.cmpi slt, %rem3A_1584, %lt3A_1587 : i32
      %lt3A_1589 = arith.constant 0 : i32
      %lt3A_1590 = arith.cmpi slt, %select_n3A_1583, %lt3A_1589 : i32
      %ne3A_1591 = arith.xori %lt3A_1588, %lt3A_1590 : i1
      %and3A_1592 = arith.andi %ne3A_1591, %ne3A_1586 : i1
      %add3A_1593 = arith.addi %rem3A_1584, %select_n3A_1583 : i32
      %select_n3A_1594 = arith.select %and3A_1592, %add3A_1593, %rem3A_1584 : i32
      %mul3A_1595 = arith.constant 128 : i32
      %mul3A_1596 = arith.muli %select_n3A_1594, %mul3A_1595 : i32
      %mul3A_1597 = arith.constant 100000 : i32
      %mul3A_1598 = arith.muli %select_n3A_1578, %mul3A_1597 : i32
      %add3A_1599 = arith.constant 0 : i32
      %add3A_1600 = arith.addi %mul3A_1596, %add3A_1599 : i32
      %get3A_1601 = arith.index_cast %select_n3A_1578 : i32 to index
      %get3A_1602 = arith.index_cast %add3A_1600 : i32 to index
      %get3A_1603 = tpu.vector_load %arg5[%get3A_1601, %get3A_1602] {strides = array<i32>} : memref<26x512xi32, #tpu.memory_space<vmem>>, vector<1x16xi32>,
      %get3A_1604 = vector.shape_cast %get3A_1603 : vector<1x16xi32> to vector<16xi32>
      %add3A_1605 = vector.broadcast %mul3A_1598 : i32 to vector<16xi32>
      %add3A_1606 = arith.addi %get3A_1604, %add3A_1605 : vector<16xi32>
      %swap3A_1607 = arith.index_cast %select_n3A_1578 : i32 to index
      %swap3A_1608 = arith.index_cast %add3A_1600 : i32 to index
      %swap3A_1609 = tpu.vector_load %arg5[%swap3A_1607, %swap3A_1608] {strides = array<i32>} : memref<26x512xi32, #tpu.memory_space<vmem>>, vector<1x16xi32>,
      %swap3A_1610 = vector.shape_cast %swap3A_1609 : vector<1x16xi32> to vector<16xi32>
      %swap3A_1611 = vector.shape_cast %add3A_1606 : vector<16xi32> to vector<1x16xi32>
      tpu.vector_store %arg5[%swap3A_1607, %swap3A_1608], %swap3A_1611 {strides = array<i32>} : memref<26x512xi32, #tpu.memory_space<vmem>>, vector<1x16xi32>,
      %add3A_1612 = arith.constant 16 : i32
      %add3A_1613 = arith.addi %mul3A_1596, %add3A_1612 : i32
      %get3A_1614 = arith.index_cast %select_n3A_1578 : i32 to index
      %get3A_1615 = arith.index_cast %add3A_1613 : i32 to index
      %get3A_1616 = tpu.vector_load %arg5[%get3A_1614, %get3A_1615] {strides = array<i32>} : memref<26x512xi32, #tpu.memory_space<vmem>>, vector<1x16xi32>,
      %get3A_1617 = vector.shape_cast %get3A_1616 : vector<1x16xi32> to vector<16xi32>
      %add3A_1618 = vector.broadcast %mul3A_1598 : i32 to vector<16xi32>
      %add3A_1619 = arith.addi %get3A_1617, %add3A_1618 : vector<16xi32>
      %swap3A_1620 = arith.index_cast %select_n3A_1578 : i32 to index
      %swap3A_1621 = arith.index_cast %add3A_1613 : i32 to index
      %swap3A_1622 = tpu.vector_load %arg5[%swap3A_1620, %swap3A_1621] {strides = array<i32>} : memref<26x512xi32, #tpu.memory_space<vmem>>, vector<1x16xi32>,
      %swap3A_1623 = vector.shape_cast %swap3A_1622 : vector<1x16xi32> to vector<16xi32>
      %swap3A_1624 = vector.shape_cast %add3A_1619 : vector<16xi32> to vector<1x16xi32>
      tpu.vector_store %arg5[%swap3A_1620, %swap3A_1621], %swap3A_1624 {strides = array<i32>} : memref<26x512xi32, #tpu.memory_space<vmem>>, vector<1x16xi32>,
      %add3A_1625 = arith.constant 32 : i32
      %add3A_1626 = arith.addi %mul3A_1596, %add3A_1625 : i32
      %get3A_1627 = arith.index_cast %select_n3A_1578 : i32 to index
      %get3A_1628 = arith.index_cast %add3A_1626 : i32 to index
      %get3A_1629 = tpu.vector_load %arg5[%get3A_1627, %get3A_1628] {strides = array<i32>} : memref<26x512xi32, #tpu.memory_space<vmem>>, vector<1x16xi32>,
      %get3A_1630 = vector.shape_cast %get3A_1629 : vector<1x16xi32> to vector<16xi32>
      %add3A_1631 = vector.broadcast %mul3A_1598 : i32 to vector<16xi32>
      %add3A_1632 = arith.addi %get3A_1630, %add3A_1631 : vector<16xi32>
      %swap3A_1633 = arith.index_cast %select_n3A_1578 : i32 to index
      %swap3A_1634 = arith.index_cast %add3A_1626 : i32 to index
      %swap3A_1635 = tpu.vector_load %arg5[%swap3A_1633, %swap3A_1634] {strides = array<i32>} : memref<26x512xi32, #tpu.memory_space<vmem>>, vector<1x16xi32>,
      %swap3A_1636 = vector.shape_cast %swap3A_1635 : vector<1x16xi32> to vector<16xi32>
      %swap3A_1637 = vector.shape_cast %add3A_1632 : vector<16xi32> to vector<1x16xi32>
      tpu.vector_store %arg5[%swap3A_1633, %swap3A_1634], %swap3A_1637 {strides = array<i32>} : memref<26x512xi32, #tpu.memory_space<vmem>>, vector<1x16xi32>,
      %add3A_1638 = arith.constant 48 : i32
      %add3A_1639 = arith.addi %mul3A_1596, %add3A_1638 : i32
      %get3A_1640 = arith.index_cast %select_n3A_1578 : i32 to index
      %get3A_1641 = arith.index_cast %add3A_1639 : i32 to index
      %get3A_1642 = tpu.vector_load %arg5[%get3A_1640, %get3A_1641] {strides = array<i32>} : memref<26x512xi32, #tpu.memory_space<vmem>>, vector<1x16xi32>,
      %get3A_1643 = vector.shape_cast %get3A_1642 : vector<1x16xi32> to vector<16xi32>
      %add3A_1644 = vector.broadcast %mul3A_1598 : i32 to vector<16xi32>
      %add3A_1645 = arith.addi %get3A_1643, %add3A_1644 : vector<16xi32>
      %swap3A_1646 = arith.index_cast %select_n3A_1578 : i32 to index
      %swap3A_1647 = arith.index_cast %add3A_1639 : i32 to index
      %swap3A_1648 = tpu.vector_load %arg5[%swap3A_1646, %swap3A_1647] {strides = array<i32>} : memref<26x512xi32, #tpu.memory_space<vmem>>, vector<1x16xi32>,
      %swap3A_1649 = vector.shape_cast %swap3A_1648 : vector<1x16xi32> to vector<16xi32>
      %swap3A_1650 = vector.shape_cast %add3A_1645 : vector<16xi32> to vector<1x16xi32>
      tpu.vector_store %arg5[%swap3A_1646, %swap3A_1647], %swap3A_1650 {strides = array<i32>} : memref<26x512xi32, #tpu.memory_space<vmem>>, vector<1x16xi32>,
      %add3A_1651 = arith.constant 64 : i32
      %add3A_1652 = arith.addi %mul3A_1596, %add3A_1651 : i32
      %get3A_1653 = arith.index_cast %select_n3A_1578 : i32 to index
      %get3A_1654 = arith.index_cast %add3A_1652 : i32 to index
      %get3A_1655 = tpu.vector_load %arg5[%get3A_1653, %get3A_1654] {strides = array<i32>} : memref<26x512xi32, #tpu.memory_space<vmem>>, vector<1x16xi32>,
      %get3A_1656 = vector.shape_cast %get3A_1655 : vector<1x16xi32> to vector<16xi32>
      %add3A_1657 = vector.broadcast %mul3A_1598 : i32 to vector<16xi32>
      %add3A_1658 = arith.addi %get3A_1656, %add3A_1657 : vector<16xi32>
      %swap3A_1659 = arith.index_cast %select_n3A_1578 : i32 to index
      %swap3A_1660 = arith.index_cast %add3A_1652 : i32 to index
      %swap3A_1661 = tpu.vector_load %arg5[%swap3A_1659, %swap3A_1660] {strides = array<i32>} : memref<26x512xi32, #tpu.memory_space<vmem>>, vector<1x16xi32>,
      %swap3A_1662 = vector.shape_cast %swap3A_1661 : vector<1x16xi32> to vector<16xi32>
      %swap3A_1663 = vector.shape_cast %add3A_1658 : vector<16xi32> to vector<1x16xi32>
      tpu.vector_store %arg5[%swap3A_1659, %swap3A_1660], %swap3A_1663 {strides = array<i32>} : memref<26x512xi32, #tpu.memory_space<vmem>>, vector<1x16xi32>,
      %add3A_1664 = arith.constant 80 : i32
      %add3A_1665 = arith.addi %mul3A_1596, %add3A_1664 : i32
      %get3A_1666 = arith.index_cast %select_n3A_1578 : i32 to index
      %get3A_1667 = arith.index_cast %add3A_1665 : i32 to index
      %get3A_1668 = tpu.vector_load %arg5[%get3A_1666, %get3A_1667] {strides = array<i32>} : memref<26x512xi32, #tpu.memory_space<vmem>>, vector<1x16xi32>,
      %get3A_1669 = vector.shape_cast %get3A_1668 : vector<1x16xi32> to vector<16xi32>
      %add3A_1670 = vector.broadcast %mul3A_1598 : i32 to vector<16xi32>
      %add3A_1671 = arith.addi %get3A_1669, %add3A_1670 : vector<16xi32>
      %swap3A_1672 = arith.index_cast %select_n3A_1578 : i32 to index
      %swap3A_1673 = arith.index_cast %add3A_1665 : i32 to index
      %swap3A_1674 = tpu.vector_load %arg5[%swap3A_1672, %swap3A_1673] {strides = array<i32>} : memref<26x512xi32, #tpu.memory_space<vmem>>, vector<1x16xi32>,
      %swap3A_1675 = vector.shape_cast %swap3A_1674 : vector<1x16xi32> to vector<16xi32>
      %swap3A_1676 = vector.shape_cast %add3A_1671 : vector<16xi32> to vector<1x16xi32>
      tpu.vector_store %arg5[%swap3A_1672, %swap3A_1673], %swap3A_1676 {strides = array<i32>} : memref<26x512xi32, #tpu.memory_space<vmem>>, vector<1x16xi32>,
      %add3A_1677 = arith.constant 96 : i32
      %add3A_1678 = arith.addi %mul3A_1596, %add3A_1677 : i32
      %get3A_1679 = arith.index_cast %select_n3A_1578 : i32 to index
      %get3A_1680 = arith.index_cast %add3A_1678 : i32 to index
      %get3A_1681 = tpu.vector_load %arg5[%get3A_1679, %get3A_1680] {strides = array<i32>} : memref<26x512xi32, #tpu.memory_space<vmem>>, vector<1x16xi32>,
      %get3A_1682 = vector.shape_cast %get3A_1681 : vector<1x16xi32> to vector<16xi32>
      %add3A_1683 = vector.broadcast %mul3A_1598 : i32 to vector<16xi32>
      %add3A_1684 = arith.addi %get3A_1682, %add3A_1683 : vector<16xi32>
      %swap3A_1685 = arith.index_cast %select_n3A_1578 : i32 to index
      %swap3A_1686 = arith.index_cast %add3A_1678 : i32 to index
      %swap3A_1687 = tpu.vector_load %arg5[%swap3A_1685, %swap3A_1686] {strides = array<i32>} : memref<26x512xi32, #tpu.memory_space<vmem>>, vector<1x16xi32>,
      %swap3A_1688 = vector.shape_cast %swap3A_1687 : vector<1x16xi32> to vector<16xi32>
      %swap3A_1689 = vector.shape_cast %add3A_1684 : vector<16xi32> to vector<1x16xi32>
      tpu.vector_store %arg5[%swap3A_1685, %swap3A_1686], %swap3A_1689 {strides = array<i32>} : memref<26x512xi32, #tpu.memory_space<vmem>>, vector<1x16xi32>,
      %add3A_1690 = arith.constant 112 : i32
      %add3A_1691 = arith.addi %mul3A_1596, %add3A_1690 : i32
      %get3A_1692 = arith.index_cast %select_n3A_1578 : i32 to index
      %get3A_1693 = arith.index_cast %add3A_1691 : i32 to index
      %get3A_1694 = tpu.vector_load %arg5[%get3A_1692, %get3A_1693] {strides = array<i32>} : memref<26x512xi32, #tpu.memory_space<vmem>>, vector<1x16xi32>,
      %get3A_1695 = vector.shape_cast %get3A_1694 : vector<1x16xi32> to vector<16xi32>
      %add3A_1696 = vector.broadcast %mul3A_1598 : i32 to vector<16xi32>
      %add3A_1697 = arith.addi %get3A_1695, %add3A_1696 : vector<16xi32>
      %swap3A_1698 = arith.index_cast %select_n3A_1578 : i32 to index
      %swap3A_1699 = arith.index_cast %add3A_1691 : i32 to index
      %swap3A_1700 = tpu.vector_load %arg5[%swap3A_1698, %swap3A_1699] {strides = array<i32>} : memref<26x512xi32, #tpu.memory_space<vmem>>, vector<1x16xi32>,
      %swap3A_1701 = vector.shape_cast %swap3A_1700 : vector<1x16xi32> to vector<16xi32>
      %swap3A_1702 = vector.shape_cast %add3A_1697 : vector<16xi32> to vector<1x16xi32>
      tpu.vector_store %arg5[%swap3A_1698, %swap3A_1699], %swap3A_1702 {strides = array<i32>} : memref<26x512xi32, #tpu.memory_space<vmem>>, vector<1x16xi32>,
      %add3A_1703 = arith.constant 0 : i32
      %add3A_1704 = arith.addi %mul3A_1596, %add3A_1703 : i32
      %dma_start3A_1705 = arith.constant 0 : i32
      %dma_start3A_1706 = arith.constant 0 : i32
      %dma_start3A_1707 = tpu.memref_slice %arg7[%dma_start3A_1705, %dma_start3A_1706] : memref<128x128xf32, #tpu.memory_space<vmem>> -> memref<128x128xf32, #tpu.memory_space<vmem>>
      %dma_start3A_1708 = tpu.memref_slice %arg5[%select_n3A_1578, %add3A_1704] : memref<26x512xi32, #tpu.memory_space<vmem>> -> memref<1x128xi32, #tpu.memory_space<vmem>>
      %dma_start3A_1709 = tpu.memref_squeeze %dma_start3A_1708 : memref<1x128xi32, #tpu.memory_space<vmem>> -> memref<128xi32, #tpu.memory_space<vmem>>
      %dma_start3A_1710 = arith.constant 0 : i32
      %dma_start3A_1711 = arith.constant 0 : i32
      %dma_start3A_1712 = tpu.memref_slice %arg2[%dma_start3A_1710, %dma_start3A_1711] : memref<2600000x128xf32, #tpu.memory_space<hbm>> -> memref<2600000x128xf32, #tpu.memory_space<hbm>>
      tpu.enqueue_indirect_dma source(%dma_start3A_1712 : memref<2600000x128xf32, #tpu.memory_space<hbm>>) target(%dma_start3A_1707 : memref<128x128xf32, #tpu.memory_space<vmem>>) offsets(%dma_start3A_1709 : memref<128xi32, #tpu.memory_space<vmem>>) semaphore(%arg14 : memref<!tpu.dma_semaphore, #tpu.memory_space<semaphore_mem>>)
      %dma_wait3A_1713 = arith.constant 0 : i32
      %dma_wait3A_1714 = arith.constant 0 : i32
      %dma_wait3A_1715 = tpu.memref_slice %arg2[%dma_wait3A_1713, %dma_wait3A_1714] : memref<2600000x128xf32, #tpu.memory_space<hbm>> -> memref<128x128xf32, #tpu.memory_space<hbm>>
      %dma_wait3A_1716 = arith.constant 0 : i32
      %dma_wait3A_1717 = arith.constant 0 : i32
      %dma_wait3A_1718 = tpu.memref_slice %arg2[%dma_wait3A_1716, %dma_wait3A_1717] : memref<2600000x128xf32, #tpu.memory_space<hbm>> -> memref<128x128xf32, #tpu.memory_space<hbm>>
      tpu.wait_dma2 semaphore(%arg16 : memref<!tpu.dma_semaphore, #tpu.memory_space<semaphore_mem>>) src(%dma_wait3A_1718 : memref<128x128xf32, #tpu.memory_space<hbm>>) dst(%arg8 : memref<128x128xf32, #tpu.memory_space<vmem>>)
      %add3A_1719 = arith.constant 2 : i32
      %add3A_1720 = arith.addi %mul3A_1174, %add3A_1719 : i32
      %jit3A_1721 = arith.constant 4 : i32
      %div3A_1722 = arith.divsi %add3A_1720, %jit3A_1721 : i32
      %sign3A_1723 = arith.constant 0 : i32
      %sign3A_1724 = arith.cmpi sgt, %add3A_1720, %sign3A_1723 : i32
      %sign3A_1725 = arith.extui %sign3A_1724 : i1 to i32
      %sign3A_1726 = arith.constant 0 : i32
      %sign3A_1727 = arith.cmpi slt, %add3A_1720, %sign3A_1726 : i32
      %sign3A_1728 = arith.extui %sign3A_1727 : i1 to i32
      %sign3A_1729 = arith.subi %sign3A_1725, %sign3A_1728 : i32
      %sign3A_1730 = arith.constant 0 : i32
      %sign3A_1731 = arith.cmpi sgt, %jit3A_1721, %sign3A_1730 : i32
      %sign3A_1732 = arith.extui %sign3A_1731 : i1 to i32
      %sign3A_1733 = arith.constant 0 : i32
      %sign3A_1734 = arith.cmpi slt, %jit3A_1721, %sign3A_1733 : i32
      %sign3A_1735 = arith.extui %sign3A_1734 : i1 to i32
      %sign3A_1736 = arith.subi %sign3A_1732, %sign3A_1735 : i32
      %ne3A_1737 = arith.cmpi ne, %sign3A_1729, %sign3A_1736 : i32
      %rem3A_1738 = arith.remsi %add3A_1720, %jit3A_1721 : i32
      %ne3A_1739 = arith.constant 0 : i32
      %ne3A_1740 = arith.cmpi ne, %rem3A_1738, %ne3A_1739 : i32
      %and3A_1741 = arith.andi %ne3A_1737, %ne3A_1740 : i1
      %sub3A_1742 = arith.constant 1 : i32
      %sub3A_1743 = arith.subi %div3A_1722, %sub3A_1742 : i32
      %select_n3A_1744 = arith.select %and3A_1741, %sub3A_1743, %div3A_1722 : i32
      %jit3A_1745 = arith.constant 4 : i32
      %eq3A_1746 = arith.constant 0 : i32
      %eq3A_1747 = arith.cmpi eq, %jit3A_1745, %eq3A_1746 : i32
      %jit3A_1748 = arith.constant 1 : i32
      %select_n3A_1749 = arith.select %eq3A_1747, %jit3A_1748, %jit3A_1745 : i32
      %rem3A_1750 = arith.remsi %add3A_1720, %select_n3A_1749 : i32
      %ne3A_1751 = arith.constant 0 : i32
      %ne3A_1752 = arith.cmpi ne, %rem3A_1750, %ne3A_1751 : i32
      %lt3A_1753 = arith.constant 0 : i32
      %lt3A_1754 = arith.cmpi slt, %rem3A_1750, %lt3A_1753 : i32
      %lt3A_1755 = arith.constant 0 : i32
      %lt3A_1756 = arith.cmpi slt, %select_n3A_1749, %lt3A_1755 : i32
      %ne3A_1757 = arith.xori %lt3A_1754, %lt3A_1756 : i1
      %and3A_1758 = arith.andi %ne3A_1757, %ne3A_1752 : i1
      %add3A_1759 = arith.addi %rem3A_1750, %select_n3A_1749 : i32
      %select_n3A_1760 = arith.select %and3A_1758, %add3A_1759, %rem3A_1750 : i32
      %add3A_1761 = arith.constant 1 : i32
      %add3A_1762 = arith.addi %add3A_1761, %select_n3A_1744 : i32
      %mul3A_1763 = arith.constant 128 : i32
      %mul3A_1764 = arith.muli %select_n3A_1760, %mul3A_1763 : i32
      %add3A_1765 = arith.addi %mul3A_2, %mul3A_1764 : i32
      %dma_start3A_1766 = arith.constant 0 : i32
      %dma_start3A_1767 = tpu.memref_slice %arg4[%add3A_1762, %add3A_1765, %dma_start3A_1766] : memref<27x16384x128xf32, #tpu.memory_space<hbm>> -> memref<1x128x128xf32, #tpu.memory_space<hbm>>
      %dma_start3A_1768 = tpu.memref_squeeze %dma_start3A_1767 : memref<1x128x128xf32, #tpu.memory_space<hbm>> -> memref<128x128xf32, #tpu.memory_space<hbm>>
      %dma_start3A_1769 = arith.constant 0 : i32
      %dma_start3A_1770 = tpu.memref_slice %arg4[%add3A_1762, %add3A_1765, %dma_start3A_1769] : memref<27x16384x128xf32, #tpu.memory_space<hbm>> -> memref<1x128x128xf32, #tpu.memory_space<hbm>>
      %dma_start3A_1771 = tpu.memref_squeeze %dma_start3A_1770 : memref<1x128x128xf32, #tpu.memory_space<hbm>> -> memref<128x128xf32, #tpu.memory_space<hbm>>
      tpu.enqueue_dma source(%arg8 : memref<128x128xf32, #tpu.memory_space<vmem>>) target(%dma_start3A_1771 : memref<128x128xf32, #tpu.memory_space<hbm>>) target_semaphore(%arg17 : memref<!tpu.dma_semaphore, #tpu.memory_space<semaphore_mem>>)
      %add3A_1772 = arith.constant 2 : i32
      %add3A_1773 = arith.addi %mul3A_1174, %add3A_1772 : i32
      %jit3A_1774 = arith.constant 4 : i32
      %div3A_1775 = arith.divsi %add3A_1773, %jit3A_1774 : i32
      %sign3A_1776 = arith.constant 0 : i32
      %sign3A_1777 = arith.cmpi sgt, %add3A_1773, %sign3A_1776 : i32
      %sign3A_1778 = arith.extui %sign3A_1777 : i1 to i32
      %sign3A_1779 = arith.constant 0 : i32
      %sign3A_1780 = arith.cmpi slt, %add3A_1773, %sign3A_1779 : i32
      %sign3A_1781 = arith.extui %sign3A_1780 : i1 to i32
      %sign3A_1782 = arith.subi %sign3A_1778, %sign3A_1781 : i32
      %sign3A_1783 = arith.constant 0 : i32
      %sign3A_1784 = arith.cmpi sgt, %jit3A_1774, %sign3A_1783 : i32
      %sign3A_1785 = arith.extui %sign3A_1784 : i1 to i32
      %sign3A_1786 = arith.constant 0 : i32
      %sign3A_1787 = arith.cmpi slt, %jit3A_1774, %sign3A_1786 : i32
      %sign3A_1788 = arith.extui %sign3A_1787 : i1 to i32
      %sign3A_1789 = arith.subi %sign3A_1785, %sign3A_1788 : i32
      %ne3A_1790 = arith.cmpi ne, %sign3A_1782, %sign3A_1789 : i32
      %rem3A_1791 = arith.remsi %add3A_1773, %jit3A_1774 : i32
      %ne3A_1792 = arith.constant 0 : i32
      %ne3A_1793 = arith.cmpi ne, %rem3A_1791, %ne3A_1792 : i32
      %and3A_1794 = arith.andi %ne3A_1790, %ne3A_1793 : i1
      %sub3A_1795 = arith.constant 1 : i32
      %sub3A_1796 = arith.subi %div3A_1775, %sub3A_1795 : i32
      %select_n3A_1797 = arith.select %and3A_1794, %sub3A_1796, %div3A_1775 : i32
      %jit3A_1798 = arith.constant 4 : i32
      %eq3A_1799 = arith.constant 0 : i32
      %eq3A_1800 = arith.cmpi eq, %jit3A_1798, %eq3A_1799 : i32
      %jit3A_1801 = arith.constant 1 : i32
      %select_n3A_1802 = arith.select %eq3A_1800, %jit3A_1801, %jit3A_1798 : i32
      %rem3A_1803 = arith.remsi %add3A_1773, %select_n3A_1802 : i32
      %ne3A_1804 = arith.constant 0 : i32
      %ne3A_1805 = arith.cmpi ne, %rem3A_1803, %ne3A_1804 : i32
      %lt3A_1806 = arith.constant 0 : i32
      %lt3A_1807 = arith.cmpi slt, %rem3A_1803, %lt3A_1806 : i32
      %lt3A_1808 = arith.constant 0 : i32
      %lt3A_1809 = arith.cmpi slt, %select_n3A_1802, %lt3A_1808 : i32
      %ne3A_1810 = arith.xori %lt3A_1807, %lt3A_1809 : i1
      %and3A_1811 = arith.andi %ne3A_1810, %ne3A_1805 : i1
      %add3A_1812 = arith.addi %rem3A_1803, %select_n3A_1802 : i32
      %select_n3A_1813 = arith.select %and3A_1811, %add3A_1812, %rem3A_1803 : i32
      %add3A_1814 = arith.constant 1 : i32
      %add3A_1815 = arith.addi %add3A_1814, %select_n3A_1797 : i32
      %mul3A_1816 = arith.constant 128 : i32
      %mul3A_1817 = arith.muli %select_n3A_1813, %mul3A_1816 : i32
      %add3A_1818 = arith.addi %mul3A_2, %mul3A_1817 : i32
      %dma_wait3A_1819 = arith.constant 0 : i32
      %dma_wait3A_1820 = tpu.memref_slice %arg4[%add3A_1815, %add3A_1818, %dma_wait3A_1819] : memref<27x16384x128xf32, #tpu.memory_space<hbm>> -> memref<1x128x128xf32, #tpu.memory_space<hbm>>
      %dma_wait3A_1821 = tpu.memref_squeeze %dma_wait3A_1820 : memref<1x128x128xf32, #tpu.memory_space<hbm>> -> memref<128x128xf32, #tpu.memory_space<hbm>>
      %dma_wait3A_1822 = arith.constant 0 : i32
      %dma_wait3A_1823 = tpu.memref_slice %arg4[%add3A_1815, %add3A_1818, %dma_wait3A_1822] : memref<27x16384x128xf32, #tpu.memory_space<hbm>> -> memref<1x128x128xf32, #tpu.memory_space<hbm>>
      %dma_wait3A_1824 = tpu.memref_squeeze %dma_wait3A_1823 : memref<1x128x128xf32, #tpu.memory_space<hbm>> -> memref<128x128xf32, #tpu.memory_space<hbm>>
      tpu.wait_dma2 semaphore(%arg17 : memref<!tpu.dma_semaphore, #tpu.memory_space<semaphore_mem>>) src(%arg8 : memref<128x128xf32, #tpu.memory_space<vmem>>) dst(%dma_wait3A_1824 : memref<128x128xf32, #tpu.memory_space<hbm>>)
      %add3A_1825 = arith.constant 2 : i32
      %add3A_1826 = arith.addi %mul3A_1174, %add3A_1825 : i32
      %add3A_1827 = arith.constant 6 : i32
      %add3A_1828 = arith.addi %add3A_1826, %add3A_1827 : i32
      %jit3A_1829 = arith.constant 4 : i32
      %div3A_1830 = arith.divsi %add3A_1828, %jit3A_1829 : i32
      %sign3A_1831 = arith.constant 0 : i32
      %sign3A_1832 = arith.cmpi sgt, %add3A_1828, %sign3A_1831 : i32
      %sign3A_1833 = arith.extui %sign3A_1832 : i1 to i32
      %sign3A_1834 = arith.constant 0 : i32
      %sign3A_1835 = arith.cmpi slt, %add3A_1828, %sign3A_1834 : i32
      %sign3A_1836 = arith.extui %sign3A_1835 : i1 to i32
      %sign3A_1837 = arith.subi %sign3A_1833, %sign3A_1836 : i32
      %sign3A_1838 = arith.constant 0 : i32
      %sign3A_1839 = arith.cmpi sgt, %jit3A_1829, %sign3A_1838 : i32
      %sign3A_1840 = arith.extui %sign3A_1839 : i1 to i32
      %sign3A_1841 = arith.constant 0 : i32
      %sign3A_1842 = arith.cmpi slt, %jit3A_1829, %sign3A_1841 : i32
      %sign3A_1843 = arith.extui %sign3A_1842 : i1 to i32
      %sign3A_1844 = arith.subi %sign3A_1840, %sign3A_1843 : i32
      %ne3A_1845 = arith.cmpi ne, %sign3A_1837, %sign3A_1844 : i32
      %rem3A_1846 = arith.remsi %add3A_1828, %jit3A_1829 : i32
      %ne3A_1847 = arith.constant 0 : i32
      %ne3A_1848 = arith.cmpi ne, %rem3A_1846, %ne3A_1847 : i32
      %and3A_1849 = arith.andi %ne3A_1845, %ne3A_1848 : i1
      %sub3A_1850 = arith.constant 1 : i32
      %sub3A_1851 = arith.subi %div3A_1830, %sub3A_1850 : i32
      %select_n3A_1852 = arith.select %and3A_1849, %sub3A_1851, %div3A_1830 : i32
      %jit3A_1853 = arith.constant 4 : i32
      %eq3A_1854 = arith.constant 0 : i32
      %eq3A_1855 = arith.cmpi eq, %jit3A_1853, %eq3A_1854 : i32
      %jit3A_1856 = arith.constant 1 : i32
      %select_n3A_1857 = arith.select %eq3A_1855, %jit3A_1856, %jit3A_1853 : i32
      %rem3A_1858 = arith.remsi %add3A_1828, %select_n3A_1857 : i32
      %ne3A_1859 = arith.constant 0 : i32
      %ne3A_1860 = arith.cmpi ne, %rem3A_1858, %ne3A_1859 : i32
      %lt3A_1861 = arith.constant 0 : i32
      %lt3A_1862 = arith.cmpi slt, %rem3A_1858, %lt3A_1861 : i32
      %lt3A_1863 = arith.constant 0 : i32
      %lt3A_1864 = arith.cmpi slt, %select_n3A_1857, %lt3A_1863 : i32
      %ne3A_1865 = arith.xori %lt3A_1862, %lt3A_1864 : i1
      %and3A_1866 = arith.andi %ne3A_1865, %ne3A_1860 : i1
      %add3A_1867 = arith.addi %rem3A_1858, %select_n3A_1857 : i32
      %select_n3A_1868 = arith.select %and3A_1866, %add3A_1867, %rem3A_1858 : i32
      %mul3A_1869 = arith.constant 128 : i32
      %mul3A_1870 = arith.muli %select_n3A_1868, %mul3A_1869 : i32
      %mul3A_1871 = arith.constant 100000 : i32
      %mul3A_1872 = arith.muli %select_n3A_1852, %mul3A_1871 : i32
      %add3A_1873 = arith.constant 0 : i32
      %add3A_1874 = arith.addi %mul3A_1870, %add3A_1873 : i32
      %get3A_1875 = arith.index_cast %select_n3A_1852 : i32 to index
      %get3A_1876 = arith.index_cast %add3A_1874 : i32 to index
      %get3A_1877 = tpu.vector_load %arg5[%get3A_1875, %get3A_1876] {strides = array<i32>} : memref<26x512xi32, #tpu.memory_space<vmem>>, vector<1x16xi32>,
      %get3A_1878 = vector.shape_cast %get3A_1877 : vector<1x16xi32> to vector<16xi32>
      %add3A_1879 = vector.broadcast %mul3A_1872 : i32 to vector<16xi32>
      %add3A_1880 = arith.addi %get3A_1878, %add3A_1879 : vector<16xi32>
      %swap3A_1881 = arith.index_cast %select_n3A_1852 : i32 to index
      %swap3A_1882 = arith.index_cast %add3A_1874 : i32 to index
      %swap3A_1883 = tpu.vector_load %arg5[%swap3A_1881, %swap3A_1882] {strides = array<i32>} : memref<26x512xi32, #tpu.memory_space<vmem>>, vector<1x16xi32>,
      %swap3A_1884 = vector.shape_cast %swap3A_1883 : vector<1x16xi32> to vector<16xi32>
      %swap3A_1885 = vector.shape_cast %add3A_1880 : vector<16xi32> to vector<1x16xi32>
      tpu.vector_store %arg5[%swap3A_1881, %swap3A_1882], %swap3A_1885 {strides = array<i32>} : memref<26x512xi32, #tpu.memory_space<vmem>>, vector<1x16xi32>,
      %add3A_1886 = arith.constant 16 : i32
      %add3A_1887 = arith.addi %mul3A_1870, %add3A_1886 : i32
      %get3A_1888 = arith.index_cast %select_n3A_1852 : i32 to index
      %get3A_1889 = arith.index_cast %add3A_1887 : i32 to index
      %get3A_1890 = tpu.vector_load %arg5[%get3A_1888, %get3A_1889] {strides = array<i32>} : memref<26x512xi32, #tpu.memory_space<vmem>>, vector<1x16xi32>,
      %get3A_1891 = vector.shape_cast %get3A_1890 : vector<1x16xi32> to vector<16xi32>
      %add3A_1892 = vector.broadcast %mul3A_1872 : i32 to vector<16xi32>
      %add3A_1893 = arith.addi %get3A_1891, %add3A_1892 : vector<16xi32>
      %swap3A_1894 = arith.index_cast %select_n3A_1852 : i32 to index
      %swap3A_1895 = arith.index_cast %add3A_1887 : i32 to index
      %swap3A_1896 = tpu.vector_load %arg5[%swap3A_1894, %swap3A_1895] {strides = array<i32>} : memref<26x512xi32, #tpu.memory_space<vmem>>, vector<1x16xi32>,
      %swap3A_1897 = vector.shape_cast %swap3A_1896 : vector<1x16xi32> to vector<16xi32>
      %swap3A_1898 = vector.shape_cast %add3A_1893 : vector<16xi32> to vector<1x16xi32>
      tpu.vector_store %arg5[%swap3A_1894, %swap3A_1895], %swap3A_1898 {strides = array<i32>} : memref<26x512xi32, #tpu.memory_space<vmem>>, vector<1x16xi32>,
      %add3A_1899 = arith.constant 32 : i32
      %add3A_1900 = arith.addi %mul3A_1870, %add3A_1899 : i32
      %get3A_1901 = arith.index_cast %select_n3A_1852 : i32 to index
      %get3A_1902 = arith.index_cast %add3A_1900 : i32 to index
      %get3A_1903 = tpu.vector_load %arg5[%get3A_1901, %get3A_1902] {strides = array<i32>} : memref<26x512xi32, #tpu.memory_space<vmem>>, vector<1x16xi32>,
      %get3A_1904 = vector.shape_cast %get3A_1903 : vector<1x16xi32> to vector<16xi32>
      %add3A_1905 = vector.broadcast %mul3A_1872 : i32 to vector<16xi32>
      %add3A_1906 = arith.addi %get3A_1904, %add3A_1905 : vector<16xi32>
      %swap3A_1907 = arith.index_cast %select_n3A_1852 : i32 to index
      %swap3A_1908 = arith.index_cast %add3A_1900 : i32 to index
      %swap3A_1909 = tpu.vector_load %arg5[%swap3A_1907, %swap3A_1908] {strides = array<i32>} : memref<26x512xi32, #tpu.memory_space<vmem>>, vector<1x16xi32>,
      %swap3A_1910 = vector.shape_cast %swap3A_1909 : vector<1x16xi32> to vector<16xi32>
      %swap3A_1911 = vector.shape_cast %add3A_1906 : vector<16xi32> to vector<1x16xi32>
      tpu.vector_store %arg5[%swap3A_1907, %swap3A_1908], %swap3A_1911 {strides = array<i32>} : memref<26x512xi32, #tpu.memory_space<vmem>>, vector<1x16xi32>,
      %add3A_1912 = arith.constant 48 : i32
      %add3A_1913 = arith.addi %mul3A_1870, %add3A_1912 : i32
      %get3A_1914 = arith.index_cast %select_n3A_1852 : i32 to index
      %get3A_1915 = arith.index_cast %add3A_1913 : i32 to index
      %get3A_1916 = tpu.vector_load %arg5[%get3A_1914, %get3A_1915] {strides = array<i32>} : memref<26x512xi32, #tpu.memory_space<vmem>>, vector<1x16xi32>,
      %get3A_1917 = vector.shape_cast %get3A_1916 : vector<1x16xi32> to vector<16xi32>
      %add3A_1918 = vector.broadcast %mul3A_1872 : i32 to vector<16xi32>
      %add3A_1919 = arith.addi %get3A_1917, %add3A_1918 : vector<16xi32>
      %swap3A_1920 = arith.index_cast %select_n3A_1852 : i32 to index
      %swap3A_1921 = arith.index_cast %add3A_1913 : i32 to index
      %swap3A_1922 = tpu.vector_load %arg5[%swap3A_1920, %swap3A_1921] {strides = array<i32>} : memref<26x512xi32, #tpu.memory_space<vmem>>, vector<1x16xi32>,
      %swap3A_1923 = vector.shape_cast %swap3A_1922 : vector<1x16xi32> to vector<16xi32>
      %swap3A_1924 = vector.shape_cast %add3A_1919 : vector<16xi32> to vector<1x16xi32>
      tpu.vector_store %arg5[%swap3A_1920, %swap3A_1921], %swap3A_1924 {strides = array<i32>} : memref<26x512xi32, #tpu.memory_space<vmem>>, vector<1x16xi32>,
      %add3A_1925 = arith.constant 64 : i32
      %add3A_1926 = arith.addi %mul3A_1870, %add3A_1925 : i32
      %get3A_1927 = arith.index_cast %select_n3A_1852 : i32 to index
      %get3A_1928 = arith.index_cast %add3A_1926 : i32 to index
      %get3A_1929 = tpu.vector_load %arg5[%get3A_1927, %get3A_1928] {strides = array<i32>} : memref<26x512xi32, #tpu.memory_space<vmem>>, vector<1x16xi32>,
      %get3A_1930 = vector.shape_cast %get3A_1929 : vector<1x16xi32> to vector<16xi32>
      %add3A_1931 = vector.broadcast %mul3A_1872 : i32 to vector<16xi32>
      %add3A_1932 = arith.addi %get3A_1930, %add3A_1931 : vector<16xi32>
      %swap3A_1933 = arith.index_cast %select_n3A_1852 : i32 to index
      %swap3A_1934 = arith.index_cast %add3A_1926 : i32 to index
      %swap3A_1935 = tpu.vector_load %arg5[%swap3A_1933, %swap3A_1934] {strides = array<i32>} : memref<26x512xi32, #tpu.memory_space<vmem>>, vector<1x16xi32>,
      %swap3A_1936 = vector.shape_cast %swap3A_1935 : vector<1x16xi32> to vector<16xi32>
      %swap3A_1937 = vector.shape_cast %add3A_1932 : vector<16xi32> to vector<1x16xi32>
      tpu.vector_store %arg5[%swap3A_1933, %swap3A_1934], %swap3A_1937 {strides = array<i32>} : memref<26x512xi32, #tpu.memory_space<vmem>>, vector<1x16xi32>,
      %add3A_1938 = arith.constant 80 : i32
      %add3A_1939 = arith.addi %mul3A_1870, %add3A_1938 : i32
      %get3A_1940 = arith.index_cast %select_n3A_1852 : i32 to index
      %get3A_1941 = arith.index_cast %add3A_1939 : i32 to index
      %get3A_1942 = tpu.vector_load %arg5[%get3A_1940, %get3A_1941] {strides = array<i32>} : memref<26x512xi32, #tpu.memory_space<vmem>>, vector<1x16xi32>,
      %get3A_1943 = vector.shape_cast %get3A_1942 : vector<1x16xi32> to vector<16xi32>
      %add3A_1944 = vector.broadcast %mul3A_1872 : i32 to vector<16xi32>
      %add3A_1945 = arith.addi %get3A_1943, %add3A_1944 : vector<16xi32>
      %swap3A_1946 = arith.index_cast %select_n3A_1852 : i32 to index
      %swap3A_1947 = arith.index_cast %add3A_1939 : i32 to index
      %swap3A_1948 = tpu.vector_load %arg5[%swap3A_1946, %swap3A_1947] {strides = array<i32>} : memref<26x512xi32, #tpu.memory_space<vmem>>, vector<1x16xi32>,
      %swap3A_1949 = vector.shape_cast %swap3A_1948 : vector<1x16xi32> to vector<16xi32>
      %swap3A_1950 = vector.shape_cast %add3A_1945 : vector<16xi32> to vector<1x16xi32>
      tpu.vector_store %arg5[%swap3A_1946, %swap3A_1947], %swap3A_1950 {strides = array<i32>} : memref<26x512xi32, #tpu.memory_space<vmem>>, vector<1x16xi32>,
      %add3A_1951 = arith.constant 96 : i32
      %add3A_1952 = arith.addi %mul3A_1870, %add3A_1951 : i32
      %get3A_1953 = arith.index_cast %select_n3A_1852 : i32 to index
      %get3A_1954 = arith.index_cast %add3A_1952 : i32 to index
      %get3A_1955 = tpu.vector_load %arg5[%get3A_1953, %get3A_1954] {strides = array<i32>} : memref<26x512xi32, #tpu.memory_space<vmem>>, vector<1x16xi32>,
      %get3A_1956 = vector.shape_cast %get3A_1955 : vector<1x16xi32> to vector<16xi32>
      %add3A_1957 = vector.broadcast %mul3A_1872 : i32 to vector<16xi32>
      %add3A_1958 = arith.addi %get3A_1956, %add3A_1957 : vector<16xi32>
      %swap3A_1959 = arith.index_cast %select_n3A_1852 : i32 to index
      %swap3A_1960 = arith.index_cast %add3A_1952 : i32 to index
      %swap3A_1961 = tpu.vector_load %arg5[%swap3A_1959, %swap3A_1960] {strides = array<i32>} : memref<26x512xi32, #tpu.memory_space<vmem>>, vector<1x16xi32>,
      %swap3A_1962 = vector.shape_cast %swap3A_1961 : vector<1x16xi32> to vector<16xi32>
      %swap3A_1963 = vector.shape_cast %add3A_1958 : vector<16xi32> to vector<1x16xi32>
      tpu.vector_store %arg5[%swap3A_1959, %swap3A_1960], %swap3A_1963 {strides = array<i32>} : memref<26x512xi32, #tpu.memory_space<vmem>>, vector<1x16xi32>,
      %add3A_1964 = arith.constant 112 : i32
      %add3A_1965 = arith.addi %mul3A_1870, %add3A_1964 : i32
      %get3A_1966 = arith.index_cast %select_n3A_1852 : i32 to index
      %get3A_1967 = arith.index_cast %add3A_1965 : i32 to index
      %get3A_1968 = tpu.vector_load %arg5[%get3A_1966, %get3A_1967] {strides = array<i32>} : memref<26x512xi32, #tpu.memory_space<vmem>>, vector<1x16xi32>,
      %get3A_1969 = vector.shape_cast %get3A_1968 : vector<1x16xi32> to vector<16xi32>
      %add3A_1970 = vector.broadcast %mul3A_1872 : i32 to vector<16xi32>
      %add3A_1971 = arith.addi %get3A_1969, %add3A_1970 : vector<16xi32>
      %swap3A_1972 = arith.index_cast %select_n3A_1852 : i32 to index
      %swap3A_1973 = arith.index_cast %add3A_1965 : i32 to index
      %swap3A_1974 = tpu.vector_load %arg5[%swap3A_1972, %swap3A_1973] {strides = array<i32>} : memref<26x512xi32, #tpu.memory_space<vmem>>, vector<1x16xi32>,
      %swap3A_1975 = vector.shape_cast %swap3A_1974 : vector<1x16xi32> to vector<16xi32>
      %swap3A_1976 = vector.shape_cast %add3A_1971 : vector<16xi32> to vector<1x16xi32>
      tpu.vector_store %arg5[%swap3A_1972, %swap3A_1973], %swap3A_1976 {strides = array<i32>} : memref<26x512xi32, #tpu.memory_space<vmem>>, vector<1x16xi32>,
      %add3A_1977 = arith.constant 0 : i32
      %add3A_1978 = arith.addi %mul3A_1870, %add3A_1977 : i32
      %dma_start3A_1979 = arith.constant 0 : i32
      %dma_start3A_1980 = arith.constant 0 : i32
      %dma_start3A_1981 = tpu.memref_slice %arg8[%dma_start3A_1979, %dma_start3A_1980] : memref<128x128xf32, #tpu.memory_space<vmem>> -> memref<128x128xf32, #tpu.memory_space<vmem>>
      %dma_start3A_1982 = tpu.memref_slice %arg5[%select_n3A_1852, %add3A_1978] : memref<26x512xi32, #tpu.memory_space<vmem>> -> memref<1x128xi32, #tpu.memory_space<vmem>>
      %dma_start3A_1983 = tpu.memref_squeeze %dma_start3A_1982 : memref<1x128xi32, #tpu.memory_space<vmem>> -> memref<128xi32, #tpu.memory_space<vmem>>
      %dma_start3A_1984 = arith.constant 0 : i32
      %dma_start3A_1985 = arith.constant 0 : i32
      %dma_start3A_1986 = tpu.memref_slice %arg2[%dma_start3A_1984, %dma_start3A_1985] : memref<2600000x128xf32, #tpu.memory_space<hbm>> -> memref<2600000x128xf32, #tpu.memory_space<hbm>>
      tpu.enqueue_indirect_dma source(%dma_start3A_1986 : memref<2600000x128xf32, #tpu.memory_space<hbm>>) target(%dma_start3A_1981 : memref<128x128xf32, #tpu.memory_space<vmem>>) offsets(%dma_start3A_1983 : memref<128xi32, #tpu.memory_space<vmem>>) semaphore(%arg16 : memref<!tpu.dma_semaphore, #tpu.memory_space<semaphore_mem>>)
      %dma_wait3A_1987 = arith.constant 0 : i32
      %dma_wait3A_1988 = arith.constant 0 : i32
      %dma_wait3A_1989 = tpu.memref_slice %arg2[%dma_wait3A_1987, %dma_wait3A_1988] : memref<2600000x128xf32, #tpu.memory_space<hbm>> -> memref<128x128xf32, #tpu.memory_space<hbm>>
      %dma_wait3A_1990 = arith.constant 0 : i32
      %dma_wait3A_1991 = arith.constant 0 : i32
      %dma_wait3A_1992 = tpu.memref_slice %arg2[%dma_wait3A_1990, %dma_wait3A_1991] : memref<2600000x128xf32, #tpu.memory_space<hbm>> -> memref<128x128xf32, #tpu.memory_space<hbm>>
      tpu.wait_dma2 semaphore(%arg18 : memref<!tpu.dma_semaphore, #tpu.memory_space<semaphore_mem>>) src(%dma_wait3A_1992 : memref<128x128xf32, #tpu.memory_space<hbm>>) dst(%arg9 : memref<128x128xf32, #tpu.memory_space<vmem>>)
      %add3A_1993 = arith.constant 3 : i32
      %add3A_1994 = arith.addi %mul3A_1174, %add3A_1993 : i32
      %jit3A_1995 = arith.constant 4 : i32
      %div3A_1996 = arith.divsi %add3A_1994, %jit3A_1995 : i32
      %sign3A_1997 = arith.constant 0 : i32
      %sign3A_1998 = arith.cmpi sgt, %add3A_1994, %sign3A_1997 : i32
      %sign3A_1999 = arith.extui %sign3A_1998 : i1 to i32
      %sign3A_2000 = arith.constant 0 : i32
      %sign3A_2001 = arith.cmpi slt, %add3A_1994, %sign3A_2000 : i32
      %sign3A_2002 = arith.extui %sign3A_2001 : i1 to i32
      %sign3A_2003 = arith.subi %sign3A_1999, %sign3A_2002 : i32
      %sign3A_2004 = arith.constant 0 : i32
      %sign3A_2005 = arith.cmpi sgt, %jit3A_1995, %sign3A_2004 : i32
      %sign3A_2006 = arith.extui %sign3A_2005 : i1 to i32
      %sign3A_2007 = arith.constant 0 : i32
      %sign3A_2008 = arith.cmpi slt, %jit3A_1995, %sign3A_2007 : i32
      %sign3A_2009 = arith.extui %sign3A_2008 : i1 to i32
      %sign3A_2010 = arith.subi %sign3A_2006, %sign3A_2009 : i32
      %ne3A_2011 = arith.cmpi ne, %sign3A_2003, %sign3A_2010 : i32
      %rem3A_2012 = arith.remsi %add3A_1994, %jit3A_1995 : i32
      %ne3A_2013 = arith.constant 0 : i32
      %ne3A_2014 = arith.cmpi ne, %rem3A_2012, %ne3A_2013 : i32
      %and3A_2015 = arith.andi %ne3A_2011, %ne3A_2014 : i1
      %sub3A_2016 = arith.constant 1 : i32
      %sub3A_2017 = arith.subi %div3A_1996, %sub3A_2016 : i32
      %select_n3A_2018 = arith.select %and3A_2015, %sub3A_2017, %div3A_1996 : i32
      %jit3A_2019 = arith.constant 4 : i32
      %eq3A_2020 = arith.constant 0 : i32
      %eq3A_2021 = arith.cmpi eq, %jit3A_2019, %eq3A_2020 : i32
      %jit3A_2022 = arith.constant 1 : i32
      %select_n3A_2023 = arith.select %eq3A_2021, %jit3A_2022, %jit3A_2019 : i32
      %rem3A_2024 = arith.remsi %add3A_1994, %select_n3A_2023 : i32
      %ne3A_2025 = arith.constant 0 : i32
      %ne3A_2026 = arith.cmpi ne, %rem3A_2024, %ne3A_2025 : i32
      %lt3A_2027 = arith.constant 0 : i32
      %lt3A_2028 = arith.cmpi slt, %rem3A_2024, %lt3A_2027 : i32
      %lt3A_2029 = arith.constant 0 : i32
      %lt3A_2030 = arith.cmpi slt, %select_n3A_2023, %lt3A_2029 : i32
      %ne3A_2031 = arith.xori %lt3A_2028, %lt3A_2030 : i1
      %and3A_2032 = arith.andi %ne3A_2031, %ne3A_2026 : i1
      %add3A_2033 = arith.addi %rem3A_2024, %select_n3A_2023 : i32
      %select_n3A_2034 = arith.select %and3A_2032, %add3A_2033, %rem3A_2024 : i32
      %add3A_2035 = arith.constant 1 : i32
      %add3A_2036 = arith.addi %add3A_2035, %select_n3A_2018 : i32
      %mul3A_2037 = arith.constant 128 : i32
      %mul3A_2038 = arith.muli %select_n3A_2034, %mul3A_2037 : i32
      %add3A_2039 = arith.addi %mul3A_2, %mul3A_2038 : i32
      %dma_start3A_2040 = arith.constant 0 : i32
      %dma_start3A_2041 = tpu.memref_slice %arg4[%add3A_2036, %add3A_2039, %dma_start3A_2040] : memref<27x16384x128xf32, #tpu.memory_space<hbm>> -> memref<1x128x128xf32, #tpu.memory_space<hbm>>
      %dma_start3A_2042 = tpu.memref_squeeze %dma_start3A_2041 : memref<1x128x128xf32, #tpu.memory_space<hbm>> -> memref<128x128xf32, #tpu.memory_space<hbm>>
      %dma_start3A_2043 = arith.constant 0 : i32
      %dma_start3A_2044 = tpu.memref_slice %arg4[%add3A_2036, %add3A_2039, %dma_start3A_2043] : memref<27x16384x128xf32, #tpu.memory_space<hbm>> -> memref<1x128x128xf32, #tpu.memory_space<hbm>>
      %dma_start3A_2045 = tpu.memref_squeeze %dma_start3A_2044 : memref<1x128x128xf32, #tpu.memory_space<hbm>> -> memref<128x128xf32, #tpu.memory_space<hbm>>
      tpu.enqueue_dma source(%arg9 : memref<128x128xf32, #tpu.memory_space<vmem>>) target(%dma_start3A_2045 : memref<128x128xf32, #tpu.memory_space<hbm>>) target_semaphore(%arg19 : memref<!tpu.dma_semaphore, #tpu.memory_space<semaphore_mem>>)
      %add3A_2046 = arith.constant 3 : i32
      %add3A_2047 = arith.addi %mul3A_1174, %add3A_2046 : i32
      %jit3A_2048 = arith.constant 4 : i32
      %div3A_2049 = arith.divsi %add3A_2047, %jit3A_2048 : i32
      %sign3A_2050 = arith.constant 0 : i32
      %sign3A_2051 = arith.cmpi sgt, %add3A_2047, %sign3A_2050 : i32
      %sign3A_2052 = arith.extui %sign3A_2051 : i1 to i32
      %sign3A_2053 = arith.constant 0 : i32
      %sign3A_2054 = arith.cmpi slt, %add3A_2047, %sign3A_2053 : i32
      %sign3A_2055 = arith.extui %sign3A_2054 : i1 to i32
      %sign3A_2056 = arith.subi %sign3A_2052, %sign3A_2055 : i32
      %sign3A_2057 = arith.constant 0 : i32
      %sign3A_2058 = arith.cmpi sgt, %jit3A_2048, %sign3A_2057 : i32
      %sign3A_2059 = arith.extui %sign3A_2058 : i1 to i32
      %sign3A_2060 = arith.constant 0 : i32
      %sign3A_2061 = arith.cmpi slt, %jit3A_2048, %sign3A_2060 : i32
      %sign3A_2062 = arith.extui %sign3A_2061 : i1 to i32
      %sign3A_2063 = arith.subi %sign3A_2059, %sign3A_2062 : i32
      %ne3A_2064 = arith.cmpi ne, %sign3A_2056, %sign3A_2063 : i32
      %rem3A_2065 = arith.remsi %add3A_2047, %jit3A_2048 : i32
      %ne3A_2066 = arith.constant 0 : i32
      %ne3A_2067 = arith.cmpi ne, %rem3A_2065, %ne3A_2066 : i32
      %and3A_2068 = arith.andi %ne3A_2064, %ne3A_2067 : i1
      %sub3A_2069 = arith.constant 1 : i32
      %sub3A_2070 = arith.subi %div3A_2049, %sub3A_2069 : i32
      %select_n3A_2071 = arith.select %and3A_2068, %sub3A_2070, %div3A_2049 : i32
      %jit3A_2072 = arith.constant 4 : i32
      %eq3A_2073 = arith.constant 0 : i32
      %eq3A_2074 = arith.cmpi eq, %jit3A_2072, %eq3A_2073 : i32
      %jit3A_2075 = arith.constant 1 : i32
      %select_n3A_2076 = arith.select %eq3A_2074, %jit3A_2075, %jit3A_2072 : i32
      %rem3A_2077 = arith.remsi %add3A_2047, %select_n3A_2076 : i32
      %ne3A_2078 = arith.constant 0 : i32
      %ne3A_2079 = arith.cmpi ne, %rem3A_2077, %ne3A_2078 : i32
      %lt3A_2080 = arith.constant 0 : i32
      %lt3A_2081 = arith.cmpi slt, %rem3A_2077, %lt3A_2080 : i32
      %lt3A_2082 = arith.constant 0 : i32
      %lt3A_2083 = arith.cmpi slt, %select_n3A_2076, %lt3A_2082 : i32
      %ne3A_2084 = arith.xori %lt3A_2081, %lt3A_2083 : i1
      %and3A_2085 = arith.andi %ne3A_2084, %ne3A_2079 : i1
      %add3A_2086 = arith.addi %rem3A_2077, %select_n3A_2076 : i32
      %select_n3A_2087 = arith.select %and3A_2085, %add3A_2086, %rem3A_2077 : i32
      %add3A_2088 = arith.constant 1 : i32
      %add3A_2089 = arith.addi %add3A_2088, %select_n3A_2071 : i32
      %mul3A_2090 = arith.constant 128 : i32
      %mul3A_2091 = arith.muli %select_n3A_2087, %mul3A_2090 : i32
      %add3A_2092 = arith.addi %mul3A_2, %mul3A_2091 : i32
      %dma_wait3A_2093 = arith.constant 0 : i32
      %dma_wait3A_2094 = tpu.memref_slice %arg4[%add3A_2089, %add3A_2092, %dma_wait3A_2093] : memref<27x16384x128xf32, #tpu.memory_space<hbm>> -> memref<1x128x128xf32, #tpu.memory_space<hbm>>
      %dma_wait3A_2095 = tpu.memref_squeeze %dma_wait3A_2094 : memref<1x128x128xf32, #tpu.memory_space<hbm>> -> memref<128x128xf32, #tpu.memory_space<hbm>>
      %dma_wait3A_2096 = arith.constant 0 : i32
      %dma_wait3A_2097 = tpu.memref_slice %arg4[%add3A_2089, %add3A_2092, %dma_wait3A_2096] : memref<27x16384x128xf32, #tpu.memory_space<hbm>> -> memref<1x128x128xf32, #tpu.memory_space<hbm>>
      %dma_wait3A_2098 = tpu.memref_squeeze %dma_wait3A_2097 : memref<1x128x128xf32, #tpu.memory_space<hbm>> -> memref<128x128xf32, #tpu.memory_space<hbm>>
      tpu.wait_dma2 semaphore(%arg19 : memref<!tpu.dma_semaphore, #tpu.memory_space<semaphore_mem>>) src(%arg9 : memref<128x128xf32, #tpu.memory_space<vmem>>) dst(%dma_wait3A_2098 : memref<128x128xf32, #tpu.memory_space<hbm>>)
      %add3A_2099 = arith.constant 3 : i32
      %add3A_2100 = arith.addi %mul3A_1174, %add3A_2099 : i32
      %add3A_2101 = arith.constant 6 : i32
      %add3A_2102 = arith.addi %add3A_2100, %add3A_2101 : i32
      %jit3A_2103 = arith.constant 4 : i32
      %div3A_2104 = arith.divsi %add3A_2102, %jit3A_2103 : i32
      %sign3A_2105 = arith.constant 0 : i32
      %sign3A_2106 = arith.cmpi sgt, %add3A_2102, %sign3A_2105 : i32
      %sign3A_2107 = arith.extui %sign3A_2106 : i1 to i32
      %sign3A_2108 = arith.constant 0 : i32
      %sign3A_2109 = arith.cmpi slt, %add3A_2102, %sign3A_2108 : i32
      %sign3A_2110 = arith.extui %sign3A_2109 : i1 to i32
      %sign3A_2111 = arith.subi %sign3A_2107, %sign3A_2110 : i32
      %sign3A_2112 = arith.constant 0 : i32
      %sign3A_2113 = arith.cmpi sgt, %jit3A_2103, %sign3A_2112 : i32
      %sign3A_2114 = arith.extui %sign3A_2113 : i1 to i32
      %sign3A_2115 = arith.constant 0 : i32
      %sign3A_2116 = arith.cmpi slt, %jit3A_2103, %sign3A_2115 : i32
      %sign3A_2117 = arith.extui %sign3A_2116 : i1 to i32
      %sign3A_2118 = arith.subi %sign3A_2114, %sign3A_2117 : i32
      %ne3A_2119 = arith.cmpi ne, %sign3A_2111, %sign3A_2118 : i32
      %rem3A_2120 = arith.remsi %add3A_2102, %jit3A_2103 : i32
      %ne3A_2121 = arith.constant 0 : i32
      %ne3A_2122 = arith.cmpi ne, %rem3A_2120, %ne3A_2121 : i32
      %and3A_2123 = arith.andi %ne3A_2119, %ne3A_2122 : i1
      %sub3A_2124 = arith.constant 1 : i32
      %sub3A_2125 = arith.subi %div3A_2104, %sub3A_2124 : i32
      %select_n3A_2126 = arith.select %and3A_2123, %sub3A_2125, %div3A_2104 : i32
      %jit3A_2127 = arith.constant 4 : i32
      %eq3A_2128 = arith.constant 0 : i32
      %eq3A_2129 = arith.cmpi eq, %jit3A_2127, %eq3A_2128 : i32
      %jit3A_2130 = arith.constant 1 : i32
      %select_n3A_2131 = arith.select %eq3A_2129, %jit3A_2130, %jit3A_2127 : i32
      %rem3A_2132 = arith.remsi %add3A_2102, %select_n3A_2131 : i32
      %ne3A_2133 = arith.constant 0 : i32
      %ne3A_2134 = arith.cmpi ne, %rem3A_2132, %ne3A_2133 : i32
      %lt3A_2135 = arith.constant 0 : i32
      %lt3A_2136 = arith.cmpi slt, %rem3A_2132, %lt3A_2135 : i32
      %lt3A_2137 = arith.constant 0 : i32
      %lt3A_2138 = arith.cmpi slt, %select_n3A_2131, %lt3A_2137 : i32
      %ne3A_2139 = arith.xori %lt3A_2136, %lt3A_2138 : i1
      %and3A_2140 = arith.andi %ne3A_2139, %ne3A_2134 : i1
      %add3A_2141 = arith.addi %rem3A_2132, %select_n3A_2131 : i32
      %select_n3A_2142 = arith.select %and3A_2140, %add3A_2141, %rem3A_2132 : i32
      %mul3A_2143 = arith.constant 128 : i32
      %mul3A_2144 = arith.muli %select_n3A_2142, %mul3A_2143 : i32
      %mul3A_2145 = arith.constant 100000 : i32
      %mul3A_2146 = arith.muli %select_n3A_2126, %mul3A_2145 : i32
      %add3A_2147 = arith.constant 0 : i32
      %add3A_2148 = arith.addi %mul3A_2144, %add3A_2147 : i32
      %get3A_2149 = arith.index_cast %select_n3A_2126 : i32 to index
      %get3A_2150 = arith.index_cast %add3A_2148 : i32 to index
      %get3A_2151 = tpu.vector_load %arg5[%get3A_2149, %get3A_2150] {strides = array<i32>} : memref<26x512xi32, #tpu.memory_space<vmem>>, vector<1x16xi32>,
      %get3A_2152 = vector.shape_cast %get3A_2151 : vector<1x16xi32> to vector<16xi32>
      %add3A_2153 = vector.broadcast %mul3A_2146 : i32 to vector<16xi32>
      %add3A_2154 = arith.addi %get3A_2152, %add3A_2153 : vector<16xi32>
      %swap3A_2155 = arith.index_cast %select_n3A_2126 : i32 to index
      %swap3A_2156 = arith.index_cast %add3A_2148 : i32 to index
      %swap3A_2157 = tpu.vector_load %arg5[%swap3A_2155, %swap3A_2156] {strides = array<i32>} : memref<26x512xi32, #tpu.memory_space<vmem>>, vector<1x16xi32>,
      %swap3A_2158 = vector.shape_cast %swap3A_2157 : vector<1x16xi32> to vector<16xi32>
      %swap3A_2159 = vector.shape_cast %add3A_2154 : vector<16xi32> to vector<1x16xi32>
      tpu.vector_store %arg5[%swap3A_2155, %swap3A_2156], %swap3A_2159 {strides = array<i32>} : memref<26x512xi32, #tpu.memory_space<vmem>>, vector<1x16xi32>,
      %add3A_2160 = arith.constant 16 : i32
      %add3A_2161 = arith.addi %mul3A_2144, %add3A_2160 : i32
      %get3A_2162 = arith.index_cast %select_n3A_2126 : i32 to index
      %get3A_2163 = arith.index_cast %add3A_2161 : i32 to index
      %get3A_2164 = tpu.vector_load %arg5[%get3A_2162, %get3A_2163] {strides = array<i32>} : memref<26x512xi32, #tpu.memory_space<vmem>>, vector<1x16xi32>,
      %get3A_2165 = vector.shape_cast %get3A_2164 : vector<1x16xi32> to vector<16xi32>
      %add3A_2166 = vector.broadcast %mul3A_2146 : i32 to vector<16xi32>
      %add3A_2167 = arith.addi %get3A_2165, %add3A_2166 : vector<16xi32>
      %swap3A_2168 = arith.index_cast %select_n3A_2126 : i32 to index
      %swap3A_2169 = arith.index_cast %add3A_2161 : i32 to index
      %swap3A_2170 = tpu.vector_load %arg5[%swap3A_2168, %swap3A_2169] {strides = array<i32>} : memref<26x512xi32, #tpu.memory_space<vmem>>, vector<1x16xi32>,
      %swap3A_2171 = vector.shape_cast %swap3A_2170 : vector<1x16xi32> to vector<16xi32>
      %swap3A_2172 = vector.shape_cast %add3A_2167 : vector<16xi32> to vector<1x16xi32>
      tpu.vector_store %arg5[%swap3A_2168, %swap3A_2169], %swap3A_2172 {strides = array<i32>} : memref<26x512xi32, #tpu.memory_space<vmem>>, vector<1x16xi32>,
      %add3A_2173 = arith.constant 32 : i32
      %add3A_2174 = arith.addi %mul3A_2144, %add3A_2173 : i32
      %get3A_2175 = arith.index_cast %select_n3A_2126 : i32 to index
      %get3A_2176 = arith.index_cast %add3A_2174 : i32 to index
      %get3A_2177 = tpu.vector_load %arg5[%get3A_2175, %get3A_2176] {strides = array<i32>} : memref<26x512xi32, #tpu.memory_space<vmem>>, vector<1x16xi32>,
      %get3A_2178 = vector.shape_cast %get3A_2177 : vector<1x16xi32> to vector<16xi32>
      %add3A_2179 = vector.broadcast %mul3A_2146 : i32 to vector<16xi32>
      %add3A_2180 = arith.addi %get3A_2178, %add3A_2179 : vector<16xi32>
      %swap3A_2181 = arith.index_cast %select_n3A_2126 : i32 to index
      %swap3A_2182 = arith.index_cast %add3A_2174 : i32 to index
      %swap3A_2183 = tpu.vector_load %arg5[%swap3A_2181, %swap3A_2182] {strides = array<i32>} : memref<26x512xi32, #tpu.memory_space<vmem>>, vector<1x16xi32>,
      %swap3A_2184 = vector.shape_cast %swap3A_2183 : vector<1x16xi32> to vector<16xi32>
      %swap3A_2185 = vector.shape_cast %add3A_2180 : vector<16xi32> to vector<1x16xi32>
      tpu.vector_store %arg5[%swap3A_2181, %swap3A_2182], %swap3A_2185 {strides = array<i32>} : memref<26x512xi32, #tpu.memory_space<vmem>>, vector<1x16xi32>,
      %add3A_2186 = arith.constant 48 : i32
      %add3A_2187 = arith.addi %mul3A_2144, %add3A_2186 : i32
      %get3A_2188 = arith.index_cast %select_n3A_2126 : i32 to index
      %get3A_2189 = arith.index_cast %add3A_2187 : i32 to index
      %get3A_2190 = tpu.vector_load %arg5[%get3A_2188, %get3A_2189] {strides = array<i32>} : memref<26x512xi32, #tpu.memory_space<vmem>>, vector<1x16xi32>,
      %get3A_2191 = vector.shape_cast %get3A_2190 : vector<1x16xi32> to vector<16xi32>
      %add3A_2192 = vector.broadcast %mul3A_2146 : i32 to vector<16xi32>
      %add3A_2193 = arith.addi %get3A_2191, %add3A_2192 : vector<16xi32>
      %swap3A_2194 = arith.index_cast %select_n3A_2126 : i32 to index
      %swap3A_2195 = arith.index_cast %add3A_2187 : i32 to index
      %swap3A_2196 = tpu.vector_load %arg5[%swap3A_2194, %swap3A_2195] {strides = array<i32>} : memref<26x512xi32, #tpu.memory_space<vmem>>, vector<1x16xi32>,
      %swap3A_2197 = vector.shape_cast %swap3A_2196 : vector<1x16xi32> to vector<16xi32>
      %swap3A_2198 = vector.shape_cast %add3A_2193 : vector<16xi32> to vector<1x16xi32>
      tpu.vector_store %arg5[%swap3A_2194, %swap3A_2195], %swap3A_2198 {strides = array<i32>} : memref<26x512xi32, #tpu.memory_space<vmem>>, vector<1x16xi32>,
      %add3A_2199 = arith.constant 64 : i32
      %add3A_2200 = arith.addi %mul3A_2144, %add3A_2199 : i32
      %get3A_2201 = arith.index_cast %select_n3A_2126 : i32 to index
      %get3A_2202 = arith.index_cast %add3A_2200 : i32 to index
      %get3A_2203 = tpu.vector_load %arg5[%get3A_2201, %get3A_2202] {strides = array<i32>} : memref<26x512xi32, #tpu.memory_space<vmem>>, vector<1x16xi32>,
      %get3A_2204 = vector.shape_cast %get3A_2203 : vector<1x16xi32> to vector<16xi32>
      %add3A_2205 = vector.broadcast %mul3A_2146 : i32 to vector<16xi32>
      %add3A_2206 = arith.addi %get3A_2204, %add3A_2205 : vector<16xi32>
      %swap3A_2207 = arith.index_cast %select_n3A_2126 : i32 to index
      %swap3A_2208 = arith.index_cast %add3A_2200 : i32 to index
      %swap3A_2209 = tpu.vector_load %arg5[%swap3A_2207, %swap3A_2208] {strides = array<i32>} : memref<26x512xi32, #tpu.memory_space<vmem>>, vector<1x16xi32>,
      %swap3A_2210 = vector.shape_cast %swap3A_2209 : vector<1x16xi32> to vector<16xi32>
      %swap3A_2211 = vector.shape_cast %add3A_2206 : vector<16xi32> to vector<1x16xi32>
      tpu.vector_store %arg5[%swap3A_2207, %swap3A_2208], %swap3A_2211 {strides = array<i32>} : memref<26x512xi32, #tpu.memory_space<vmem>>, vector<1x16xi32>,
      %add3A_2212 = arith.constant 80 : i32
      %add3A_2213 = arith.addi %mul3A_2144, %add3A_2212 : i32
      %get3A_2214 = arith.index_cast %select_n3A_2126 : i32 to index
      %get3A_2215 = arith.index_cast %add3A_2213 : i32 to index
      %get3A_2216 = tpu.vector_load %arg5[%get3A_2214, %get3A_2215] {strides = array<i32>} : memref<26x512xi32, #tpu.memory_space<vmem>>, vector<1x16xi32>,
      %get3A_2217 = vector.shape_cast %get3A_2216 : vector<1x16xi32> to vector<16xi32>
      %add3A_2218 = vector.broadcast %mul3A_2146 : i32 to vector<16xi32>
      %add3A_2219 = arith.addi %get3A_2217, %add3A_2218 : vector<16xi32>
      %swap3A_2220 = arith.index_cast %select_n3A_2126 : i32 to index
      %swap3A_2221 = arith.index_cast %add3A_2213 : i32 to index
      %swap3A_2222 = tpu.vector_load %arg5[%swap3A_2220, %swap3A_2221] {strides = array<i32>} : memref<26x512xi32, #tpu.memory_space<vmem>>, vector<1x16xi32>,
      %swap3A_2223 = vector.shape_cast %swap3A_2222 : vector<1x16xi32> to vector<16xi32>
      %swap3A_2224 = vector.shape_cast %add3A_2219 : vector<16xi32> to vector<1x16xi32>
      tpu.vector_store %arg5[%swap3A_2220, %swap3A_2221], %swap3A_2224 {strides = array<i32>} : memref<26x512xi32, #tpu.memory_space<vmem>>, vector<1x16xi32>,
      %add3A_2225 = arith.constant 96 : i32
      %add3A_2226 = arith.addi %mul3A_2144, %add3A_2225 : i32
      %get3A_2227 = arith.index_cast %select_n3A_2126 : i32 to index
      %get3A_2228 = arith.index_cast %add3A_2226 : i32 to index
      %get3A_2229 = tpu.vector_load %arg5[%get3A_2227, %get3A_2228] {strides = array<i32>} : memref<26x512xi32, #tpu.memory_space<vmem>>, vector<1x16xi32>,
      %get3A_2230 = vector.shape_cast %get3A_2229 : vector<1x16xi32> to vector<16xi32>
      %add3A_2231 = vector.broadcast %mul3A_2146 : i32 to vector<16xi32>
      %add3A_2232 = arith.addi %get3A_2230, %add3A_2231 : vector<16xi32>
      %swap3A_2233 = arith.index_cast %select_n3A_2126 : i32 to index
      %swap3A_2234 = arith.index_cast %add3A_2226 : i32 to index
      %swap3A_2235 = tpu.vector_load %arg5[%swap3A_2233, %swap3A_2234] {strides = array<i32>} : memref<26x512xi32, #tpu.memory_space<vmem>>, vector<1x16xi32>,
      %swap3A_2236 = vector.shape_cast %swap3A_2235 : vector<1x16xi32> to vector<16xi32>
      %swap3A_2237 = vector.shape_cast %add3A_2232 : vector<16xi32> to vector<1x16xi32>
      tpu.vector_store %arg5[%swap3A_2233, %swap3A_2234], %swap3A_2237 {strides = array<i32>} : memref<26x512xi32, #tpu.memory_space<vmem>>, vector<1x16xi32>,
      %add3A_2238 = arith.constant 112 : i32
      %add3A_2239 = arith.addi %mul3A_2144, %add3A_2238 : i32
      %get3A_2240 = arith.index_cast %select_n3A_2126 : i32 to index
      %get3A_2241 = arith.index_cast %add3A_2239 : i32 to index
      %get3A_2242 = tpu.vector_load %arg5[%get3A_2240, %get3A_2241] {strides = array<i32>} : memref<26x512xi32, #tpu.memory_space<vmem>>, vector<1x16xi32>,
      %get3A_2243 = vector.shape_cast %get3A_2242 : vector<1x16xi32> to vector<16xi32>
      %add3A_2244 = vector.broadcast %mul3A_2146 : i32 to vector<16xi32>
      %add3A_2245 = arith.addi %get3A_2243, %add3A_2244 : vector<16xi32>
      %swap3A_2246 = arith.index_cast %select_n3A_2126 : i32 to index
      %swap3A_2247 = arith.index_cast %add3A_2239 : i32 to index
      %swap3A_2248 = tpu.vector_load %arg5[%swap3A_2246, %swap3A_2247] {strides = array<i32>} : memref<26x512xi32, #tpu.memory_space<vmem>>, vector<1x16xi32>,
      %swap3A_2249 = vector.shape_cast %swap3A_2248 : vector<1x16xi32> to vector<16xi32>
      %swap3A_2250 = vector.shape_cast %add3A_2245 : vector<16xi32> to vector<1x16xi32>
      tpu.vector_store %arg5[%swap3A_2246, %swap3A_2247], %swap3A_2250 {strides = array<i32>} : memref<26x512xi32, #tpu.memory_space<vmem>>, vector<1x16xi32>,
      %add3A_2251 = arith.constant 0 : i32
      %add3A_2252 = arith.addi %mul3A_2144, %add3A_2251 : i32
      %dma_start3A_2253 = arith.constant 0 : i32
      %dma_start3A_2254 = arith.constant 0 : i32
      %dma_start3A_2255 = tpu.memref_slice %arg9[%dma_start3A_2253, %dma_start3A_2254] : memref<128x128xf32, #tpu.memory_space<vmem>> -> memref<128x128xf32, #tpu.memory_space<vmem>>
      %dma_start3A_2256 = tpu.memref_slice %arg5[%select_n3A_2126, %add3A_2252] : memref<26x512xi32, #tpu.memory_space<vmem>> -> memref<1x128xi32, #tpu.memory_space<vmem>>
      %dma_start3A_2257 = tpu.memref_squeeze %dma_start3A_2256 : memref<1x128xi32, #tpu.memory_space<vmem>> -> memref<128xi32, #tpu.memory_space<vmem>>
      %dma_start3A_2258 = arith.constant 0 : i32
      %dma_start3A_2259 = arith.constant 0 : i32
      %dma_start3A_2260 = tpu.memref_slice %arg2[%dma_start3A_2258, %dma_start3A_2259] : memref<2600000x128xf32, #tpu.memory_space<hbm>> -> memref<2600000x128xf32, #tpu.memory_space<hbm>>
      tpu.enqueue_indirect_dma source(%dma_start3A_2260 : memref<2600000x128xf32, #tpu.memory_space<hbm>>) target(%dma_start3A_2255 : memref<128x128xf32, #tpu.memory_space<vmem>>) offsets(%dma_start3A_2257 : memref<128xi32, #tpu.memory_space<vmem>>) semaphore(%arg18 : memref<!tpu.dma_semaphore, #tpu.memory_space<semaphore_mem>>)
      %dma_wait3A_2261 = arith.constant 0 : i32
      %dma_wait3A_2262 = arith.constant 0 : i32
      %dma_wait3A_2263 = tpu.memref_slice %arg2[%dma_wait3A_2261, %dma_wait3A_2262] : memref<2600000x128xf32, #tpu.memory_space<hbm>> -> memref<128x128xf32, #tpu.memory_space<hbm>>
      %dma_wait3A_2264 = arith.constant 0 : i32
      %dma_wait3A_2265 = arith.constant 0 : i32
      %dma_wait3A_2266 = tpu.memref_slice %arg2[%dma_wait3A_2264, %dma_wait3A_2265] : memref<2600000x128xf32, #tpu.memory_space<hbm>> -> memref<128x128xf32, #tpu.memory_space<hbm>>
      tpu.wait_dma2 semaphore(%arg20 : memref<!tpu.dma_semaphore, #tpu.memory_space<semaphore_mem>>) src(%dma_wait3A_2266 : memref<128x128xf32, #tpu.memory_space<hbm>>) dst(%arg10 : memref<128x128xf32, #tpu.memory_space<vmem>>)
      %add3A_2267 = arith.constant 4 : i32
      %add3A_2268 = arith.addi %mul3A_1174, %add3A_2267 : i32
      %jit3A_2269 = arith.constant 4 : i32
      %div3A_2270 = arith.divsi %add3A_2268, %jit3A_2269 : i32
      %sign3A_2271 = arith.constant 0 : i32
      %sign3A_2272 = arith.cmpi sgt, %add3A_2268, %sign3A_2271 : i32
      %sign3A_2273 = arith.extui %sign3A_2272 : i1 to i32
      %sign3A_2274 = arith.constant 0 : i32
      %sign3A_2275 = arith.cmpi slt, %add3A_2268, %sign3A_2274 : i32
      %sign3A_2276 = arith.extui %sign3A_2275 : i1 to i32
      %sign3A_2277 = arith.subi %sign3A_2273, %sign3A_2276 : i32
      %sign3A_2278 = arith.constant 0 : i32
      %sign3A_2279 = arith.cmpi sgt, %jit3A_2269, %sign3A_2278 : i32
      %sign3A_2280 = arith.extui %sign3A_2279 : i1 to i32
      %sign3A_2281 = arith.constant 0 : i32
      %sign3A_2282 = arith.cmpi slt, %jit3A_2269, %sign3A_2281 : i32
      %sign3A_2283 = arith.extui %sign3A_2282 : i1 to i32
      %sign3A_2284 = arith.subi %sign3A_2280, %sign3A_2283 : i32
      %ne3A_2285 = arith.cmpi ne, %sign3A_2277, %sign3A_2284 : i32
      %rem3A_2286 = arith.remsi %add3A_2268, %jit3A_2269 : i32
      %ne3A_2287 = arith.constant 0 : i32
      %ne3A_2288 = arith.cmpi ne, %rem3A_2286, %ne3A_2287 : i32
      %and3A_2289 = arith.andi %ne3A_2285, %ne3A_2288 : i1
      %sub3A_2290 = arith.constant 1 : i32
      %sub3A_2291 = arith.subi %div3A_2270, %sub3A_2290 : i32
      %select_n3A_2292 = arith.select %and3A_2289, %sub3A_2291, %div3A_2270 : i32
      %jit3A_2293 = arith.constant 4 : i32
      %eq3A_2294 = arith.constant 0 : i32
      %eq3A_2295 = arith.cmpi eq, %jit3A_2293, %eq3A_2294 : i32
      %jit3A_2296 = arith.constant 1 : i32
      %select_n3A_2297 = arith.select %eq3A_2295, %jit3A_2296, %jit3A_2293 : i32
      %rem3A_2298 = arith.remsi %add3A_2268, %select_n3A_2297 : i32
      %ne3A_2299 = arith.constant 0 : i32
      %ne3A_2300 = arith.cmpi ne, %rem3A_2298, %ne3A_2299 : i32
      %lt3A_2301 = arith.constant 0 : i32
      %lt3A_2302 = arith.cmpi slt, %rem3A_2298, %lt3A_2301 : i32
      %lt3A_2303 = arith.constant 0 : i32
      %lt3A_2304 = arith.cmpi slt, %select_n3A_2297, %lt3A_2303 : i32
      %ne3A_2305 = arith.xori %lt3A_2302, %lt3A_2304 : i1
      %and3A_2306 = arith.andi %ne3A_2305, %ne3A_2300 : i1
      %add3A_2307 = arith.addi %rem3A_2298, %select_n3A_2297 : i32
      %select_n3A_2308 = arith.select %and3A_2306, %add3A_2307, %rem3A_2298 : i32
      %add3A_2309 = arith.constant 1 : i32
      %add3A_2310 = arith.addi %add3A_2309, %select_n3A_2292 : i32
      %mul3A_2311 = arith.constant 128 : i32
      %mul3A_2312 = arith.muli %select_n3A_2308, %mul3A_2311 : i32
      %add3A_2313 = arith.addi %mul3A_2, %mul3A_2312 : i32
      %dma_start3A_2314 = arith.constant 0 : i32
      %dma_start3A_2315 = tpu.memref_slice %arg4[%add3A_2310, %add3A_2313, %dma_start3A_2314] : memref<27x16384x128xf32, #tpu.memory_space<hbm>> -> memref<1x128x128xf32, #tpu.memory_space<hbm>>
      %dma_start3A_2316 = tpu.memref_squeeze %dma_start3A_2315 : memref<1x128x128xf32, #tpu.memory_space<hbm>> -> memref<128x128xf32, #tpu.memory_space<hbm>>
      %dma_start3A_2317 = arith.constant 0 : i32
      %dma_start3A_2318 = tpu.memref_slice %arg4[%add3A_2310, %add3A_2313, %dma_start3A_2317] : memref<27x16384x128xf32, #tpu.memory_space<hbm>> -> memref<1x128x128xf32, #tpu.memory_space<hbm>>
      %dma_start3A_2319 = tpu.memref_squeeze %dma_start3A_2318 : memref<1x128x128xf32, #tpu.memory_space<hbm>> -> memref<128x128xf32, #tpu.memory_space<hbm>>
      tpu.enqueue_dma source(%arg10 : memref<128x128xf32, #tpu.memory_space<vmem>>) target(%dma_start3A_2319 : memref<128x128xf32, #tpu.memory_space<hbm>>) target_semaphore(%arg21 : memref<!tpu.dma_semaphore, #tpu.memory_space<semaphore_mem>>)
      %add3A_2320 = arith.constant 4 : i32
      %add3A_2321 = arith.addi %mul3A_1174, %add3A_2320 : i32
      %jit3A_2322 = arith.constant 4 : i32
      %div3A_2323 = arith.divsi %add3A_2321, %jit3A_2322 : i32
      %sign3A_2324 = arith.constant 0 : i32
      %sign3A_2325 = arith.cmpi sgt, %add3A_2321, %sign3A_2324 : i32
      %sign3A_2326 = arith.extui %sign3A_2325 : i1 to i32
      %sign3A_2327 = arith.constant 0 : i32
      %sign3A_2328 = arith.cmpi slt, %add3A_2321, %sign3A_2327 : i32
      %sign3A_2329 = arith.extui %sign3A_2328 : i1 to i32
      %sign3A_2330 = arith.subi %sign3A_2326, %sign3A_2329 : i32
      %sign3A_2331 = arith.constant 0 : i32
      %sign3A_2332 = arith.cmpi sgt, %jit3A_2322, %sign3A_2331 : i32
      %sign3A_2333 = arith.extui %sign3A_2332 : i1 to i32
      %sign3A_2334 = arith.constant 0 : i32
      %sign3A_2335 = arith.cmpi slt, %jit3A_2322, %sign3A_2334 : i32
      %sign3A_2336 = arith.extui %sign3A_2335 : i1 to i32
      %sign3A_2337 = arith.subi %sign3A_2333, %sign3A_2336 : i32
      %ne3A_2338 = arith.cmpi ne, %sign3A_2330, %sign3A_2337 : i32
      %rem3A_2339 = arith.remsi %add3A_2321, %jit3A_2322 : i32
      %ne3A_2340 = arith.constant 0 : i32
      %ne3A_2341 = arith.cmpi ne, %rem3A_2339, %ne3A_2340 : i32
      %and3A_2342 = arith.andi %ne3A_2338, %ne3A_2341 : i1
      %sub3A_2343 = arith.constant 1 : i32
      %sub3A_2344 = arith.subi %div3A_2323, %sub3A_2343 : i32
      %select_n3A_2345 = arith.select %and3A_2342, %sub3A_2344, %div3A_2323 : i32
      %jit3A_2346 = arith.constant 4 : i32
      %eq3A_2347 = arith.constant 0 : i32
      %eq3A_2348 = arith.cmpi eq, %jit3A_2346, %eq3A_2347 : i32
      %jit3A_2349 = arith.constant 1 : i32
      %select_n3A_2350 = arith.select %eq3A_2348, %jit3A_2349, %jit3A_2346 : i32
      %rem3A_2351 = arith.remsi %add3A_2321, %select_n3A_2350 : i32
      %ne3A_2352 = arith.constant 0 : i32
      %ne3A_2353 = arith.cmpi ne, %rem3A_2351, %ne3A_2352 : i32
      %lt3A_2354 = arith.constant 0 : i32
      %lt3A_2355 = arith.cmpi slt, %rem3A_2351, %lt3A_2354 : i32
      %lt3A_2356 = arith.constant 0 : i32
      %lt3A_2357 = arith.cmpi slt, %select_n3A_2350, %lt3A_2356 : i32
      %ne3A_2358 = arith.xori %lt3A_2355, %lt3A_2357 : i1
      %and3A_2359 = arith.andi %ne3A_2358, %ne3A_2353 : i1
      %add3A_2360 = arith.addi %rem3A_2351, %select_n3A_2350 : i32
      %select_n3A_2361 = arith.select %and3A_2359, %add3A_2360, %rem3A_2351 : i32
      %add3A_2362 = arith.constant 1 : i32
      %add3A_2363 = arith.addi %add3A_2362, %select_n3A_2345 : i32
      %mul3A_2364 = arith.constant 128 : i32
      %mul3A_2365 = arith.muli %select_n3A_2361, %mul3A_2364 : i32
      %add3A_2366 = arith.addi %mul3A_2, %mul3A_2365 : i32
      %dma_wait3A_2367 = arith.constant 0 : i32
      %dma_wait3A_2368 = tpu.memref_slice %arg4[%add3A_2363, %add3A_2366, %dma_wait3A_2367] : memref<27x16384x128xf32, #tpu.memory_space<hbm>> -> memref<1x128x128xf32, #tpu.memory_space<hbm>>
      %dma_wait3A_2369 = tpu.memref_squeeze %dma_wait3A_2368 : memref<1x128x128xf32, #tpu.memory_space<hbm>> -> memref<128x128xf32, #tpu.memory_space<hbm>>
      %dma_wait3A_2370 = arith.constant 0 : i32
      %dma_wait3A_2371 = tpu.memref_slice %arg4[%add3A_2363, %add3A_2366, %dma_wait3A_2370] : memref<27x16384x128xf32, #tpu.memory_space<hbm>> -> memref<1x128x128xf32, #tpu.memory_space<hbm>>
      %dma_wait3A_2372 = tpu.memref_squeeze %dma_wait3A_2371 : memref<1x128x128xf32, #tpu.memory_space<hbm>> -> memref<128x128xf32, #tpu.memory_space<hbm>>
      tpu.wait_dma2 semaphore(%arg21 : memref<!tpu.dma_semaphore, #tpu.memory_space<semaphore_mem>>) src(%arg10 : memref<128x128xf32, #tpu.memory_space<vmem>>) dst(%dma_wait3A_2372 : memref<128x128xf32, #tpu.memory_space<hbm>>)
      %add3A_2373 = arith.constant 4 : i32
      %add3A_2374 = arith.addi %mul3A_1174, %add3A_2373 : i32
      %add3A_2375 = arith.constant 6 : i32
      %add3A_2376 = arith.addi %add3A_2374, %add3A_2375 : i32
      %jit3A_2377 = arith.constant 4 : i32
      %div3A_2378 = arith.divsi %add3A_2376, %jit3A_2377 : i32
      %sign3A_2379 = arith.constant 0 : i32
      %sign3A_2380 = arith.cmpi sgt, %add3A_2376, %sign3A_2379 : i32
      %sign3A_2381 = arith.extui %sign3A_2380 : i1 to i32
      %sign3A_2382 = arith.constant 0 : i32
      %sign3A_2383 = arith.cmpi slt, %add3A_2376, %sign3A_2382 : i32
      %sign3A_2384 = arith.extui %sign3A_2383 : i1 to i32
      %sign3A_2385 = arith.subi %sign3A_2381, %sign3A_2384 : i32
      %sign3A_2386 = arith.constant 0 : i32
      %sign3A_2387 = arith.cmpi sgt, %jit3A_2377, %sign3A_2386 : i32
      %sign3A_2388 = arith.extui %sign3A_2387 : i1 to i32
      %sign3A_2389 = arith.constant 0 : i32
      %sign3A_2390 = arith.cmpi slt, %jit3A_2377, %sign3A_2389 : i32
      %sign3A_2391 = arith.extui %sign3A_2390 : i1 to i32
      %sign3A_2392 = arith.subi %sign3A_2388, %sign3A_2391 : i32
      %ne3A_2393 = arith.cmpi ne, %sign3A_2385, %sign3A_2392 : i32
      %rem3A_2394 = arith.remsi %add3A_2376, %jit3A_2377 : i32
      %ne3A_2395 = arith.constant 0 : i32
      %ne3A_2396 = arith.cmpi ne, %rem3A_2394, %ne3A_2395 : i32
      %and3A_2397 = arith.andi %ne3A_2393, %ne3A_2396 : i1
      %sub3A_2398 = arith.constant 1 : i32
      %sub3A_2399 = arith.subi %div3A_2378, %sub3A_2398 : i32
      %select_n3A_2400 = arith.select %and3A_2397, %sub3A_2399, %div3A_2378 : i32
      %jit3A_2401 = arith.constant 4 : i32
      %eq3A_2402 = arith.constant 0 : i32
      %eq3A_2403 = arith.cmpi eq, %jit3A_2401, %eq3A_2402 : i32
      %jit3A_2404 = arith.constant 1 : i32
      %select_n3A_2405 = arith.select %eq3A_2403, %jit3A_2404, %jit3A_2401 : i32
      %rem3A_2406 = arith.remsi %add3A_2376, %select_n3A_2405 : i32
      %ne3A_2407 = arith.constant 0 : i32
      %ne3A_2408 = arith.cmpi ne, %rem3A_2406, %ne3A_2407 : i32
      %lt3A_2409 = arith.constant 0 : i32
      %lt3A_2410 = arith.cmpi slt, %rem3A_2406, %lt3A_2409 : i32
      %lt3A_2411 = arith.constant 0 : i32
      %lt3A_2412 = arith.cmpi slt, %select_n3A_2405, %lt3A_2411 : i32
      %ne3A_2413 = arith.xori %lt3A_2410, %lt3A_2412 : i1
      %and3A_2414 = arith.andi %ne3A_2413, %ne3A_2408 : i1
      %add3A_2415 = arith.addi %rem3A_2406, %select_n3A_2405 : i32
      %select_n3A_2416 = arith.select %and3A_2414, %add3A_2415, %rem3A_2406 : i32
      %mul3A_2417 = arith.constant 128 : i32
      %mul3A_2418 = arith.muli %select_n3A_2416, %mul3A_2417 : i32
      %mul3A_2419 = arith.constant 100000 : i32
      %mul3A_2420 = arith.muli %select_n3A_2400, %mul3A_2419 : i32
      %add3A_2421 = arith.constant 0 : i32
      %add3A_2422 = arith.addi %mul3A_2418, %add3A_2421 : i32
      %get3A_2423 = arith.index_cast %select_n3A_2400 : i32 to index
      %get3A_2424 = arith.index_cast %add3A_2422 : i32 to index
      %get3A_2425 = tpu.vector_load %arg5[%get3A_2423, %get3A_2424] {strides = array<i32>} : memref<26x512xi32, #tpu.memory_space<vmem>>, vector<1x16xi32>,
      %get3A_2426 = vector.shape_cast %get3A_2425 : vector<1x16xi32> to vector<16xi32>
      %add3A_2427 = vector.broadcast %mul3A_2420 : i32 to vector<16xi32>
      %add3A_2428 = arith.addi %get3A_2426, %add3A_2427 : vector<16xi32>
      %swap3A_2429 = arith.index_cast %select_n3A_2400 : i32 to index
      %swap3A_2430 = arith.index_cast %add3A_2422 : i32 to index
      %swap3A_2431 = tpu.vector_load %arg5[%swap3A_2429, %swap3A_2430] {strides = array<i32>} : memref<26x512xi32, #tpu.memory_space<vmem>>, vector<1x16xi32>,
      %swap3A_2432 = vector.shape_cast %swap3A_2431 : vector<1x16xi32> to vector<16xi32>
      %swap3A_2433 = vector.shape_cast %add3A_2428 : vector<16xi32> to vector<1x16xi32>
      tpu.vector_store %arg5[%swap3A_2429, %swap3A_2430], %swap3A_2433 {strides = array<i32>} : memref<26x512xi32, #tpu.memory_space<vmem>>, vector<1x16xi32>,
      %add3A_2434 = arith.constant 16 : i32
      %add3A_2435 = arith.addi %mul3A_2418, %add3A_2434 : i32
      %get3A_2436 = arith.index_cast %select_n3A_2400 : i32 to index
      %get3A_2437 = arith.index_cast %add3A_2435 : i32 to index
      %get3A_2438 = tpu.vector_load %arg5[%get3A_2436, %get3A_2437] {strides = array<i32>} : memref<26x512xi32, #tpu.memory_space<vmem>>, vector<1x16xi32>,
      %get3A_2439 = vector.shape_cast %get3A_2438 : vector<1x16xi32> to vector<16xi32>
      %add3A_2440 = vector.broadcast %mul3A_2420 : i32 to vector<16xi32>
      %add3A_2441 = arith.addi %get3A_2439, %add3A_2440 : vector<16xi32>
      %swap3A_2442 = arith.index_cast %select_n3A_2400 : i32 to index
      %swap3A_2443 = arith.index_cast %add3A_2435 : i32 to index
      %swap3A_2444 = tpu.vector_load %arg5[%swap3A_2442, %swap3A_2443] {strides = array<i32>} : memref<26x512xi32, #tpu.memory_space<vmem>>, vector<1x16xi32>,
      %swap3A_2445 = vector.shape_cast %swap3A_2444 : vector<1x16xi32> to vector<16xi32>
      %swap3A_2446 = vector.shape_cast %add3A_2441 : vector<16xi32> to vector<1x16xi32>
      tpu.vector_store %arg5[%swap3A_2442, %swap3A_2443], %swap3A_2446 {strides = array<i32>} : memref<26x512xi32, #tpu.memory_space<vmem>>, vector<1x16xi32>,
      %add3A_2447 = arith.constant 32 : i32
      %add3A_2448 = arith.addi %mul3A_2418, %add3A_2447 : i32
      %get3A_2449 = arith.index_cast %select_n3A_2400 : i32 to index
      %get3A_2450 = arith.index_cast %add3A_2448 : i32 to index
      %get3A_2451 = tpu.vector_load %arg5[%get3A_2449, %get3A_2450] {strides = array<i32>} : memref<26x512xi32, #tpu.memory_space<vmem>>, vector<1x16xi32>,
      %get3A_2452 = vector.shape_cast %get3A_2451 : vector<1x16xi32> to vector<16xi32>
      %add3A_2453 = vector.broadcast %mul3A_2420 : i32 to vector<16xi32>
      %add3A_2454 = arith.addi %get3A_2452, %add3A_2453 : vector<16xi32>
      %swap3A_2455 = arith.index_cast %select_n3A_2400 : i32 to index
      %swap3A_2456 = arith.index_cast %add3A_2448 : i32 to index
      %swap3A_2457 = tpu.vector_load %arg5[%swap3A_2455, %swap3A_2456] {strides = array<i32>} : memref<26x512xi32, #tpu.memory_space<vmem>>, vector<1x16xi32>,
      %swap3A_2458 = vector.shape_cast %swap3A_2457 : vector<1x16xi32> to vector<16xi32>
      %swap3A_2459 = vector.shape_cast %add3A_2454 : vector<16xi32> to vector<1x16xi32>
      tpu.vector_store %arg5[%swap3A_2455, %swap3A_2456], %swap3A_2459 {strides = array<i32>} : memref<26x512xi32, #tpu.memory_space<vmem>>, vector<1x16xi32>,
      %add3A_2460 = arith.constant 48 : i32
      %add3A_2461 = arith.addi %mul3A_2418, %add3A_2460 : i32
      %get3A_2462 = arith.index_cast %select_n3A_2400 : i32 to index
      %get3A_2463 = arith.index_cast %add3A_2461 : i32 to index
      %get3A_2464 = tpu.vector_load %arg5[%get3A_2462, %get3A_2463] {strides = array<i32>} : memref<26x512xi32, #tpu.memory_space<vmem>>, vector<1x16xi32>,
      %get3A_2465 = vector.shape_cast %get3A_2464 : vector<1x16xi32> to vector<16xi32>
      %add3A_2466 = vector.broadcast %mul3A_2420 : i32 to vector<16xi32>
      %add3A_2467 = arith.addi %get3A_2465, %add3A_2466 : vector<16xi32>
      %swap3A_2468 = arith.index_cast %select_n3A_2400 : i32 to index
      %swap3A_2469 = arith.index_cast %add3A_2461 : i32 to index
      %swap3A_2470 = tpu.vector_load %arg5[%swap3A_2468, %swap3A_2469] {strides = array<i32>} : memref<26x512xi32, #tpu.memory_space<vmem>>, vector<1x16xi32>,
      %swap3A_2471 = vector.shape_cast %swap3A_2470 : vector<1x16xi32> to vector<16xi32>
      %swap3A_2472 = vector.shape_cast %add3A_2467 : vector<16xi32> to vector<1x16xi32>
      tpu.vector_store %arg5[%swap3A_2468, %swap3A_2469], %swap3A_2472 {strides = array<i32>} : memref<26x512xi32, #tpu.memory_space<vmem>>, vector<1x16xi32>,
      %add3A_2473 = arith.constant 64 : i32
      %add3A_2474 = arith.addi %mul3A_2418, %add3A_2473 : i32
      %get3A_2475 = arith.index_cast %select_n3A_2400 : i32 to index
      %get3A_2476 = arith.index_cast %add3A_2474 : i32 to index
      %get3A_2477 = tpu.vector_load %arg5[%get3A_2475, %get3A_2476] {strides = array<i32>} : memref<26x512xi32, #tpu.memory_space<vmem>>, vector<1x16xi32>,
      %get3A_2478 = vector.shape_cast %get3A_2477 : vector<1x16xi32> to vector<16xi32>
      %add3A_2479 = vector.broadcast %mul3A_2420 : i32 to vector<16xi32>
      %add3A_2480 = arith.addi %get3A_2478, %add3A_2479 : vector<16xi32>
      %swap3A_2481 = arith.index_cast %select_n3A_2400 : i32 to index
      %swap3A_2482 = arith.index_cast %add3A_2474 : i32 to index
      %swap3A_2483 = tpu.vector_load %arg5[%swap3A_2481, %swap3A_2482] {strides = array<i32>} : memref<26x512xi32, #tpu.memory_space<vmem>>, vector<1x16xi32>,
      %swap3A_2484 = vector.shape_cast %swap3A_2483 : vector<1x16xi32> to vector<16xi32>
      %swap3A_2485 = vector.shape_cast %add3A_2480 : vector<16xi32> to vector<1x16xi32>
      tpu.vector_store %arg5[%swap3A_2481, %swap3A_2482], %swap3A_2485 {strides = array<i32>} : memref<26x512xi32, #tpu.memory_space<vmem>>, vector<1x16xi32>,
      %add3A_2486 = arith.constant 80 : i32
      %add3A_2487 = arith.addi %mul3A_2418, %add3A_2486 : i32
      %get3A_2488 = arith.index_cast %select_n3A_2400 : i32 to index
      %get3A_2489 = arith.index_cast %add3A_2487 : i32 to index
      %get3A_2490 = tpu.vector_load %arg5[%get3A_2488, %get3A_2489] {strides = array<i32>} : memref<26x512xi32, #tpu.memory_space<vmem>>, vector<1x16xi32>,
      %get3A_2491 = vector.shape_cast %get3A_2490 : vector<1x16xi32> to vector<16xi32>
      %add3A_2492 = vector.broadcast %mul3A_2420 : i32 to vector<16xi32>
      %add3A_2493 = arith.addi %get3A_2491, %add3A_2492 : vector<16xi32>
      %swap3A_2494 = arith.index_cast %select_n3A_2400 : i32 to index
      %swap3A_2495 = arith.index_cast %add3A_2487 : i32 to index
      %swap3A_2496 = tpu.vector_load %arg5[%swap3A_2494, %swap3A_2495] {strides = array<i32>} : memref<26x512xi32, #tpu.memory_space<vmem>>, vector<1x16xi32>,
      %swap3A_2497 = vector.shape_cast %swap3A_2496 : vector<1x16xi32> to vector<16xi32>
      %swap3A_2498 = vector.shape_cast %add3A_2493 : vector<16xi32> to vector<1x16xi32>
      tpu.vector_store %arg5[%swap3A_2494, %swap3A_2495], %swap3A_2498 {strides = array<i32>} : memref<26x512xi32, #tpu.memory_space<vmem>>, vector<1x16xi32>,
      %add3A_2499 = arith.constant 96 : i32
      %add3A_2500 = arith.addi %mul3A_2418, %add3A_2499 : i32
      %get3A_2501 = arith.index_cast %select_n3A_2400 : i32 to index
      %get3A_2502 = arith.index_cast %add3A_2500 : i32 to index
      %get3A_2503 = tpu.vector_load %arg5[%get3A_2501, %get3A_2502] {strides = array<i32>} : memref<26x512xi32, #tpu.memory_space<vmem>>, vector<1x16xi32>,
      %get3A_2504 = vector.shape_cast %get3A_2503 : vector<1x16xi32> to vector<16xi32>
      %add3A_2505 = vector.broadcast %mul3A_2420 : i32 to vector<16xi32>
      %add3A_2506 = arith.addi %get3A_2504, %add3A_2505 : vector<16xi32>
      %swap3A_2507 = arith.index_cast %select_n3A_2400 : i32 to index
      %swap3A_2508 = arith.index_cast %add3A_2500 : i32 to index
      %swap3A_2509 = tpu.vector_load %arg5[%swap3A_2507, %swap3A_2508] {strides = array<i32>} : memref<26x512xi32, #tpu.memory_space<vmem>>, vector<1x16xi32>,
      %swap3A_2510 = vector.shape_cast %swap3A_2509 : vector<1x16xi32> to vector<16xi32>
      %swap3A_2511 = vector.shape_cast %add3A_2506 : vector<16xi32> to vector<1x16xi32>
      tpu.vector_store %arg5[%swap3A_2507, %swap3A_2508], %swap3A_2511 {strides = array<i32>} : memref<26x512xi32, #tpu.memory_space<vmem>>, vector<1x16xi32>,
      %add3A_2512 = arith.constant 112 : i32
      %add3A_2513 = arith.addi %mul3A_2418, %add3A_2512 : i32
      %get3A_2514 = arith.index_cast %select_n3A_2400 : i32 to index
      %get3A_2515 = arith.index_cast %add3A_2513 : i32 to index
      %get3A_2516 = tpu.vector_load %arg5[%get3A_2514, %get3A_2515] {strides = array<i32>} : memref<26x512xi32, #tpu.memory_space<vmem>>, vector<1x16xi32>,
      %get3A_2517 = vector.shape_cast %get3A_2516 : vector<1x16xi32> to vector<16xi32>
      %add3A_2518 = vector.broadcast %mul3A_2420 : i32 to vector<16xi32>
      %add3A_2519 = arith.addi %get3A_2517, %add3A_2518 : vector<16xi32>
      %swap3A_2520 = arith.index_cast %select_n3A_2400 : i32 to index
      %swap3A_2521 = arith.index_cast %add3A_2513 : i32 to index
      %swap3A_2522 = tpu.vector_load %arg5[%swap3A_2520, %swap3A_2521] {strides = array<i32>} : memref<26x512xi32, #tpu.memory_space<vmem>>, vector<1x16xi32>,
      %swap3A_2523 = vector.shape_cast %swap3A_2522 : vector<1x16xi32> to vector<16xi32>
      %swap3A_2524 = vector.shape_cast %add3A_2519 : vector<16xi32> to vector<1x16xi32>
      tpu.vector_store %arg5[%swap3A_2520, %swap3A_2521], %swap3A_2524 {strides = array<i32>} : memref<26x512xi32, #tpu.memory_space<vmem>>, vector<1x16xi32>,
      %add3A_2525 = arith.constant 0 : i32
      %add3A_2526 = arith.addi %mul3A_2418, %add3A_2525 : i32
      %dma_start3A_2527 = arith.constant 0 : i32
      %dma_start3A_2528 = arith.constant 0 : i32
      %dma_start3A_2529 = tpu.memref_slice %arg10[%dma_start3A_2527, %dma_start3A_2528] : memref<128x128xf32, #tpu.memory_space<vmem>> -> memref<128x128xf32, #tpu.memory_space<vmem>>
      %dma_start3A_2530 = tpu.memref_slice %arg5[%select_n3A_2400, %add3A_2526] : memref<26x512xi32, #tpu.memory_space<vmem>> -> memref<1x128xi32, #tpu.memory_space<vmem>>
      %dma_start3A_2531 = tpu.memref_squeeze %dma_start3A_2530 : memref<1x128xi32, #tpu.memory_space<vmem>> -> memref<128xi32, #tpu.memory_space<vmem>>
      %dma_start3A_2532 = arith.constant 0 : i32
      %dma_start3A_2533 = arith.constant 0 : i32
      %dma_start3A_2534 = tpu.memref_slice %arg2[%dma_start3A_2532, %dma_start3A_2533] : memref<2600000x128xf32, #tpu.memory_space<hbm>> -> memref<2600000x128xf32, #tpu.memory_space<hbm>>
      tpu.enqueue_indirect_dma source(%dma_start3A_2534 : memref<2600000x128xf32, #tpu.memory_space<hbm>>) target(%dma_start3A_2529 : memref<128x128xf32, #tpu.memory_space<vmem>>) offsets(%dma_start3A_2531 : memref<128xi32, #tpu.memory_space<vmem>>) semaphore(%arg20 : memref<!tpu.dma_semaphore, #tpu.memory_space<semaphore_mem>>)
      %dma_wait3A_2535 = arith.constant 0 : i32
      %dma_wait3A_2536 = arith.constant 0 : i32
      %dma_wait3A_2537 = tpu.memref_slice %arg2[%dma_wait3A_2535, %dma_wait3A_2536] : memref<2600000x128xf32, #tpu.memory_space<hbm>> -> memref<128x128xf32, #tpu.memory_space<hbm>>
      %dma_wait3A_2538 = arith.constant 0 : i32
      %dma_wait3A_2539 = arith.constant 0 : i32
      %dma_wait3A_2540 = tpu.memref_slice %arg2[%dma_wait3A_2538, %dma_wait3A_2539] : memref<2600000x128xf32, #tpu.memory_space<hbm>> -> memref<128x128xf32, #tpu.memory_space<hbm>>
      tpu.wait_dma2 semaphore(%arg22 : memref<!tpu.dma_semaphore, #tpu.memory_space<semaphore_mem>>) src(%dma_wait3A_2540 : memref<128x128xf32, #tpu.memory_space<hbm>>) dst(%arg11 : memref<128x128xf32, #tpu.memory_space<vmem>>)
      %add3A_2541 = arith.constant 5 : i32
      %add3A_2542 = arith.addi %mul3A_1174, %add3A_2541 : i32
      %jit3A_2543 = arith.constant 4 : i32
      %div3A_2544 = arith.divsi %add3A_2542, %jit3A_2543 : i32
      %sign3A_2545 = arith.constant 0 : i32
      %sign3A_2546 = arith.cmpi sgt, %add3A_2542, %sign3A_2545 : i32
      %sign3A_2547 = arith.extui %sign3A_2546 : i1 to i32
      %sign3A_2548 = arith.constant 0 : i32
      %sign3A_2549 = arith.cmpi slt, %add3A_2542, %sign3A_2548 : i32
      %sign3A_2550 = arith.extui %sign3A_2549 : i1 to i32
      %sign3A_2551 = arith.subi %sign3A_2547, %sign3A_2550 : i32
      %sign3A_2552 = arith.constant 0 : i32
      %sign3A_2553 = arith.cmpi sgt, %jit3A_2543, %sign3A_2552 : i32
      %sign3A_2554 = arith.extui %sign3A_2553 : i1 to i32
      %sign3A_2555 = arith.constant 0 : i32
      %sign3A_2556 = arith.cmpi slt, %jit3A_2543, %sign3A_2555 : i32
      %sign3A_2557 = arith.extui %sign3A_2556 : i1 to i32
      %sign3A_2558 = arith.subi %sign3A_2554, %sign3A_2557 : i32
      %ne3A_2559 = arith.cmpi ne, %sign3A_2551, %sign3A_2558 : i32
      %rem3A_2560 = arith.remsi %add3A_2542, %jit3A_2543 : i32
      %ne3A_2561 = arith.constant 0 : i32
      %ne3A_2562 = arith.cmpi ne, %rem3A_2560, %ne3A_2561 : i32
      %and3A_2563 = arith.andi %ne3A_2559, %ne3A_2562 : i1
      %sub3A_2564 = arith.constant 1 : i32
      %sub3A_2565 = arith.subi %div3A_2544, %sub3A_2564 : i32
      %select_n3A_2566 = arith.select %and3A_2563, %sub3A_2565, %div3A_2544 : i32
      %jit3A_2567 = arith.constant 4 : i32
      %eq3A_2568 = arith.constant 0 : i32
      %eq3A_2569 = arith.cmpi eq, %jit3A_2567, %eq3A_2568 : i32
      %jit3A_2570 = arith.constant 1 : i32
      %select_n3A_2571 = arith.select %eq3A_2569, %jit3A_2570, %jit3A_2567 : i32
      %rem3A_2572 = arith.remsi %add3A_2542, %select_n3A_2571 : i32
      %ne3A_2573 = arith.constant 0 : i32
      %ne3A_2574 = arith.cmpi ne, %rem3A_2572, %ne3A_2573 : i32
      %lt3A_2575 = arith.constant 0 : i32
      %lt3A_2576 = arith.cmpi slt, %rem3A_2572, %lt3A_2575 : i32
      %lt3A_2577 = arith.constant 0 : i32
      %lt3A_2578 = arith.cmpi slt, %select_n3A_2571, %lt3A_2577 : i32
      %ne3A_2579 = arith.xori %lt3A_2576, %lt3A_2578 : i1
      %and3A_2580 = arith.andi %ne3A_2579, %ne3A_2574 : i1
      %add3A_2581 = arith.addi %rem3A_2572, %select_n3A_2571 : i32
      %select_n3A_2582 = arith.select %and3A_2580, %add3A_2581, %rem3A_2572 : i32
      %add3A_2583 = arith.constant 1 : i32
      %add3A_2584 = arith.addi %add3A_2583, %select_n3A_2566 : i32
      %mul3A_2585 = arith.constant 128 : i32
      %mul3A_2586 = arith.muli %select_n3A_2582, %mul3A_2585 : i32
      %add3A_2587 = arith.addi %mul3A_2, %mul3A_2586 : i32
      %dma_start3A_2588 = arith.constant 0 : i32
      %dma_start3A_2589 = tpu.memref_slice %arg4[%add3A_2584, %add3A_2587, %dma_start3A_2588] : memref<27x16384x128xf32, #tpu.memory_space<hbm>> -> memref<1x128x128xf32, #tpu.memory_space<hbm>>
      %dma_start3A_2590 = tpu.memref_squeeze %dma_start3A_2589 : memref<1x128x128xf32, #tpu.memory_space<hbm>> -> memref<128x128xf32, #tpu.memory_space<hbm>>
      %dma_start3A_2591 = arith.constant 0 : i32
      %dma_start3A_2592 = tpu.memref_slice %arg4[%add3A_2584, %add3A_2587, %dma_start3A_2591] : memref<27x16384x128xf32, #tpu.memory_space<hbm>> -> memref<1x128x128xf32, #tpu.memory_space<hbm>>
      %dma_start3A_2593 = tpu.memref_squeeze %dma_start3A_2592 : memref<1x128x128xf32, #tpu.memory_space<hbm>> -> memref<128x128xf32, #tpu.memory_space<hbm>>
      tpu.enqueue_dma source(%arg11 : memref<128x128xf32, #tpu.memory_space<vmem>>) target(%dma_start3A_2593 : memref<128x128xf32, #tpu.memory_space<hbm>>) target_semaphore(%arg23 : memref<!tpu.dma_semaphore, #tpu.memory_space<semaphore_mem>>)
      %add3A_2594 = arith.constant 5 : i32
      %add3A_2595 = arith.addi %mul3A_1174, %add3A_2594 : i32
      %jit3A_2596 = arith.constant 4 : i32
      %div3A_2597 = arith.divsi %add3A_2595, %jit3A_2596 : i32
      %sign3A_2598 = arith.constant 0 : i32
      %sign3A_2599 = arith.cmpi sgt, %add3A_2595, %sign3A_2598 : i32
      %sign3A_2600 = arith.extui %sign3A_2599 : i1 to i32
      %sign3A_2601 = arith.constant 0 : i32
      %sign3A_2602 = arith.cmpi slt, %add3A_2595, %sign3A_2601 : i32
      %sign3A_2603 = arith.extui %sign3A_2602 : i1 to i32
      %sign3A_2604 = arith.subi %sign3A_2600, %sign3A_2603 : i32
      %sign3A_2605 = arith.constant 0 : i32
      %sign3A_2606 = arith.cmpi sgt, %jit3A_2596, %sign3A_2605 : i32
      %sign3A_2607 = arith.extui %sign3A_2606 : i1 to i32
      %sign3A_2608 = arith.constant 0 : i32
      %sign3A_2609 = arith.cmpi slt, %jit3A_2596, %sign3A_2608 : i32
      %sign3A_2610 = arith.extui %sign3A_2609 : i1 to i32
      %sign3A_2611 = arith.subi %sign3A_2607, %sign3A_2610 : i32
      %ne3A_2612 = arith.cmpi ne, %sign3A_2604, %sign3A_2611 : i32
      %rem3A_2613 = arith.remsi %add3A_2595, %jit3A_2596 : i32
      %ne3A_2614 = arith.constant 0 : i32
      %ne3A_2615 = arith.cmpi ne, %rem3A_2613, %ne3A_2614 : i32
      %and3A_2616 = arith.andi %ne3A_2612, %ne3A_2615 : i1
      %sub3A_2617 = arith.constant 1 : i32
      %sub3A_2618 = arith.subi %div3A_2597, %sub3A_2617 : i32
      %select_n3A_2619 = arith.select %and3A_2616, %sub3A_2618, %div3A_2597 : i32
      %jit3A_2620 = arith.constant 4 : i32
      %eq3A_2621 = arith.constant 0 : i32
      %eq3A_2622 = arith.cmpi eq, %jit3A_2620, %eq3A_2621 : i32
      %jit3A_2623 = arith.constant 1 : i32
      %select_n3A_2624 = arith.select %eq3A_2622, %jit3A_2623, %jit3A_2620 : i32
      %rem3A_2625 = arith.remsi %add3A_2595, %select_n3A_2624 : i32
      %ne3A_2626 = arith.constant 0 : i32
      %ne3A_2627 = arith.cmpi ne, %rem3A_2625, %ne3A_2626 : i32
      %lt3A_2628 = arith.constant 0 : i32
      %lt3A_2629 = arith.cmpi slt, %rem3A_2625, %lt3A_2628 : i32
      %lt3A_2630 = arith.constant 0 : i32
      %lt3A_2631 = arith.cmpi slt, %select_n3A_2624, %lt3A_2630 : i32
      %ne3A_2632 = arith.xori %lt3A_2629, %lt3A_2631 : i1
      %and3A_2633 = arith.andi %ne3A_2632, %ne3A_2627 : i1
      %add3A_2634 = arith.addi %rem3A_2625, %select_n3A_2624 : i32
      %select_n3A_2635 = arith.select %and3A_2633, %add3A_2634, %rem3A_2625 : i32
      %add3A_2636 = arith.constant 1 : i32
      %add3A_2637 = arith.addi %add3A_2636, %select_n3A_2619 : i32
      %mul3A_2638 = arith.constant 128 : i32
      %mul3A_2639 = arith.muli %select_n3A_2635, %mul3A_2638 : i32
      %add3A_2640 = arith.addi %mul3A_2, %mul3A_2639 : i32
      %dma_wait3A_2641 = arith.constant 0 : i32
      %dma_wait3A_2642 = tpu.memref_slice %arg4[%add3A_2637, %add3A_2640, %dma_wait3A_2641] : memref<27x16384x128xf32, #tpu.memory_space<hbm>> -> memref<1x128x128xf32, #tpu.memory_space<hbm>>
      %dma_wait3A_2643 = tpu.memref_squeeze %dma_wait3A_2642 : memref<1x128x128xf32, #tpu.memory_space<hbm>> -> memref<128x128xf32, #tpu.memory_space<hbm>>
      %dma_wait3A_2644 = arith.constant 0 : i32
      %dma_wait3A_2645 = tpu.memref_slice %arg4[%add3A_2637, %add3A_2640, %dma_wait3A_2644] : memref<27x16384x128xf32, #tpu.memory_space<hbm>> -> memref<1x128x128xf32, #tpu.memory_space<hbm>>
      %dma_wait3A_2646 = tpu.memref_squeeze %dma_wait3A_2645 : memref<1x128x128xf32, #tpu.memory_space<hbm>> -> memref<128x128xf32, #tpu.memory_space<hbm>>
      tpu.wait_dma2 semaphore(%arg23 : memref<!tpu.dma_semaphore, #tpu.memory_space<semaphore_mem>>) src(%arg11 : memref<128x128xf32, #tpu.memory_space<vmem>>) dst(%dma_wait3A_2646 : memref<128x128xf32, #tpu.memory_space<hbm>>)
      %add3A_2647 = arith.constant 5 : i32
      %add3A_2648 = arith.addi %mul3A_1174, %add3A_2647 : i32
      %add3A_2649 = arith.constant 6 : i32
      %add3A_2650 = arith.addi %add3A_2648, %add3A_2649 : i32
      %jit3A_2651 = arith.constant 4 : i32
      %div3A_2652 = arith.divsi %add3A_2650, %jit3A_2651 : i32
      %sign3A_2653 = arith.constant 0 : i32
      %sign3A_2654 = arith.cmpi sgt, %add3A_2650, %sign3A_2653 : i32
      %sign3A_2655 = arith.extui %sign3A_2654 : i1 to i32
      %sign3A_2656 = arith.constant 0 : i32
      %sign3A_2657 = arith.cmpi slt, %add3A_2650, %sign3A_2656 : i32
      %sign3A_2658 = arith.extui %sign3A_2657 : i1 to i32
      %sign3A_2659 = arith.subi %sign3A_2655, %sign3A_2658 : i32
      %sign3A_2660 = arith.constant 0 : i32
      %sign3A_2661 = arith.cmpi sgt, %jit3A_2651, %sign3A_2660 : i32
      %sign3A_2662 = arith.extui %sign3A_2661 : i1 to i32
      %sign3A_2663 = arith.constant 0 : i32
      %sign3A_2664 = arith.cmpi slt, %jit3A_2651, %sign3A_2663 : i32
      %sign3A_2665 = arith.extui %sign3A_2664 : i1 to i32
      %sign3A_2666 = arith.subi %sign3A_2662, %sign3A_2665 : i32
      %ne3A_2667 = arith.cmpi ne, %sign3A_2659, %sign3A_2666 : i32
      %rem3A_2668 = arith.remsi %add3A_2650, %jit3A_2651 : i32
      %ne3A_2669 = arith.constant 0 : i32
      %ne3A_2670 = arith.cmpi ne, %rem3A_2668, %ne3A_2669 : i32
      %and3A_2671 = arith.andi %ne3A_2667, %ne3A_2670 : i1
      %sub3A_2672 = arith.constant 1 : i32
      %sub3A_2673 = arith.subi %div3A_2652, %sub3A_2672 : i32
      %select_n3A_2674 = arith.select %and3A_2671, %sub3A_2673, %div3A_2652 : i32
      %jit3A_2675 = arith.constant 4 : i32
      %eq3A_2676 = arith.constant 0 : i32
      %eq3A_2677 = arith.cmpi eq, %jit3A_2675, %eq3A_2676 : i32
      %jit3A_2678 = arith.constant 1 : i32
      %select_n3A_2679 = arith.select %eq3A_2677, %jit3A_2678, %jit3A_2675 : i32
      %rem3A_2680 = arith.remsi %add3A_2650, %select_n3A_2679 : i32
      %ne3A_2681 = arith.constant 0 : i32
      %ne3A_2682 = arith.cmpi ne, %rem3A_2680, %ne3A_2681 : i32
      %lt3A_2683 = arith.constant 0 : i32
      %lt3A_2684 = arith.cmpi slt, %rem3A_2680, %lt3A_2683 : i32
      %lt3A_2685 = arith.constant 0 : i32
      %lt3A_2686 = arith.cmpi slt, %select_n3A_2679, %lt3A_2685 : i32
      %ne3A_2687 = arith.xori %lt3A_2684, %lt3A_2686 : i1
      %and3A_2688 = arith.andi %ne3A_2687, %ne3A_2682 : i1
      %add3A_2689 = arith.addi %rem3A_2680, %select_n3A_2679 : i32
      %select_n3A_2690 = arith.select %and3A_2688, %add3A_2689, %rem3A_2680 : i32
      %mul3A_2691 = arith.constant 128 : i32
      %mul3A_2692 = arith.muli %select_n3A_2690, %mul3A_2691 : i32
      %mul3A_2693 = arith.constant 100000 : i32
      %mul3A_2694 = arith.muli %select_n3A_2674, %mul3A_2693 : i32
      %add3A_2695 = arith.constant 0 : i32
      %add3A_2696 = arith.addi %mul3A_2692, %add3A_2695 : i32
      %get3A_2697 = arith.index_cast %select_n3A_2674 : i32 to index
      %get3A_2698 = arith.index_cast %add3A_2696 : i32 to index
      %get3A_2699 = tpu.vector_load %arg5[%get3A_2697, %get3A_2698] {strides = array<i32>} : memref<26x512xi32, #tpu.memory_space<vmem>>, vector<1x16xi32>,
      %get3A_2700 = vector.shape_cast %get3A_2699 : vector<1x16xi32> to vector<16xi32>
      %add3A_2701 = vector.broadcast %mul3A_2694 : i32 to vector<16xi32>
      %add3A_2702 = arith.addi %get3A_2700, %add3A_2701 : vector<16xi32>
      %swap3A_2703 = arith.index_cast %select_n3A_2674 : i32 to index
      %swap3A_2704 = arith.index_cast %add3A_2696 : i32 to index
      %swap3A_2705 = tpu.vector_load %arg5[%swap3A_2703, %swap3A_2704] {strides = array<i32>} : memref<26x512xi32, #tpu.memory_space<vmem>>, vector<1x16xi32>,
      %swap3A_2706 = vector.shape_cast %swap3A_2705 : vector<1x16xi32> to vector<16xi32>
      %swap3A_2707 = vector.shape_cast %add3A_2702 : vector<16xi32> to vector<1x16xi32>
      tpu.vector_store %arg5[%swap3A_2703, %swap3A_2704], %swap3A_2707 {strides = array<i32>} : memref<26x512xi32, #tpu.memory_space<vmem>>, vector<1x16xi32>,
      %add3A_2708 = arith.constant 16 : i32
      %add3A_2709 = arith.addi %mul3A_2692, %add3A_2708 : i32
      %get3A_2710 = arith.index_cast %select_n3A_2674 : i32 to index
      %get3A_2711 = arith.index_cast %add3A_2709 : i32 to index
      %get3A_2712 = tpu.vector_load %arg5[%get3A_2710, %get3A_2711] {strides = array<i32>} : memref<26x512xi32, #tpu.memory_space<vmem>>, vector<1x16xi32>,
      %get3A_2713 = vector.shape_cast %get3A_2712 : vector<1x16xi32> to vector<16xi32>
      %add3A_2714 = vector.broadcast %mul3A_2694 : i32 to vector<16xi32>
      %add3A_2715 = arith.addi %get3A_2713, %add3A_2714 : vector<16xi32>
      %swap3A_2716 = arith.index_cast %select_n3A_2674 : i32 to index
      %swap3A_2717 = arith.index_cast %add3A_2709 : i32 to index
      %swap3A_2718 = tpu.vector_load %arg5[%swap3A_2716, %swap3A_2717] {strides = array<i32>} : memref<26x512xi32, #tpu.memory_space<vmem>>, vector<1x16xi32>,
      %swap3A_2719 = vector.shape_cast %swap3A_2718 : vector<1x16xi32> to vector<16xi32>
      %swap3A_2720 = vector.shape_cast %add3A_2715 : vector<16xi32> to vector<1x16xi32>
      tpu.vector_store %arg5[%swap3A_2716, %swap3A_2717], %swap3A_2720 {strides = array<i32>} : memref<26x512xi32, #tpu.memory_space<vmem>>, vector<1x16xi32>,
      %add3A_2721 = arith.constant 32 : i32
      %add3A_2722 = arith.addi %mul3A_2692, %add3A_2721 : i32
      %get3A_2723 = arith.index_cast %select_n3A_2674 : i32 to index
      %get3A_2724 = arith.index_cast %add3A_2722 : i32 to index
      %get3A_2725 = tpu.vector_load %arg5[%get3A_2723, %get3A_2724] {strides = array<i32>} : memref<26x512xi32, #tpu.memory_space<vmem>>, vector<1x16xi32>,
      %get3A_2726 = vector.shape_cast %get3A_2725 : vector<1x16xi32> to vector<16xi32>
      %add3A_2727 = vector.broadcast %mul3A_2694 : i32 to vector<16xi32>
      %add3A_2728 = arith.addi %get3A_2726, %add3A_2727 : vector<16xi32>
      %swap3A_2729 = arith.index_cast %select_n3A_2674 : i32 to index
      %swap3A_2730 = arith.index_cast %add3A_2722 : i32 to index
      %swap3A_2731 = tpu.vector_load %arg5[%swap3A_2729, %swap3A_2730] {strides = array<i32>} : memref<26x512xi32, #tpu.memory_space<vmem>>, vector<1x16xi32>,
      %swap3A_2732 = vector.shape_cast %swap3A_2731 : vector<1x16xi32> to vector<16xi32>
      %swap3A_2733 = vector.shape_cast %add3A_2728 : vector<16xi32> to vector<1x16xi32>
      tpu.vector_store %arg5[%swap3A_2729, %swap3A_2730], %swap3A_2733 {strides = array<i32>} : memref<26x512xi32, #tpu.memory_space<vmem>>, vector<1x16xi32>,
      %add3A_2734 = arith.constant 48 : i32
      %add3A_2735 = arith.addi %mul3A_2692, %add3A_2734 : i32
      %get3A_2736 = arith.index_cast %select_n3A_2674 : i32 to index
      %get3A_2737 = arith.index_cast %add3A_2735 : i32 to index
      %get3A_2738 = tpu.vector_load %arg5[%get3A_2736, %get3A_2737] {strides = array<i32>} : memref<26x512xi32, #tpu.memory_space<vmem>>, vector<1x16xi32>,
      %get3A_2739 = vector.shape_cast %get3A_2738 : vector<1x16xi32> to vector<16xi32>
      %add3A_2740 = vector.broadcast %mul3A_2694 : i32 to vector<16xi32>
      %add3A_2741 = arith.addi %get3A_2739, %add3A_2740 : vector<16xi32>
      %swap3A_2742 = arith.index_cast %select_n3A_2674 : i32 to index
      %swap3A_2743 = arith.index_cast %add3A_2735 : i32 to index
      %swap3A_2744 = tpu.vector_load %arg5[%swap3A_2742, %swap3A_2743] {strides = array<i32>} : memref<26x512xi32, #tpu.memory_space<vmem>>, vector<1x16xi32>,
      %swap3A_2745 = vector.shape_cast %swap3A_2744 : vector<1x16xi32> to vector<16xi32>
      %swap3A_2746 = vector.shape_cast %add3A_2741 : vector<16xi32> to vector<1x16xi32>
      tpu.vector_store %arg5[%swap3A_2742, %swap3A_2743], %swap3A_2746 {strides = array<i32>} : memref<26x512xi32, #tpu.memory_space<vmem>>, vector<1x16xi32>,
      %add3A_2747 = arith.constant 64 : i32
      %add3A_2748 = arith.addi %mul3A_2692, %add3A_2747 : i32
      %get3A_2749 = arith.index_cast %select_n3A_2674 : i32 to index
      %get3A_2750 = arith.index_cast %add3A_2748 : i32 to index
      %get3A_2751 = tpu.vector_load %arg5[%get3A_2749, %get3A_2750] {strides = array<i32>} : memref<26x512xi32, #tpu.memory_space<vmem>>, vector<1x16xi32>,
      %get3A_2752 = vector.shape_cast %get3A_2751 : vector<1x16xi32> to vector<16xi32>
      %add3A_2753 = vector.broadcast %mul3A_2694 : i32 to vector<16xi32>
      %add3A_2754 = arith.addi %get3A_2752, %add3A_2753 : vector<16xi32>
      %swap3A_2755 = arith.index_cast %select_n3A_2674 : i32 to index
      %swap3A_2756 = arith.index_cast %add3A_2748 : i32 to index
      %swap3A_2757 = tpu.vector_load %arg5[%swap3A_2755, %swap3A_2756] {strides = array<i32>} : memref<26x512xi32, #tpu.memory_space<vmem>>, vector<1x16xi32>,
      %swap3A_2758 = vector.shape_cast %swap3A_2757 : vector<1x16xi32> to vector<16xi32>
      %swap3A_2759 = vector.shape_cast %add3A_2754 : vector<16xi32> to vector<1x16xi32>
      tpu.vector_store %arg5[%swap3A_2755, %swap3A_2756], %swap3A_2759 {strides = array<i32>} : memref<26x512xi32, #tpu.memory_space<vmem>>, vector<1x16xi32>,
      %add3A_2760 = arith.constant 80 : i32
      %add3A_2761 = arith.addi %mul3A_2692, %add3A_2760 : i32
      %get3A_2762 = arith.index_cast %select_n3A_2674 : i32 to index
      %get3A_2763 = arith.index_cast %add3A_2761 : i32 to index
      %get3A_2764 = tpu.vector_load %arg5[%get3A_2762, %get3A_2763] {strides = array<i32>} : memref<26x512xi32, #tpu.memory_space<vmem>>, vector<1x16xi32>,
      %get3A_2765 = vector.shape_cast %get3A_2764 : vector<1x16xi32> to vector<16xi32>
      %add3A_2766 = vector.broadcast %mul3A_2694 : i32 to vector<16xi32>
      %add3A_2767 = arith.addi %get3A_2765, %add3A_2766 : vector<16xi32>
      %swap3A_2768 = arith.index_cast %select_n3A_2674 : i32 to index
      %swap3A_2769 = arith.index_cast %add3A_2761 : i32 to index
      %swap3A_2770 = tpu.vector_load %arg5[%swap3A_2768, %swap3A_2769] {strides = array<i32>} : memref<26x512xi32, #tpu.memory_space<vmem>>, vector<1x16xi32>,
      %swap3A_2771 = vector.shape_cast %swap3A_2770 : vector<1x16xi32> to vector<16xi32>
      %swap3A_2772 = vector.shape_cast %add3A_2767 : vector<16xi32> to vector<1x16xi32>
      tpu.vector_store %arg5[%swap3A_2768, %swap3A_2769], %swap3A_2772 {strides = array<i32>} : memref<26x512xi32, #tpu.memory_space<vmem>>, vector<1x16xi32>,
      %add3A_2773 = arith.constant 96 : i32
      %add3A_2774 = arith.addi %mul3A_2692, %add3A_2773 : i32
      %get3A_2775 = arith.index_cast %select_n3A_2674 : i32 to index
      %get3A_2776 = arith.index_cast %add3A_2774 : i32 to index
      %get3A_2777 = tpu.vector_load %arg5[%get3A_2775, %get3A_2776] {strides = array<i32>} : memref<26x512xi32, #tpu.memory_space<vmem>>, vector<1x16xi32>,
      %get3A_2778 = vector.shape_cast %get3A_2777 : vector<1x16xi32> to vector<16xi32>
      %add3A_2779 = vector.broadcast %mul3A_2694 : i32 to vector<16xi32>
      %add3A_2780 = arith.addi %get3A_2778, %add3A_2779 : vector<16xi32>
      %swap3A_2781 = arith.index_cast %select_n3A_2674 : i32 to index
      %swap3A_2782 = arith.index_cast %add3A_2774 : i32 to index
      %swap3A_2783 = tpu.vector_load %arg5[%swap3A_2781, %swap3A_2782] {strides = array<i32>} : memref<26x512xi32, #tpu.memory_space<vmem>>, vector<1x16xi32>,
      %swap3A_2784 = vector.shape_cast %swap3A_2783 : vector<1x16xi32> to vector<16xi32>
      %swap3A_2785 = vector.shape_cast %add3A_2780 : vector<16xi32> to vector<1x16xi32>
      tpu.vector_store %arg5[%swap3A_2781, %swap3A_2782], %swap3A_2785 {strides = array<i32>} : memref<26x512xi32, #tpu.memory_space<vmem>>, vector<1x16xi32>,
      %add3A_2786 = arith.constant 112 : i32
      %add3A_2787 = arith.addi %mul3A_2692, %add3A_2786 : i32
      %get3A_2788 = arith.index_cast %select_n3A_2674 : i32 to index
      %get3A_2789 = arith.index_cast %add3A_2787 : i32 to index
      %get3A_2790 = tpu.vector_load %arg5[%get3A_2788, %get3A_2789] {strides = array<i32>} : memref<26x512xi32, #tpu.memory_space<vmem>>, vector<1x16xi32>,
      %get3A_2791 = vector.shape_cast %get3A_2790 : vector<1x16xi32> to vector<16xi32>
      %add3A_2792 = vector.broadcast %mul3A_2694 : i32 to vector<16xi32>
      %add3A_2793 = arith.addi %get3A_2791, %add3A_2792 : vector<16xi32>
      %swap3A_2794 = arith.index_cast %select_n3A_2674 : i32 to index
      %swap3A_2795 = arith.index_cast %add3A_2787 : i32 to index
      %swap3A_2796 = tpu.vector_load %arg5[%swap3A_2794, %swap3A_2795] {strides = array<i32>} : memref<26x512xi32, #tpu.memory_space<vmem>>, vector<1x16xi32>,
      %swap3A_2797 = vector.shape_cast %swap3A_2796 : vector<1x16xi32> to vector<16xi32>
      %swap3A_2798 = vector.shape_cast %add3A_2793 : vector<16xi32> to vector<1x16xi32>
      tpu.vector_store %arg5[%swap3A_2794, %swap3A_2795], %swap3A_2798 {strides = array<i32>} : memref<26x512xi32, #tpu.memory_space<vmem>>, vector<1x16xi32>,
      %add3A_2799 = arith.constant 0 : i32
      %add3A_2800 = arith.addi %mul3A_2692, %add3A_2799 : i32
      %dma_start3A_2801 = arith.constant 0 : i32
      %dma_start3A_2802 = arith.constant 0 : i32
      %dma_start3A_2803 = tpu.memref_slice %arg11[%dma_start3A_2801, %dma_start3A_2802] : memref<128x128xf32, #tpu.memory_space<vmem>> -> memref<128x128xf32, #tpu.memory_space<vmem>>
      %dma_start3A_2804 = tpu.memref_slice %arg5[%select_n3A_2674, %add3A_2800] : memref<26x512xi32, #tpu.memory_space<vmem>> -> memref<1x128xi32, #tpu.memory_space<vmem>>
      %dma_start3A_2805 = tpu.memref_squeeze %dma_start3A_2804 : memref<1x128xi32, #tpu.memory_space<vmem>> -> memref<128xi32, #tpu.memory_space<vmem>>
      %dma_start3A_2806 = arith.constant 0 : i32
      %dma_start3A_2807 = arith.constant 0 : i32
      %dma_start3A_2808 = tpu.memref_slice %arg2[%dma_start3A_2806, %dma_start3A_2807] : memref<2600000x128xf32, #tpu.memory_space<hbm>> -> memref<2600000x128xf32, #tpu.memory_space<hbm>>
      tpu.enqueue_indirect_dma source(%dma_start3A_2808 : memref<2600000x128xf32, #tpu.memory_space<hbm>>) target(%dma_start3A_2803 : memref<128x128xf32, #tpu.memory_space<vmem>>) offsets(%dma_start3A_2805 : memref<128xi32, #tpu.memory_space<vmem>>) semaphore(%arg22 : memref<!tpu.dma_semaphore, #tpu.memory_space<semaphore_mem>>)
    }
    %scan3A_736 = arith.constant 16 : i32
    %dma_wait3A = arith.constant 0 : i32
    %dma_wait3A_737 = arith.constant 0 : i32
    %dma_wait3A_738 = tpu.memref_slice %arg2[%dma_wait3A, %dma_wait3A_737] : memref<2600000x128xf32, #tpu.memory_space<hbm>> -> memref<128x128xf32, #tpu.memory_space<hbm>>
    %dma_wait3A_739 = arith.constant 0 : i32
    %dma_wait3A_740 = arith.constant 0 : i32
    %dma_wait3A_741 = tpu.memref_slice %arg2[%dma_wait3A_739, %dma_wait3A_740] : memref<2600000x128xf32, #tpu.memory_space<hbm>> -> memref<128x128xf32, #tpu.memory_space<hbm>>
    tpu.wait_dma2 semaphore(%arg12 : memref<!tpu.dma_semaphore, #tpu.memory_space<semaphore_mem>>) src(%dma_wait3A_741 : memref<128x128xf32, #tpu.memory_space<hbm>>) dst(%arg6 : memref<128x128xf32, #tpu.memory_space<vmem>>)
    %add3A_742 = arith.constant 0 : i32
    %add3A_743 = arith.addi %mul3A_2, %add3A_742 : i32
    %dma_start3A_744 = arith.constant 25 : i32
    %dma_start3A_745 = arith.constant 0 : i32
    %dma_start3A_746 = tpu.memref_slice %arg4[%dma_start3A_744, %add3A_743, %dma_start3A_745] : memref<27x16384x128xf32, #tpu.memory_space<hbm>> -> memref<1x128x128xf32, #tpu.memory_space<hbm>>
    %dma_start3A_747 = tpu.memref_squeeze %dma_start3A_746 : memref<1x128x128xf32, #tpu.memory_space<hbm>> -> memref<128x128xf32, #tpu.memory_space<hbm>>
    %dma_start3A_748 = arith.constant 0 : i32
    %dma_start3A_749 = tpu.memref_slice %arg4[%dma_start3A_744, %add3A_743, %dma_start3A_748] : memref<27x16384x128xf32, #tpu.memory_space<hbm>> -> memref<1x128x128xf32, #tpu.memory_space<hbm>>
    %dma_start3A_750 = tpu.memref_squeeze %dma_start3A_749 : memref<1x128x128xf32, #tpu.memory_space<hbm>> -> memref<128x128xf32, #tpu.memory_space<hbm>>
    tpu.enqueue_dma source(%arg6 : memref<128x128xf32, #tpu.memory_space<vmem>>) target(%dma_start3A_750 : memref<128x128xf32, #tpu.memory_space<hbm>>) target_semaphore(%arg13 : memref<!tpu.dma_semaphore, #tpu.memory_space<semaphore_mem>>)
    %add3A_751 = arith.constant 0 : i32
    %add3A_752 = arith.addi %mul3A_2, %add3A_751 : i32
    %dma_wait3A_753 = arith.constant 25 : i32
    %dma_wait3A_754 = arith.constant 0 : i32
    %dma_wait3A_755 = tpu.memref_slice %arg4[%dma_wait3A_753, %add3A_752, %dma_wait3A_754] : memref<27x16384x128xf32, #tpu.memory_space<hbm>> -> memref<1x128x128xf32, #tpu.memory_space<hbm>>
    %dma_wait3A_756 = tpu.memref_squeeze %dma_wait3A_755 : memref<1x128x128xf32, #tpu.memory_space<hbm>> -> memref<128x128xf32, #tpu.memory_space<hbm>>
    %dma_wait3A_757 = arith.constant 0 : i32
    %dma_wait3A_758 = tpu.memref_slice %arg4[%dma_wait3A_753, %add3A_752, %dma_wait3A_757] : memref<27x16384x128xf32, #tpu.memory_space<hbm>> -> memref<1x128x128xf32, #tpu.memory_space<hbm>>
    %dma_wait3A_759 = tpu.memref_squeeze %dma_wait3A_758 : memref<1x128x128xf32, #tpu.memory_space<hbm>> -> memref<128x128xf32, #tpu.memory_space<hbm>>
    tpu.wait_dma2 semaphore(%arg13 : memref<!tpu.dma_semaphore, #tpu.memory_space<semaphore_mem>>) src(%arg6 : memref<128x128xf32, #tpu.memory_space<vmem>>) dst(%dma_wait3A_759 : memref<128x128xf32, #tpu.memory_space<hbm>>)
    %get3A_760 = arith.constant 25 : i32
    %get3A_761 = arith.index_cast %get3A_760 : i32 to index
    %get3A_762 = arith.constant 256 : index
    %get3A_763 = tpu.vector_load %arg5[%get3A_761, %get3A_762] {strides = array<i32>} : memref<26x512xi32, #tpu.memory_space<vmem>>, vector<1x16xi32>,
    %get3A_764 = vector.shape_cast %get3A_763 : vector<1x16xi32> to vector<16xi32>
    %add3A_765 = arith.constant 2500000 : i32
    %add3A_766 = vector.broadcast %add3A_765 : i32 to vector<16xi32>
    %add3A_767 = arith.addi %get3A_764, %add3A_766 : vector<16xi32>
    %swap3A_768 = arith.constant 25 : i32
    %swap3A_769 = arith.index_cast %swap3A_768 : i32 to index
    %swap3A_770 = arith.constant 256 : index
    %swap3A_771 = tpu.vector_load %arg5[%swap3A_769, %swap3A_770] {strides = array<i32>} : memref<26x512xi32, #tpu.memory_space<vmem>>, vector<1x16xi32>,
    %swap3A_772 = vector.shape_cast %swap3A_771 : vector<1x16xi32> to vector<16xi32>
    %swap3A_773 = vector.shape_cast %add3A_767 : vector<16xi32> to vector<1x16xi32>
    tpu.vector_store %arg5[%swap3A_769, %swap3A_770], %swap3A_773 {strides = array<i32>} : memref<26x512xi32, #tpu.memory_space<vmem>>, vector<1x16xi32>,
    %get3A_774 = arith.constant 25 : i32
    %get3A_775 = arith.index_cast %get3A_774 : i32 to index
    %get3A_776 = arith.constant 272 : index
    %get3A_777 = tpu.vector_load %arg5[%get3A_775, %get3A_776] {strides = array<i32>} : memref<26x512xi32, #tpu.memory_space<vmem>>, vector<1x16xi32>,
    %get3A_778 = vector.shape_cast %get3A_777 : vector<1x16xi32> to vector<16xi32>
    %add3A_779 = arith.constant 2500000 : i32
    %add3A_780 = vector.broadcast %add3A_779 : i32 to vector<16xi32>
    %add3A_781 = arith.addi %get3A_778, %add3A_780 : vector<16xi32>
    %swap3A_782 = arith.constant 25 : i32
    %swap3A_783 = arith.index_cast %swap3A_782 : i32 to index
    %swap3A_784 = arith.constant 272 : index
    %swap3A_785 = tpu.vector_load %arg5[%swap3A_783, %swap3A_784] {strides = array<i32>} : memref<26x512xi32, #tpu.memory_space<vmem>>, vector<1x16xi32>,
    %swap3A_786 = vector.shape_cast %swap3A_785 : vector<1x16xi32> to vector<16xi32>
    %swap3A_787 = vector.shape_cast %add3A_781 : vector<16xi32> to vector<1x16xi32>
    tpu.vector_store %arg5[%swap3A_783, %swap3A_784], %swap3A_787 {strides = array<i32>} : memref<26x512xi32, #tpu.memory_space<vmem>>, vector<1x16xi32>,
    %get3A_788 = arith.constant 25 : i32
    %get3A_789 = arith.index_cast %get3A_788 : i32 to index
    %get3A_790 = arith.constant 288 : index
    %get3A_791 = tpu.vector_load %arg5[%get3A_789, %get3A_790] {strides = array<i32>} : memref<26x512xi32, #tpu.memory_space<vmem>>, vector<1x16xi32>,
    %get3A_792 = vector.shape_cast %get3A_791 : vector<1x16xi32> to vector<16xi32>
    %add3A_793 = arith.constant 2500000 : i32
    %add3A_794 = vector.broadcast %add3A_793 : i32 to vector<16xi32>
    %add3A_795 = arith.addi %get3A_792, %add3A_794 : vector<16xi32>
    %swap3A_796 = arith.constant 25 : i32
    %swap3A_797 = arith.index_cast %swap3A_796 : i32 to index
    %swap3A_798 = arith.constant 288 : index
    %swap3A_799 = tpu.vector_load %arg5[%swap3A_797, %swap3A_798] {strides = array<i32>} : memref<26x512xi32, #tpu.memory_space<vmem>>, vector<1x16xi32>,
    %swap3A_800 = vector.shape_cast %swap3A_799 : vector<1x16xi32> to vector<16xi32>
    %swap3A_801 = vector.shape_cast %add3A_795 : vector<16xi32> to vector<1x16xi32>
    tpu.vector_store %arg5[%swap3A_797, %swap3A_798], %swap3A_801 {strides = array<i32>} : memref<26x512xi32, #tpu.memory_space<vmem>>, vector<1x16xi32>,
    %get3A_802 = arith.constant 25 : i32
    %get3A_803 = arith.index_cast %get3A_802 : i32 to index
    %get3A_804 = arith.constant 304 : index
    %get3A_805 = tpu.vector_load %arg5[%get3A_803, %get3A_804] {strides = array<i32>} : memref<26x512xi32, #tpu.memory_space<vmem>>, vector<1x16xi32>,
    %get3A_806 = vector.shape_cast %get3A_805 : vector<1x16xi32> to vector<16xi32>
    %add3A_807 = arith.constant 2500000 : i32
    %add3A_808 = vector.broadcast %add3A_807 : i32 to vector<16xi32>
    %add3A_809 = arith.addi %get3A_806, %add3A_808 : vector<16xi32>
    %swap3A_810 = arith.constant 25 : i32
    %swap3A_811 = arith.index_cast %swap3A_810 : i32 to index
    %swap3A_812 = arith.constant 304 : index
    %swap3A_813 = tpu.vector_load %arg5[%swap3A_811, %swap3A_812] {strides = array<i32>} : memref<26x512xi32, #tpu.memory_space<vmem>>, vector<1x16xi32>,
    %swap3A_814 = vector.shape_cast %swap3A_813 : vector<1x16xi32> to vector<16xi32>
    %swap3A_815 = vector.shape_cast %add3A_809 : vector<16xi32> to vector<1x16xi32>
    tpu.vector_store %arg5[%swap3A_811, %swap3A_812], %swap3A_815 {strides = array<i32>} : memref<26x512xi32, #tpu.memory_space<vmem>>, vector<1x16xi32>,
    %get3A_816 = arith.constant 25 : i32
    %get3A_817 = arith.index_cast %get3A_816 : i32 to index
    %get3A_818 = arith.constant 320 : index
    %get3A_819 = tpu.vector_load %arg5[%get3A_817, %get3A_818] {strides = array<i32>} : memref<26x512xi32, #tpu.memory_space<vmem>>, vector<1x16xi32>,
    %get3A_820 = vector.shape_cast %get3A_819 : vector<1x16xi32> to vector<16xi32>
    %add3A_821 = arith.constant 2500000 : i32
    %add3A_822 = vector.broadcast %add3A_821 : i32 to vector<16xi32>
    %add3A_823 = arith.addi %get3A_820, %add3A_822 : vector<16xi32>
    %swap3A_824 = arith.constant 25 : i32
    %swap3A_825 = arith.index_cast %swap3A_824 : i32 to index
    %swap3A_826 = arith.constant 320 : index
    %swap3A_827 = tpu.vector_load %arg5[%swap3A_825, %swap3A_826] {strides = array<i32>} : memref<26x512xi32, #tpu.memory_space<vmem>>, vector<1x16xi32>,
    %swap3A_828 = vector.shape_cast %swap3A_827 : vector<1x16xi32> to vector<16xi32>
    %swap3A_829 = vector.shape_cast %add3A_823 : vector<16xi32> to vector<1x16xi32>
    tpu.vector_store %arg5[%swap3A_825, %swap3A_826], %swap3A_829 {strides = array<i32>} : memref<26x512xi32, #tpu.memory_space<vmem>>, vector<1x16xi32>,
    %get3A_830 = arith.constant 25 : i32
    %get3A_831 = arith.index_cast %get3A_830 : i32 to index
    %get3A_832 = arith.constant 336 : index
    %get3A_833 = tpu.vector_load %arg5[%get3A_831, %get3A_832] {strides = array<i32>} : memref<26x512xi32, #tpu.memory_space<vmem>>, vector<1x16xi32>,
    %get3A_834 = vector.shape_cast %get3A_833 : vector<1x16xi32> to vector<16xi32>
    %add3A_835 = arith.constant 2500000 : i32
    %add3A_836 = vector.broadcast %add3A_835 : i32 to vector<16xi32>
    %add3A_837 = arith.addi %get3A_834, %add3A_836 : vector<16xi32>
    %swap3A_838 = arith.constant 25 : i32
    %swap3A_839 = arith.index_cast %swap3A_838 : i32 to index
    %swap3A_840 = arith.constant 336 : index
    %swap3A_841 = tpu.vector_load %arg5[%swap3A_839, %swap3A_840] {strides = array<i32>} : memref<26x512xi32, #tpu.memory_space<vmem>>, vector<1x16xi32>,
    %swap3A_842 = vector.shape_cast %swap3A_841 : vector<1x16xi32> to vector<16xi32>
    %swap3A_843 = vector.shape_cast %add3A_837 : vector<16xi32> to vector<1x16xi32>
    tpu.vector_store %arg5[%swap3A_839, %swap3A_840], %swap3A_843 {strides = array<i32>} : memref<26x512xi32, #tpu.memory_space<vmem>>, vector<1x16xi32>,
    %get3A_844 = arith.constant 25 : i32
    %get3A_845 = arith.index_cast %get3A_844 : i32 to index
    %get3A_846 = arith.constant 352 : index
    %get3A_847 = tpu.vector_load %arg5[%get3A_845, %get3A_846] {strides = array<i32>} : memref<26x512xi32, #tpu.memory_space<vmem>>, vector<1x16xi32>,
    %get3A_848 = vector.shape_cast %get3A_847 : vector<1x16xi32> to vector<16xi32>
    %add3A_849 = arith.constant 2500000 : i32
    %add3A_850 = vector.broadcast %add3A_849 : i32 to vector<16xi32>
    %add3A_851 = arith.addi %get3A_848, %add3A_850 : vector<16xi32>
    %swap3A_852 = arith.constant 25 : i32
    %swap3A_853 = arith.index_cast %swap3A_852 : i32 to index
    %swap3A_854 = arith.constant 352 : index
    %swap3A_855 = tpu.vector_load %arg5[%swap3A_853, %swap3A_854] {strides = array<i32>} : memref<26x512xi32, #tpu.memory_space<vmem>>, vector<1x16xi32>,
    %swap3A_856 = vector.shape_cast %swap3A_855 : vector<1x16xi32> to vector<16xi32>
    %swap3A_857 = vector.shape_cast %add3A_851 : vector<16xi32> to vector<1x16xi32>
    tpu.vector_store %arg5[%swap3A_853, %swap3A_854], %swap3A_857 {strides = array<i32>} : memref<26x512xi32, #tpu.memory_space<vmem>>, vector<1x16xi32>,
    %get3A_858 = arith.constant 25 : i32
    %get3A_859 = arith.index_cast %get3A_858 : i32 to index
    %get3A_860 = arith.constant 368 : index
    %get3A_861 = tpu.vector_load %arg5[%get3A_859, %get3A_860] {strides = array<i32>} : memref<26x512xi32, #tpu.memory_space<vmem>>, vector<1x16xi32>,
    %get3A_862 = vector.shape_cast %get3A_861 : vector<1x16xi32> to vector<16xi32>
    %add3A_863 = arith.constant 2500000 : i32
    %add3A_864 = vector.broadcast %add3A_863 : i32 to vector<16xi32>
    %add3A_865 = arith.addi %get3A_862, %add3A_864 : vector<16xi32>
    %swap3A_866 = arith.constant 25 : i32
    %swap3A_867 = arith.index_cast %swap3A_866 : i32 to index
    %swap3A_868 = arith.constant 368 : index
    %swap3A_869 = tpu.vector_load %arg5[%swap3A_867, %swap3A_868] {strides = array<i32>} : memref<26x512xi32, #tpu.memory_space<vmem>>, vector<1x16xi32>,
    %swap3A_870 = vector.shape_cast %swap3A_869 : vector<1x16xi32> to vector<16xi32>
    %swap3A_871 = vector.shape_cast %add3A_865 : vector<16xi32> to vector<1x16xi32>
    tpu.vector_store %arg5[%swap3A_867, %swap3A_868], %swap3A_871 {strides = array<i32>} : memref<26x512xi32, #tpu.memory_space<vmem>>, vector<1x16xi32>,
    %dma_start3A_872 = arith.constant 25 : i32
    %dma_start3A_873 = arith.constant 0 : i32
    %dma_start3A_874 = arith.constant 0 : i32
    %dma_start3A_875 = tpu.memref_slice %arg6[%dma_start3A_873, %dma_start3A_874] : memref<128x128xf32, #tpu.memory_space<vmem>> -> memref<128x128xf32, #tpu.memory_space<vmem>>
    %dma_start3A_876 = arith.constant 256 : i32
    %dma_start3A_877 = tpu.memref_slice %arg5[%dma_start3A_872, %dma_start3A_876] : memref<26x512xi32, #tpu.memory_space<vmem>> -> memref<1x128xi32, #tpu.memory_space<vmem>>
    %dma_start3A_878 = tpu.memref_squeeze %dma_start3A_877 : memref<1x128xi32, #tpu.memory_space<vmem>> -> memref<128xi32, #tpu.memory_space<vmem>>
    %dma_start3A_879 = arith.constant 0 : i32
    %dma_start3A_880 = arith.constant 0 : i32
    %dma_start3A_881 = tpu.memref_slice %arg2[%dma_start3A_879, %dma_start3A_880] : memref<2600000x128xf32, #tpu.memory_space<hbm>> -> memref<2600000x128xf32, #tpu.memory_space<hbm>>
    tpu.enqueue_indirect_dma source(%dma_start3A_881 : memref<2600000x128xf32, #tpu.memory_space<hbm>>) target(%dma_start3A_875 : memref<128x128xf32, #tpu.memory_space<vmem>>) offsets(%dma_start3A_878 : memref<128xi32, #tpu.memory_space<vmem>>) semaphore(%arg12 : memref<!tpu.dma_semaphore, #tpu.memory_space<semaphore_mem>>)
    %dma_wait3A_882 = arith.constant 0 : i32
    %dma_wait3A_883 = arith.constant 0 : i32
    %dma_wait3A_884 = tpu.memref_slice %arg2[%dma_wait3A_882, %dma_wait3A_883] : memref<2600000x128xf32, #tpu.memory_space<hbm>> -> memref<128x128xf32, #tpu.memory_space<hbm>>
    %dma_wait3A_885 = arith.constant 0 : i32
    %dma_wait3A_886 = arith.constant 0 : i32
    %dma_wait3A_887 = tpu.memref_slice %arg2[%dma_wait3A_885, %dma_wait3A_886] : memref<2600000x128xf32, #tpu.memory_space<hbm>> -> memref<128x128xf32, #tpu.memory_space<hbm>>
    tpu.wait_dma2 semaphore(%arg14 : memref<!tpu.dma_semaphore, #tpu.memory_space<semaphore_mem>>) src(%dma_wait3A_887 : memref<128x128xf32, #tpu.memory_space<hbm>>) dst(%arg7 : memref<128x128xf32, #tpu.memory_space<vmem>>)
    %add3A_888 = arith.constant 128 : i32
    %add3A_889 = arith.addi %mul3A_2, %add3A_888 : i32
    %dma_start3A_890 = arith.constant 25 : i32
    %dma_start3A_891 = arith.constant 0 : i32
    %dma_start3A_892 = tpu.memref_slice %arg4[%dma_start3A_890, %add3A_889, %dma_start3A_891] : memref<27x16384x128xf32, #tpu.memory_space<hbm>> -> memref<1x128x128xf32, #tpu.memory_space<hbm>>
    %dma_start3A_893 = tpu.memref_squeeze %dma_start3A_892 : memref<1x128x128xf32, #tpu.memory_space<hbm>> -> memref<128x128xf32, #tpu.memory_space<hbm>>
    %dma_start3A_894 = arith.constant 0 : i32
    %dma_start3A_895 = tpu.memref_slice %arg4[%dma_start3A_890, %add3A_889, %dma_start3A_894] : memref<27x16384x128xf32, #tpu.memory_space<hbm>> -> memref<1x128x128xf32, #tpu.memory_space<hbm>>
    %dma_start3A_896 = tpu.memref_squeeze %dma_start3A_895 : memref<1x128x128xf32, #tpu.memory_space<hbm>> -> memref<128x128xf32, #tpu.memory_space<hbm>>
    tpu.enqueue_dma source(%arg7 : memref<128x128xf32, #tpu.memory_space<vmem>>) target(%dma_start3A_896 : memref<128x128xf32, #tpu.memory_space<hbm>>) target_semaphore(%arg15 : memref<!tpu.dma_semaphore, #tpu.memory_space<semaphore_mem>>)
    %add3A_897 = arith.constant 128 : i32
    %add3A_898 = arith.addi %mul3A_2, %add3A_897 : i32
    %dma_wait3A_899 = arith.constant 25 : i32
    %dma_wait3A_900 = arith.constant 0 : i32
    %dma_wait3A_901 = tpu.memref_slice %arg4[%dma_wait3A_899, %add3A_898, %dma_wait3A_900] : memref<27x16384x128xf32, #tpu.memory_space<hbm>> -> memref<1x128x128xf32, #tpu.memory_space<hbm>>
    %dma_wait3A_902 = tpu.memref_squeeze %dma_wait3A_901 : memref<1x128x128xf32, #tpu.memory_space<hbm>> -> memref<128x128xf32, #tpu.memory_space<hbm>>
    %dma_wait3A_903 = arith.constant 0 : i32
    %dma_wait3A_904 = tpu.memref_slice %arg4[%dma_wait3A_899, %add3A_898, %dma_wait3A_903] : memref<27x16384x128xf32, #tpu.memory_space<hbm>> -> memref<1x128x128xf32, #tpu.memory_space<hbm>>
    %dma_wait3A_905 = tpu.memref_squeeze %dma_wait3A_904 : memref<1x128x128xf32, #tpu.memory_space<hbm>> -> memref<128x128xf32, #tpu.memory_space<hbm>>
    tpu.wait_dma2 semaphore(%arg15 : memref<!tpu.dma_semaphore, #tpu.memory_space<semaphore_mem>>) src(%arg7 : memref<128x128xf32, #tpu.memory_space<vmem>>) dst(%dma_wait3A_905 : memref<128x128xf32, #tpu.memory_space<hbm>>)
    %get3A_906 = arith.constant 25 : i32
    %get3A_907 = arith.index_cast %get3A_906 : i32 to index
    %get3A_908 = arith.constant 384 : index
    %get3A_909 = tpu.vector_load %arg5[%get3A_907, %get3A_908] {strides = array<i32>} : memref<26x512xi32, #tpu.memory_space<vmem>>, vector<1x16xi32>,
    %get3A_910 = vector.shape_cast %get3A_909 : vector<1x16xi32> to vector<16xi32>
    %add3A_911 = arith.constant 2500000 : i32
    %add3A_912 = vector.broadcast %add3A_911 : i32 to vector<16xi32>
    %add3A_913 = arith.addi %get3A_910, %add3A_912 : vector<16xi32>
    %swap3A_914 = arith.constant 25 : i32
    %swap3A_915 = arith.index_cast %swap3A_914 : i32 to index
    %swap3A_916 = arith.constant 384 : index
    %swap3A_917 = tpu.vector_load %arg5[%swap3A_915, %swap3A_916] {strides = array<i32>} : memref<26x512xi32, #tpu.memory_space<vmem>>, vector<1x16xi32>,
    %swap3A_918 = vector.shape_cast %swap3A_917 : vector<1x16xi32> to vector<16xi32>
    %swap3A_919 = vector.shape_cast %add3A_913 : vector<16xi32> to vector<1x16xi32>
    tpu.vector_store %arg5[%swap3A_915, %swap3A_916], %swap3A_919 {strides = array<i32>} : memref<26x512xi32, #tpu.memory_space<vmem>>, vector<1x16xi32>,
    %get3A_920 = arith.constant 25 : i32
    %get3A_921 = arith.index_cast %get3A_920 : i32 to index
    %get3A_922 = arith.constant 400 : index
    %get3A_923 = tpu.vector_load %arg5[%get3A_921, %get3A_922] {strides = array<i32>} : memref<26x512xi32, #tpu.memory_space<vmem>>, vector<1x16xi32>,
    %get3A_924 = vector.shape_cast %get3A_923 : vector<1x16xi32> to vector<16xi32>
    %add3A_925 = arith.constant 2500000 : i32
    %add3A_926 = vector.broadcast %add3A_925 : i32 to vector<16xi32>
    %add3A_927 = arith.addi %get3A_924, %add3A_926 : vector<16xi32>
    %swap3A_928 = arith.constant 25 : i32
    %swap3A_929 = arith.index_cast %swap3A_928 : i32 to index
    %swap3A_930 = arith.constant 400 : index
    %swap3A_931 = tpu.vector_load %arg5[%swap3A_929, %swap3A_930] {strides = array<i32>} : memref<26x512xi32, #tpu.memory_space<vmem>>, vector<1x16xi32>,
    %swap3A_932 = vector.shape_cast %swap3A_931 : vector<1x16xi32> to vector<16xi32>
    %swap3A_933 = vector.shape_cast %add3A_927 : vector<16xi32> to vector<1x16xi32>
    tpu.vector_store %arg5[%swap3A_929, %swap3A_930], %swap3A_933 {strides = array<i32>} : memref<26x512xi32, #tpu.memory_space<vmem>>, vector<1x16xi32>,
    %get3A_934 = arith.constant 25 : i32
    %get3A_935 = arith.index_cast %get3A_934 : i32 to index
    %get3A_936 = arith.constant 416 : index
    %get3A_937 = tpu.vector_load %arg5[%get3A_935, %get3A_936] {strides = array<i32>} : memref<26x512xi32, #tpu.memory_space<vmem>>, vector<1x16xi32>,
    %get3A_938 = vector.shape_cast %get3A_937 : vector<1x16xi32> to vector<16xi32>
    %add3A_939 = arith.constant 2500000 : i32
    %add3A_940 = vector.broadcast %add3A_939 : i32 to vector<16xi32>
    %add3A_941 = arith.addi %get3A_938, %add3A_940 : vector<16xi32>
    %swap3A_942 = arith.constant 25 : i32
    %swap3A_943 = arith.index_cast %swap3A_942 : i32 to index
    %swap3A_944 = arith.constant 416 : index
    %swap3A_945 = tpu.vector_load %arg5[%swap3A_943, %swap3A_944] {strides = array<i32>} : memref<26x512xi32, #tpu.memory_space<vmem>>, vector<1x16xi32>,
    %swap3A_946 = vector.shape_cast %swap3A_945 : vector<1x16xi32> to vector<16xi32>
    %swap3A_947 = vector.shape_cast %add3A_941 : vector<16xi32> to vector<1x16xi32>
    tpu.vector_store %arg5[%swap3A_943, %swap3A_944], %swap3A_947 {strides = array<i32>} : memref<26x512xi32, #tpu.memory_space<vmem>>, vector<1x16xi32>,
    %get3A_948 = arith.constant 25 : i32
    %get3A_949 = arith.index_cast %get3A_948 : i32 to index
    %get3A_950 = arith.constant 432 : index
    %get3A_951 = tpu.vector_load %arg5[%get3A_949, %get3A_950] {strides = array<i32>} : memref<26x512xi32, #tpu.memory_space<vmem>>, vector<1x16xi32>,
    %get3A_952 = vector.shape_cast %get3A_951 : vector<1x16xi32> to vector<16xi32>
    %add3A_953 = arith.constant 2500000 : i32
    %add3A_954 = vector.broadcast %add3A_953 : i32 to vector<16xi32>
    %add3A_955 = arith.addi %get3A_952, %add3A_954 : vector<16xi32>
    %swap3A_956 = arith.constant 25 : i32
    %swap3A_957 = arith.index_cast %swap3A_956 : i32 to index
    %swap3A_958 = arith.constant 432 : index
    %swap3A_959 = tpu.vector_load %arg5[%swap3A_957, %swap3A_958] {strides = array<i32>} : memref<26x512xi32, #tpu.memory_space<vmem>>, vector<1x16xi32>,
    %swap3A_960 = vector.shape_cast %swap3A_959 : vector<1x16xi32> to vector<16xi32>
    %swap3A_961 = vector.shape_cast %add3A_955 : vector<16xi32> to vector<1x16xi32>
    tpu.vector_store %arg5[%swap3A_957, %swap3A_958], %swap3A_961 {strides = array<i32>} : memref<26x512xi32, #tpu.memory_space<vmem>>, vector<1x16xi32>,
    %get3A_962 = arith.constant 25 : i32
    %get3A_963 = arith.index_cast %get3A_962 : i32 to index
    %get3A_964 = arith.constant 448 : index
    %get3A_965 = tpu.vector_load %arg5[%get3A_963, %get3A_964] {strides = array<i32>} : memref<26x512xi32, #tpu.memory_space<vmem>>, vector<1x16xi32>,
    %get3A_966 = vector.shape_cast %get3A_965 : vector<1x16xi32> to vector<16xi32>
    %add3A_967 = arith.constant 2500000 : i32
    %add3A_968 = vector.broadcast %add3A_967 : i32 to vector<16xi32>
    %add3A_969 = arith.addi %get3A_966, %add3A_968 : vector<16xi32>
    %swap3A_970 = arith.constant 25 : i32
    %swap3A_971 = arith.index_cast %swap3A_970 : i32 to index
    %swap3A_972 = arith.constant 448 : index
    %swap3A_973 = tpu.vector_load %arg5[%swap3A_971, %swap3A_972] {strides = array<i32>} : memref<26x512xi32, #tpu.memory_space<vmem>>, vector<1x16xi32>,
    %swap3A_974 = vector.shape_cast %swap3A_973 : vector<1x16xi32> to vector<16xi32>
    %swap3A_975 = vector.shape_cast %add3A_969 : vector<16xi32> to vector<1x16xi32>
    tpu.vector_store %arg5[%swap3A_971, %swap3A_972], %swap3A_975 {strides = array<i32>} : memref<26x512xi32, #tpu.memory_space<vmem>>, vector<1x16xi32>,
    %get3A_976 = arith.constant 25 : i32
    %get3A_977 = arith.index_cast %get3A_976 : i32 to index
    %get3A_978 = arith.constant 464 : index
    %get3A_979 = tpu.vector_load %arg5[%get3A_977, %get3A_978] {strides = array<i32>} : memref<26x512xi32, #tpu.memory_space<vmem>>, vector<1x16xi32>,
    %get3A_980 = vector.shape_cast %get3A_979 : vector<1x16xi32> to vector<16xi32>
    %add3A_981 = arith.constant 2500000 : i32
    %add3A_982 = vector.broadcast %add3A_981 : i32 to vector<16xi32>
    %add3A_983 = arith.addi %get3A_980, %add3A_982 : vector<16xi32>
    %swap3A_984 = arith.constant 25 : i32
    %swap3A_985 = arith.index_cast %swap3A_984 : i32 to index
    %swap3A_986 = arith.constant 464 : index
    %swap3A_987 = tpu.vector_load %arg5[%swap3A_985, %swap3A_986] {strides = array<i32>} : memref<26x512xi32, #tpu.memory_space<vmem>>, vector<1x16xi32>,
    %swap3A_988 = vector.shape_cast %swap3A_987 : vector<1x16xi32> to vector<16xi32>
    %swap3A_989 = vector.shape_cast %add3A_983 : vector<16xi32> to vector<1x16xi32>
    tpu.vector_store %arg5[%swap3A_985, %swap3A_986], %swap3A_989 {strides = array<i32>} : memref<26x512xi32, #tpu.memory_space<vmem>>, vector<1x16xi32>,
    %get3A_990 = arith.constant 25 : i32
    %get3A_991 = arith.index_cast %get3A_990 : i32 to index
    %get3A_992 = arith.constant 480 : index
    %get3A_993 = tpu.vector_load %arg5[%get3A_991, %get3A_992] {strides = array<i32>} : memref<26x512xi32, #tpu.memory_space<vmem>>, vector<1x16xi32>,
    %get3A_994 = vector.shape_cast %get3A_993 : vector<1x16xi32> to vector<16xi32>
    %add3A_995 = arith.constant 2500000 : i32
    %add3A_996 = vector.broadcast %add3A_995 : i32 to vector<16xi32>
    %add3A_997 = arith.addi %get3A_994, %add3A_996 : vector<16xi32>
    %swap3A_998 = arith.constant 25 : i32
    %swap3A_999 = arith.index_cast %swap3A_998 : i32 to index
    %swap3A_1000 = arith.constant 480 : index
    %swap3A_1001 = tpu.vector_load %arg5[%swap3A_999, %swap3A_1000] {strides = array<i32>} : memref<26x512xi32, #tpu.memory_space<vmem>>, vector<1x16xi32>,
    %swap3A_1002 = vector.shape_cast %swap3A_1001 : vector<1x16xi32> to vector<16xi32>
    %swap3A_1003 = vector.shape_cast %add3A_997 : vector<16xi32> to vector<1x16xi32>
    tpu.vector_store %arg5[%swap3A_999, %swap3A_1000], %swap3A_1003 {strides = array<i32>} : memref<26x512xi32, #tpu.memory_space<vmem>>, vector<1x16xi32>,
    %get3A_1004 = arith.constant 25 : i32
    %get3A_1005 = arith.index_cast %get3A_1004 : i32 to index
    %get3A_1006 = arith.constant 496 : index
    %get3A_1007 = tpu.vector_load %arg5[%get3A_1005, %get3A_1006] {strides = array<i32>} : memref<26x512xi32, #tpu.memory_space<vmem>>, vector<1x16xi32>,
    %get3A_1008 = vector.shape_cast %get3A_1007 : vector<1x16xi32> to vector<16xi32>
    %add3A_1009 = arith.constant 2500000 : i32
    %add3A_1010 = vector.broadcast %add3A_1009 : i32 to vector<16xi32>
    %add3A_1011 = arith.addi %get3A_1008, %add3A_1010 : vector<16xi32>
    %swap3A_1012 = arith.constant 25 : i32
    %swap3A_1013 = arith.index_cast %swap3A_1012 : i32 to index
    %swap3A_1014 = arith.constant 496 : index
    %swap3A_1015 = tpu.vector_load %arg5[%swap3A_1013, %swap3A_1014] {strides = array<i32>} : memref<26x512xi32, #tpu.memory_space<vmem>>, vector<1x16xi32>,
    %swap3A_1016 = vector.shape_cast %swap3A_1015 : vector<1x16xi32> to vector<16xi32>
    %swap3A_1017 = vector.shape_cast %add3A_1011 : vector<16xi32> to vector<1x16xi32>
    tpu.vector_store %arg5[%swap3A_1013, %swap3A_1014], %swap3A_1017 {strides = array<i32>} : memref<26x512xi32, #tpu.memory_space<vmem>>, vector<1x16xi32>,
    %dma_start3A_1018 = arith.constant 25 : i32
    %dma_start3A_1019 = arith.constant 0 : i32
    %dma_start3A_1020 = arith.constant 0 : i32
    %dma_start3A_1021 = tpu.memref_slice %arg7[%dma_start3A_1019, %dma_start3A_1020] : memref<128x128xf32, #tpu.memory_space<vmem>> -> memref<128x128xf32, #tpu.memory_space<vmem>>
    %dma_start3A_1022 = arith.constant 384 : i32
    %dma_start3A_1023 = tpu.memref_slice %arg5[%dma_start3A_1018, %dma_start3A_1022] : memref<26x512xi32, #tpu.memory_space<vmem>> -> memref<1x128xi32, #tpu.memory_space<vmem>>
    %dma_start3A_1024 = tpu.memref_squeeze %dma_start3A_1023 : memref<1x128xi32, #tpu.memory_space<vmem>> -> memref<128xi32, #tpu.memory_space<vmem>>
    %dma_start3A_1025 = arith.constant 0 : i32
    %dma_start3A_1026 = arith.constant 0 : i32
    %dma_start3A_1027 = tpu.memref_slice %arg2[%dma_start3A_1025, %dma_start3A_1026] : memref<2600000x128xf32, #tpu.memory_space<hbm>> -> memref<2600000x128xf32, #tpu.memory_space<hbm>>
    tpu.enqueue_indirect_dma source(%dma_start3A_1027 : memref<2600000x128xf32, #tpu.memory_space<hbm>>) target(%dma_start3A_1021 : memref<128x128xf32, #tpu.memory_space<vmem>>) offsets(%dma_start3A_1024 : memref<128xi32, #tpu.memory_space<vmem>>) semaphore(%arg14 : memref<!tpu.dma_semaphore, #tpu.memory_space<semaphore_mem>>)
    %dma_wait3A_1028 = arith.constant 0 : i32
    %dma_wait3A_1029 = arith.constant 0 : i32
    %dma_wait3A_1030 = tpu.memref_slice %arg2[%dma_wait3A_1028, %dma_wait3A_1029] : memref<2600000x128xf32, #tpu.memory_space<hbm>> -> memref<128x128xf32, #tpu.memory_space<hbm>>
    %dma_wait3A_1031 = arith.constant 0 : i32
    %dma_wait3A_1032 = arith.constant 0 : i32
    %dma_wait3A_1033 = tpu.memref_slice %arg2[%dma_wait3A_1031, %dma_wait3A_1032] : memref<2600000x128xf32, #tpu.memory_space<hbm>> -> memref<128x128xf32, #tpu.memory_space<hbm>>
    tpu.wait_dma2 semaphore(%arg16 : memref<!tpu.dma_semaphore, #tpu.memory_space<semaphore_mem>>) src(%dma_wait3A_1033 : memref<128x128xf32, #tpu.memory_space<hbm>>) dst(%arg8 : memref<128x128xf32, #tpu.memory_space<vmem>>)
    %add3A_1034 = arith.constant 256 : i32
    %add3A_1035 = arith.addi %mul3A_2, %add3A_1034 : i32
    %dma_start3A_1036 = arith.constant 25 : i32
    %dma_start3A_1037 = arith.constant 0 : i32
    %dma_start3A_1038 = tpu.memref_slice %arg4[%dma_start3A_1036, %add3A_1035, %dma_start3A_1037] : memref<27x16384x128xf32, #tpu.memory_space<hbm>> -> memref<1x128x128xf32, #tpu.memory_space<hbm>>
    %dma_start3A_1039 = tpu.memref_squeeze %dma_start3A_1038 : memref<1x128x128xf32, #tpu.memory_space<hbm>> -> memref<128x128xf32, #tpu.memory_space<hbm>>
    %dma_start3A_1040 = arith.constant 0 : i32
    %dma_start3A_1041 = tpu.memref_slice %arg4[%dma_start3A_1036, %add3A_1035, %dma_start3A_1040] : memref<27x16384x128xf32, #tpu.memory_space<hbm>> -> memref<1x128x128xf32, #tpu.memory_space<hbm>>
    %dma_start3A_1042 = tpu.memref_squeeze %dma_start3A_1041 : memref<1x128x128xf32, #tpu.memory_space<hbm>> -> memref<128x128xf32, #tpu.memory_space<hbm>>
    tpu.enqueue_dma source(%arg8 : memref<128x128xf32, #tpu.memory_space<vmem>>) target(%dma_start3A_1042 : memref<128x128xf32, #tpu.memory_space<hbm>>) target_semaphore(%arg17 : memref<!tpu.dma_semaphore, #tpu.memory_space<semaphore_mem>>)
    %dma_wait3A_1043 = arith.constant 0 : i32
    %dma_wait3A_1044 = arith.constant 0 : i32
    %dma_wait3A_1045 = tpu.memref_slice %arg2[%dma_wait3A_1043, %dma_wait3A_1044] : memref<2600000x128xf32, #tpu.memory_space<hbm>> -> memref<128x128xf32, #tpu.memory_space<hbm>>
    %dma_wait3A_1046 = arith.constant 0 : i32
    %dma_wait3A_1047 = arith.constant 0 : i32
    %dma_wait3A_1048 = tpu.memref_slice %arg2[%dma_wait3A_1046, %dma_wait3A_1047] : memref<2600000x128xf32, #tpu.memory_space<hbm>> -> memref<128x128xf32, #tpu.memory_space<hbm>>
    tpu.wait_dma2 semaphore(%arg18 : memref<!tpu.dma_semaphore, #tpu.memory_space<semaphore_mem>>) src(%dma_wait3A_1048 : memref<128x128xf32, #tpu.memory_space<hbm>>) dst(%arg9 : memref<128x128xf32, #tpu.memory_space<vmem>>)
    %add3A_1049 = arith.constant 384 : i32
    %add3A_1050 = arith.addi %mul3A_2, %add3A_1049 : i32
    %dma_start3A_1051 = arith.constant 25 : i32
    %dma_start3A_1052 = arith.constant 0 : i32
    %dma_start3A_1053 = tpu.memref_slice %arg4[%dma_start3A_1051, %add3A_1050, %dma_start3A_1052] : memref<27x16384x128xf32, #tpu.memory_space<hbm>> -> memref<1x128x128xf32, #tpu.memory_space<hbm>>
    %dma_start3A_1054 = tpu.memref_squeeze %dma_start3A_1053 : memref<1x128x128xf32, #tpu.memory_space<hbm>> -> memref<128x128xf32, #tpu.memory_space<hbm>>
    %dma_start3A_1055 = arith.constant 0 : i32
    %dma_start3A_1056 = tpu.memref_slice %arg4[%dma_start3A_1051, %add3A_1050, %dma_start3A_1055] : memref<27x16384x128xf32, #tpu.memory_space<hbm>> -> memref<1x128x128xf32, #tpu.memory_space<hbm>>
    %dma_start3A_1057 = tpu.memref_squeeze %dma_start3A_1056 : memref<1x128x128xf32, #tpu.memory_space<hbm>> -> memref<128x128xf32, #tpu.memory_space<hbm>>
    tpu.enqueue_dma source(%arg9 : memref<128x128xf32, #tpu.memory_space<vmem>>) target(%dma_start3A_1057 : memref<128x128xf32, #tpu.memory_space<hbm>>) target_semaphore(%arg19 : memref<!tpu.dma_semaphore, #tpu.memory_space<semaphore_mem>>)
    %dma_wait3A_1058 = arith.constant 0 : i32
    %dma_wait3A_1059 = arith.constant 0 : i32
    %dma_wait3A_1060 = tpu.memref_slice %arg2[%dma_wait3A_1058, %dma_wait3A_1059] : memref<2600000x128xf32, #tpu.memory_space<hbm>> -> memref<128x128xf32, #tpu.memory_space<hbm>>
    %dma_wait3A_1061 = arith.constant 0 : i32
    %dma_wait3A_1062 = arith.constant 0 : i32
    %dma_wait3A_1063 = tpu.memref_slice %arg2[%dma_wait3A_1061, %dma_wait3A_1062] : memref<2600000x128xf32, #tpu.memory_space<hbm>> -> memref<128x128xf32, #tpu.memory_space<hbm>>
    tpu.wait_dma2 semaphore(%arg20 : memref<!tpu.dma_semaphore, #tpu.memory_space<semaphore_mem>>) src(%dma_wait3A_1063 : memref<128x128xf32, #tpu.memory_space<hbm>>) dst(%arg10 : memref<128x128xf32, #tpu.memory_space<vmem>>)
    %add3A_1064 = arith.constant 0 : i32
    %add3A_1065 = arith.addi %mul3A_2, %add3A_1064 : i32
    %dma_start3A_1066 = arith.constant 26 : i32
    %dma_start3A_1067 = arith.constant 0 : i32
    %dma_start3A_1068 = tpu.memref_slice %arg4[%dma_start3A_1066, %add3A_1065, %dma_start3A_1067] : memref<27x16384x128xf32, #tpu.memory_space<hbm>> -> memref<1x128x128xf32, #tpu.memory_space<hbm>>
    %dma_start3A_1069 = tpu.memref_squeeze %dma_start3A_1068 : memref<1x128x128xf32, #tpu.memory_space<hbm>> -> memref<128x128xf32, #tpu.memory_space<hbm>>
    %dma_start3A_1070 = arith.constant 0 : i32
    %dma_start3A_1071 = tpu.memref_slice %arg4[%dma_start3A_1066, %add3A_1065, %dma_start3A_1070] : memref<27x16384x128xf32, #tpu.memory_space<hbm>> -> memref<1x128x128xf32, #tpu.memory_space<hbm>>
    %dma_start3A_1072 = tpu.memref_squeeze %dma_start3A_1071 : memref<1x128x128xf32, #tpu.memory_space<hbm>> -> memref<128x128xf32, #tpu.memory_space<hbm>>
    tpu.enqueue_dma source(%arg10 : memref<128x128xf32, #tpu.memory_space<vmem>>) target(%dma_start3A_1072 : memref<128x128xf32, #tpu.memory_space<hbm>>) target_semaphore(%arg21 : memref<!tpu.dma_semaphore, #tpu.memory_space<semaphore_mem>>)
    %dma_wait3A_1073 = arith.constant 0 : i32
    %dma_wait3A_1074 = arith.constant 0 : i32
    %dma_wait3A_1075 = tpu.memref_slice %arg2[%dma_wait3A_1073, %dma_wait3A_1074] : memref<2600000x128xf32, #tpu.memory_space<hbm>> -> memref<128x128xf32, #tpu.memory_space<hbm>>
    %dma_wait3A_1076 = arith.constant 0 : i32
    %dma_wait3A_1077 = arith.constant 0 : i32
    %dma_wait3A_1078 = tpu.memref_slice %arg2[%dma_wait3A_1076, %dma_wait3A_1077] : memref<2600000x128xf32, #tpu.memory_space<hbm>> -> memref<128x128xf32, #tpu.memory_space<hbm>>
    tpu.wait_dma2 semaphore(%arg22 : memref<!tpu.dma_semaphore, #tpu.memory_space<semaphore_mem>>) src(%dma_wait3A_1078 : memref<128x128xf32, #tpu.memory_space<hbm>>) dst(%arg11 : memref<128x128xf32, #tpu.memory_space<vmem>>)
    %add3A_1079 = arith.constant 128 : i32
    %add3A_1080 = arith.addi %mul3A_2, %add3A_1079 : i32
    %dma_start3A_1081 = arith.constant 26 : i32
    %dma_start3A_1082 = arith.constant 0 : i32
    %dma_start3A_1083 = tpu.memref_slice %arg4[%dma_start3A_1081, %add3A_1080, %dma_start3A_1082] : memref<27x16384x128xf32, #tpu.memory_space<hbm>> -> memref<1x128x128xf32, #tpu.memory_space<hbm>>
    %dma_start3A_1084 = tpu.memref_squeeze %dma_start3A_1083 : memref<1x128x128xf32, #tpu.memory_space<hbm>> -> memref<128x128xf32, #tpu.memory_space<hbm>>
    %dma_start3A_1085 = arith.constant 0 : i32
    %dma_start3A_1086 = tpu.memref_slice %arg4[%dma_start3A_1081, %add3A_1080, %dma_start3A_1085] : memref<27x16384x128xf32, #tpu.memory_space<hbm>> -> memref<1x128x128xf32, #tpu.memory_space<hbm>>
    %dma_start3A_1087 = tpu.memref_squeeze %dma_start3A_1086 : memref<1x128x128xf32, #tpu.memory_space<hbm>> -> memref<128x128xf32, #tpu.memory_space<hbm>>
    tpu.enqueue_dma source(%arg11 : memref<128x128xf32, #tpu.memory_space<vmem>>) target(%dma_start3A_1087 : memref<128x128xf32, #tpu.memory_space<hbm>>) target_semaphore(%arg23 : memref<!tpu.dma_semaphore, #tpu.memory_space<semaphore_mem>>)
    %dma_wait3A_1088 = arith.constant 0 : i32
    %dma_wait3A_1089 = arith.constant 0 : i32
    %dma_wait3A_1090 = tpu.memref_slice %arg2[%dma_wait3A_1088, %dma_wait3A_1089] : memref<2600000x128xf32, #tpu.memory_space<hbm>> -> memref<128x128xf32, #tpu.memory_space<hbm>>
    %dma_wait3A_1091 = arith.constant 0 : i32
    %dma_wait3A_1092 = arith.constant 0 : i32
    %dma_wait3A_1093 = tpu.memref_slice %arg2[%dma_wait3A_1091, %dma_wait3A_1092] : memref<2600000x128xf32, #tpu.memory_space<hbm>> -> memref<128x128xf32, #tpu.memory_space<hbm>>
    tpu.wait_dma2 semaphore(%arg12 : memref<!tpu.dma_semaphore, #tpu.memory_space<semaphore_mem>>) src(%dma_wait3A_1093 : memref<128x128xf32, #tpu.memory_space<hbm>>) dst(%arg6 : memref<128x128xf32, #tpu.memory_space<vmem>>)
    %add3A_1094 = arith.constant 256 : i32
    %add3A_1095 = arith.addi %mul3A_2, %add3A_1094 : i32
    %dma_start3A_1096 = arith.constant 26 : i32
    %dma_start3A_1097 = arith.constant 0 : i32
    %dma_start3A_1098 = tpu.memref_slice %arg4[%dma_start3A_1096, %add3A_1095, %dma_start3A_1097] : memref<27x16384x128xf32, #tpu.memory_space<hbm>> -> memref<1x128x128xf32, #tpu.memory_space<hbm>>
    %dma_start3A_1099 = tpu.memref_squeeze %dma_start3A_1098 : memref<1x128x128xf32, #tpu.memory_space<hbm>> -> memref<128x128xf32, #tpu.memory_space<hbm>>
    %dma_start3A_1100 = arith.constant 0 : i32
    %dma_start3A_1101 = tpu.memref_slice %arg4[%dma_start3A_1096, %add3A_1095, %dma_start3A_1100] : memref<27x16384x128xf32, #tpu.memory_space<hbm>> -> memref<1x128x128xf32, #tpu.memory_space<hbm>>
    %dma_start3A_1102 = tpu.memref_squeeze %dma_start3A_1101 : memref<1x128x128xf32, #tpu.memory_space<hbm>> -> memref<128x128xf32, #tpu.memory_space<hbm>>
    tpu.enqueue_dma source(%arg6 : memref<128x128xf32, #tpu.memory_space<vmem>>) target(%dma_start3A_1102 : memref<128x128xf32, #tpu.memory_space<hbm>>) target_semaphore(%arg13 : memref<!tpu.dma_semaphore, #tpu.memory_space<semaphore_mem>>)
    %dma_wait3A_1103 = arith.constant 0 : i32
    %dma_wait3A_1104 = arith.constant 0 : i32
    %dma_wait3A_1105 = tpu.memref_slice %arg2[%dma_wait3A_1103, %dma_wait3A_1104] : memref<2600000x128xf32, #tpu.memory_space<hbm>> -> memref<128x128xf32, #tpu.memory_space<hbm>>
    %dma_wait3A_1106 = arith.constant 0 : i32
    %dma_wait3A_1107 = arith.constant 0 : i32
    %dma_wait3A_1108 = tpu.memref_slice %arg2[%dma_wait3A_1106, %dma_wait3A_1107] : memref<2600000x128xf32, #tpu.memory_space<hbm>> -> memref<128x128xf32, #tpu.memory_space<hbm>>
    tpu.wait_dma2 semaphore(%arg14 : memref<!tpu.dma_semaphore, #tpu.memory_space<semaphore_mem>>) src(%dma_wait3A_1108 : memref<128x128xf32, #tpu.memory_space<hbm>>) dst(%arg7 : memref<128x128xf32, #tpu.memory_space<vmem>>)
    %add3A_1109 = arith.constant 384 : i32
    %add3A_1110 = arith.addi %mul3A_2, %add3A_1109 : i32
    %dma_start3A_1111 = arith.constant 26 : i32
    %dma_start3A_1112 = arith.constant 0 : i32
    %dma_start3A_1113 = tpu.memref_slice %arg4[%dma_start3A_1111, %add3A_1110, %dma_start3A_1112] : memref<27x16384x128xf32, #tpu.memory_space<hbm>> -> memref<1x128x128xf32, #tpu.memory_space<hbm>>
    %dma_start3A_1114 = tpu.memref_squeeze %dma_start3A_1113 : memref<1x128x128xf32, #tpu.memory_space<hbm>> -> memref<128x128xf32, #tpu.memory_space<hbm>>
    %dma_start3A_1115 = arith.constant 0 : i32
    %dma_start3A_1116 = tpu.memref_slice %arg4[%dma_start3A_1111, %add3A_1110, %dma_start3A_1115] : memref<27x16384x128xf32, #tpu.memory_space<hbm>> -> memref<1x128x128xf32, #tpu.memory_space<hbm>>
    %dma_start3A_1117 = tpu.memref_squeeze %dma_start3A_1116 : memref<1x128x128xf32, #tpu.memory_space<hbm>> -> memref<128x128xf32, #tpu.memory_space<hbm>>
    tpu.enqueue_dma source(%arg7 : memref<128x128xf32, #tpu.memory_space<vmem>>) target(%dma_start3A_1117 : memref<128x128xf32, #tpu.memory_space<hbm>>) target_semaphore(%arg15 : memref<!tpu.dma_semaphore, #tpu.memory_space<semaphore_mem>>)
    %add3A_1118 = arith.constant 256 : i32
    %add3A_1119 = arith.addi %mul3A_2, %add3A_1118 : i32
    %dma_wait3A_1120 = arith.constant 25 : i32
    %dma_wait3A_1121 = arith.constant 0 : i32
    %dma_wait3A_1122 = tpu.memref_slice %arg4[%dma_wait3A_1120, %add3A_1119, %dma_wait3A_1121] : memref<27x16384x128xf32, #tpu.memory_space<hbm>> -> memref<1x128x128xf32, #tpu.memory_space<hbm>>
    %dma_wait3A_1123 = tpu.memref_squeeze %dma_wait3A_1122 : memref<1x128x128xf32, #tpu.memory_space<hbm>> -> memref<128x128xf32, #tpu.memory_space<hbm>>
    %dma_wait3A_1124 = arith.constant 0 : i32
    %dma_wait3A_1125 = tpu.memref_slice %arg4[%dma_wait3A_1120, %add3A_1119, %dma_wait3A_1124] : memref<27x16384x128xf32, #tpu.memory_space<hbm>> -> memref<1x128x128xf32, #tpu.memory_space<hbm>>
    %dma_wait3A_1126 = tpu.memref_squeeze %dma_wait3A_1125 : memref<1x128x128xf32, #tpu.memory_space<hbm>> -> memref<128x128xf32, #tpu.memory_space<hbm>>
    tpu.wait_dma2 semaphore(%arg17 : memref<!tpu.dma_semaphore, #tpu.memory_space<semaphore_mem>>) src(%arg8 : memref<128x128xf32, #tpu.memory_space<vmem>>) dst(%dma_wait3A_1126 : memref<128x128xf32, #tpu.memory_space<hbm>>)
    %add3A_1127 = arith.constant 384 : i32
    %add3A_1128 = arith.addi %mul3A_2, %add3A_1127 : i32
    %dma_wait3A_1129 = arith.constant 25 : i32
    %dma_wait3A_1130 = arith.constant 0 : i32
    %dma_wait3A_1131 = tpu.memref_slice %arg4[%dma_wait3A_1129, %add3A_1128, %dma_wait3A_1130] : memref<27x16384x128xf32, #tpu.memory_space<hbm>> -> memref<1x128x128xf32, #tpu.memory_space<hbm>>
    %dma_wait3A_1132 = tpu.memref_squeeze %dma_wait3A_1131 : memref<1x128x128xf32, #tpu.memory_space<hbm>> -> memref<128x128xf32, #tpu.memory_space<hbm>>
    %dma_wait3A_1133 = arith.constant 0 : i32
    %dma_wait3A_1134 = tpu.memref_slice %arg4[%dma_wait3A_1129, %add3A_1128, %dma_wait3A_1133] : memref<27x16384x128xf32, #tpu.memory_space<hbm>> -> memref<1x128x128xf32, #tpu.memory_space<hbm>>
    %dma_wait3A_1135 = tpu.memref_squeeze %dma_wait3A_1134 : memref<1x128x128xf32, #tpu.memory_space<hbm>> -> memref<128x128xf32, #tpu.memory_space<hbm>>
    tpu.wait_dma2 semaphore(%arg19 : memref<!tpu.dma_semaphore, #tpu.memory_space<semaphore_mem>>) src(%arg9 : memref<128x128xf32, #tpu.memory_space<vmem>>) dst(%dma_wait3A_1135 : memref<128x128xf32, #tpu.memory_space<hbm>>)
    %add3A_1136 = arith.constant 0 : i32
    %add3A_1137 = arith.addi %mul3A_2, %add3A_1136 : i32
    %dma_wait3A_1138 = arith.constant 26 : i32
    %dma_wait3A_1139 = arith.constant 0 : i32
    %dma_wait3A_1140 = tpu.memref_slice %arg4[%dma_wait3A_1138, %add3A_1137, %dma_wait3A_1139] : memref<27x16384x128xf32, #tpu.memory_space<hbm>> -> memref<1x128x128xf32, #tpu.memory_space<hbm>>
    %dma_wait3A_1141 = tpu.memref_squeeze %dma_wait3A_1140 : memref<1x128x128xf32, #tpu.memory_space<hbm>> -> memref<128x128xf32, #tpu.memory_space<hbm>>
    %dma_wait3A_1142 = arith.constant 0 : i32
    %dma_wait3A_1143 = tpu.memref_slice %arg4[%dma_wait3A_1138, %add3A_1137, %dma_wait3A_1142] : memref<27x16384x128xf32, #tpu.memory_space<hbm>> -> memref<1x128x128xf32, #tpu.memory_space<hbm>>
    %dma_wait3A_1144 = tpu.memref_squeeze %dma_wait3A_1143 : memref<1x128x128xf32, #tpu.memory_space<hbm>> -> memref<128x128xf32, #tpu.memory_space<hbm>>
    tpu.wait_dma2 semaphore(%arg21 : memref<!tpu.dma_semaphore, #tpu.memory_space<semaphore_mem>>) src(%arg10 : memref<128x128xf32, #tpu.memory_space<vmem>>) dst(%dma_wait3A_1144 : memref<128x128xf32, #tpu.memory_space<hbm>>)
    %add3A_1145 = arith.constant 128 : i32
    %add3A_1146 = arith.addi %mul3A_2, %add3A_1145 : i32
    %dma_wait3A_1147 = arith.constant 26 : i32
    %dma_wait3A_1148 = arith.constant 0 : i32
    %dma_wait3A_1149 = tpu.memref_slice %arg4[%dma_wait3A_1147, %add3A_1146, %dma_wait3A_1148] : memref<27x16384x128xf32, #tpu.memory_space<hbm>> -> memref<1x128x128xf32, #tpu.memory_space<hbm>>
    %dma_wait3A_1150 = tpu.memref_squeeze %dma_wait3A_1149 : memref<1x128x128xf32, #tpu.memory_space<hbm>> -> memref<128x128xf32, #tpu.memory_space<hbm>>
    %dma_wait3A_1151 = arith.constant 0 : i32
    %dma_wait3A_1152 = tpu.memref_slice %arg4[%dma_wait3A_1147, %add3A_1146, %dma_wait3A_1151] : memref<27x16384x128xf32, #tpu.memory_space<hbm>> -> memref<1x128x128xf32, #tpu.memory_space<hbm>>
    %dma_wait3A_1153 = tpu.memref_squeeze %dma_wait3A_1152 : memref<1x128x128xf32, #tpu.memory_space<hbm>> -> memref<128x128xf32, #tpu.memory_space<hbm>>
    tpu.wait_dma2 semaphore(%arg23 : memref<!tpu.dma_semaphore, #tpu.memory_space<semaphore_mem>>) src(%arg11 : memref<128x128xf32, #tpu.memory_space<vmem>>) dst(%dma_wait3A_1153 : memref<128x128xf32, #tpu.memory_space<hbm>>)
    %add3A_1154 = arith.constant 256 : i32
    %add3A_1155 = arith.addi %mul3A_2, %add3A_1154 : i32
    %dma_wait3A_1156 = arith.constant 26 : i32
    %dma_wait3A_1157 = arith.constant 0 : i32
    %dma_wait3A_1158 = tpu.memref_slice %arg4[%dma_wait3A_1156, %add3A_1155, %dma_wait3A_1157] : memref<27x16384x128xf32, #tpu.memory_space<hbm>> -> memref<1x128x128xf32, #tpu.memory_space<hbm>>
    %dma_wait3A_1159 = tpu.memref_squeeze %dma_wait3A_1158 : memref<1x128x128xf32, #tpu.memory_space<hbm>> -> memref<128x128xf32, #tpu.memory_space<hbm>>
    %dma_wait3A_1160 = arith.constant 0 : i32
    %dma_wait3A_1161 = tpu.memref_slice %arg4[%dma_wait3A_1156, %add3A_1155, %dma_wait3A_1160] : memref<27x16384x128xf32, #tpu.memory_space<hbm>> -> memref<1x128x128xf32, #tpu.memory_space<hbm>>
    %dma_wait3A_1162 = tpu.memref_squeeze %dma_wait3A_1161 : memref<1x128x128xf32, #tpu.memory_space<hbm>> -> memref<128x128xf32, #tpu.memory_space<hbm>>
    tpu.wait_dma2 semaphore(%arg13 : memref<!tpu.dma_semaphore, #tpu.memory_space<semaphore_mem>>) src(%arg6 : memref<128x128xf32, #tpu.memory_space<vmem>>) dst(%dma_wait3A_1162 : memref<128x128xf32, #tpu.memory_space<hbm>>)
    %add3A_1163 = arith.constant 384 : i32
    %add3A_1164 = arith.addi %mul3A_2, %add3A_1163 : i32
    %dma_wait3A_1165 = arith.constant 26 : i32
    %dma_wait3A_1166 = arith.constant 0 : i32
    %dma_wait3A_1167 = tpu.memref_slice %arg4[%dma_wait3A_1165, %add3A_1164, %dma_wait3A_1166] : memref<27x16384x128xf32, #tpu.memory_space<hbm>> -> memref<1x128x128xf32, #tpu.memory_space<hbm>>
    %dma_wait3A_1168 = tpu.memref_squeeze %dma_wait3A_1167 : memref<1x128x128xf32, #tpu.memory_space<hbm>> -> memref<128x128xf32, #tpu.memory_space<hbm>>
    %dma_wait3A_1169 = arith.constant 0 : i32
    %dma_wait3A_1170 = tpu.memref_slice %arg4[%dma_wait3A_1165, %add3A_1164, %dma_wait3A_1169] : memref<27x16384x128xf32, #tpu.memory_space<hbm>> -> memref<1x128x128xf32, #tpu.memory_space<hbm>>
    %dma_wait3A_1171 = tpu.memref_squeeze %dma_wait3A_1170 : memref<1x128x128xf32, #tpu.memory_space<hbm>> -> memref<128x128xf32, #tpu.memory_space<hbm>>
    tpu.wait_dma2 semaphore(%arg15 : memref<!tpu.dma_semaphore, #tpu.memory_space<semaphore_mem>>) src(%arg7 : memref<128x128xf32, #tpu.memory_space<vmem>>) dst(%dma_wait3A_1171 : memref<128x128xf32, #tpu.memory_space<hbm>>)
    return
  }
}

module attributes {stable_mosaic.version = 14 : i64} {
  func.func @_mlp_body(%arg0: i32, %arg1: memref<1024x13xf32, #tpu.memory_space<vmem>>, %arg2: memref<13x512xf32, #tpu.memory_space<vmem>>, %arg3: memref<1x512xf32, #tpu.memory_space<vmem>>, %arg4: memref<512x256xf32, #tpu.memory_space<vmem>>, %arg5: memref<1x256xf32, #tpu.memory_space<vmem>>, %arg6: memref<256x128xf32, #tpu.memory_space<vmem>>, %arg7: memref<1x128xf32, #tpu.memory_space<vmem>>, %arg8: memref<1024x128xf32, #tpu.memory_space<vmem>>) attributes {dimension_semantics = [#tpu.dimension_semantics<arbitrary>], iteration_bounds = array<i64: 16>, scalar_prefetch = 0 : i64, scratch_operands = 0 : i64, tpu.core_type = #tpu.core_type<tc>, window_params = [{transform_indices = @transform_0, window_bounds = array<i64: 1024, 13>}, {pipeline_mode = #tpu.pipeline_mode<synchronous>, transform_indices = @transform_1, window_bounds = array<i64: 13, 512>}, {pipeline_mode = #tpu.pipeline_mode<synchronous>, transform_indices = @transform_2, window_bounds = array<i64: 1, 512>}, {pipeline_mode = #tpu.pipeline_mode<synchronous>, transform_indices = @transform_3, window_bounds = array<i64: 512, 256>}, {pipeline_mode = #tpu.pipeline_mode<synchronous>, transform_indices = @transform_4, window_bounds = array<i64: 1, 256>}, {pipeline_mode = #tpu.pipeline_mode<synchronous>, transform_indices = @transform_5, window_bounds = array<i64: 256, 128>}, {pipeline_mode = #tpu.pipeline_mode<synchronous>, transform_indices = @transform_6, window_bounds = array<i64: 1, 128>}, {transform_indices = @transform_7, window_bounds = array<i64: 1024, 128>}]} {
    %get3A = arith.constant 0 : index
    %get3A_0 = arith.constant 0 : index
    %get3A_1 = vector.load %arg1[%get3A, %get3A_0] : memref<1024x13xf32, #tpu.memory_space<vmem>>, vector<1024x13xf32>
    %get3A_2 = arith.constant 0 : index
    %get3A_3 = arith.constant 0 : index
    %get3A_4 = vector.load %arg2[%get3A_2, %get3A_3] : memref<13x512xf32, #tpu.memory_space<vmem>>, vector<13x512xf32>
    %dot_general3A = arith.constant dense<0.000000e+00> : vector<1024x512xf32>
    %dot_general3A_5 = tpu.matmul %get3A_1, %get3A_4, %dot_general3A {dimension_numbers = #tpu.dot_dimension_numbers<[1], [0], [0], [1], [0, 0, 1, 1], [], []>, transpose_lhs_hint = false} : vector<1024x13xf32>, vector<13x512xf32>, vector<1024x512xf32> -> vector<1024x512xf32>
    %get3A_6 = arith.constant 0 : index
    %get3A_7 = arith.constant 0 : index
    %get3A_8 = vector.load %arg3[%get3A_6, %get3A_7] : memref<1x512xf32, #tpu.memory_space<vmem>>, vector<1x512xf32>
    %add3A = vector.broadcast %get3A_8 : vector<1x512xf32> to vector<1024x512xf32>
    %add3A_9 = arith.addf %dot_general3A_5, %add3A : vector<1024x512xf32>
    %max3A = arith.constant 0.000000e+00 : f32
    %max3A_10 = vector.broadcast %max3A : f32 to vector<1024x512xf32>
    %max3A_11 = arith.maximumf %add3A_9, %max3A_10 : vector<1024x512xf32>
    %get3A_12 = arith.constant 0 : index
    %get3A_13 = arith.constant 0 : index
    %get3A_14 = vector.load %arg4[%get3A_12, %get3A_13] : memref<512x256xf32, #tpu.memory_space<vmem>>, vector<512x256xf32>
    %dot_general3A_15 = arith.constant dense<0.000000e+00> : vector<1024x256xf32>
    %dot_general3A_16 = tpu.matmul %max3A_11, %get3A_14, %dot_general3A_15 {dimension_numbers = #tpu.dot_dimension_numbers<[1], [0], [0], [1], [0, 0, 1, 1], [], []>, transpose_lhs_hint = false} : vector<1024x512xf32>, vector<512x256xf32>, vector<1024x256xf32> -> vector<1024x256xf32>
    %get3A_17 = arith.constant 0 : index
    %get3A_18 = arith.constant 0 : index
    %get3A_19 = vector.load %arg5[%get3A_17, %get3A_18] : memref<1x256xf32, #tpu.memory_space<vmem>>, vector<1x256xf32>
    %add3A_20 = vector.broadcast %get3A_19 : vector<1x256xf32> to vector<1024x256xf32>
    %add3A_21 = arith.addf %dot_general3A_16, %add3A_20 : vector<1024x256xf32>
    %max3A_22 = arith.constant 0.000000e+00 : f32
    %max3A_23 = vector.broadcast %max3A_22 : f32 to vector<1024x256xf32>
    %max3A_24 = arith.maximumf %add3A_21, %max3A_23 : vector<1024x256xf32>
    %get3A_25 = arith.constant 0 : index
    %get3A_26 = arith.constant 0 : index
    %get3A_27 = vector.load %arg6[%get3A_25, %get3A_26] : memref<256x128xf32, #tpu.memory_space<vmem>>, vector<256x128xf32>
    %dot_general3A_28 = arith.constant dense<0.000000e+00> : vector<1024x128xf32>
    %dot_general3A_29 = tpu.matmul %max3A_24, %get3A_27, %dot_general3A_28 {dimension_numbers = #tpu.dot_dimension_numbers<[1], [0], [0], [1], [0, 0, 1, 1], [], []>, transpose_lhs_hint = false} : vector<1024x256xf32>, vector<256x128xf32>, vector<1024x128xf32> -> vector<1024x128xf32>
    %get3A_30 = arith.constant 0 : index
    %get3A_31 = arith.constant 0 : index
    %get3A_32 = vector.load %arg7[%get3A_30, %get3A_31] : memref<1x128xf32, #tpu.memory_space<vmem>>, vector<1x128xf32>
    %add3A_33 = vector.broadcast %get3A_32 : vector<1x128xf32> to vector<1024x128xf32>
    %add3A_34 = arith.addf %dot_general3A_29, %add3A_33 : vector<1024x128xf32>
    %max3A_35 = arith.constant 0.000000e+00 : f32
    %max3A_36 = vector.broadcast %max3A_35 : f32 to vector<1024x128xf32>
    %max3A_37 = arith.maximumf %add3A_34, %max3A_36 : vector<1024x128xf32>
    %swap3A = arith.constant 0 : index
    %swap3A_38 = arith.constant 0 : index
    %swap3A_39 = vector.load %arg8[%swap3A, %swap3A_38] : memref<1024x128xf32, #tpu.memory_space<vmem>>, vector<1024x128xf32>
    tpu.vector_store %arg8[%swap3A, %swap3A_38], %max3A_37 {strides = array<i32>} : memref<1024x128xf32, #tpu.memory_space<vmem>>, vector<1024x128xf32>,
    return
  }
  func.func @transform_0(%arg0: i32) -> (i32, i32) {
    %c0_i32 = arith.constant 0 : i32
    %c0_i32_0 = arith.constant 0 : i32
    return %arg0, %c0_i32 : i32, i32
  }
  func.func @transform_1(%arg0: i32) -> (i32, i32) {
    %c0_i32 = arith.constant 0 : i32
    %c0_i32_0 = arith.constant 0 : i32
    %c0_i32_1 = arith.constant 0 : i32
    return %c0_i32, %c0_i32_0 : i32, i32
  }
  func.func @transform_2(%arg0: i32) -> (i32, i32) {
    %c0_i32 = arith.constant 0 : i32
    %c0_i32_0 = arith.constant 0 : i32
    %c0_i32_1 = arith.constant 0 : i32
    return %c0_i32, %c0_i32_0 : i32, i32
  }
  func.func @transform_3(%arg0: i32) -> (i32, i32) {
    %c0_i32 = arith.constant 0 : i32
    %c0_i32_0 = arith.constant 0 : i32
    %c0_i32_1 = arith.constant 0 : i32
    return %c0_i32, %c0_i32_0 : i32, i32
  }
  func.func @transform_4(%arg0: i32) -> (i32, i32) {
    %c0_i32 = arith.constant 0 : i32
    %c0_i32_0 = arith.constant 0 : i32
    %c0_i32_1 = arith.constant 0 : i32
    return %c0_i32, %c0_i32_0 : i32, i32
  }
  func.func @transform_5(%arg0: i32) -> (i32, i32) {
    %c0_i32 = arith.constant 0 : i32
    %c0_i32_0 = arith.constant 0 : i32
    %c0_i32_1 = arith.constant 0 : i32
    return %c0_i32, %c0_i32_0 : i32, i32
  }
  func.func @transform_6(%arg0: i32) -> (i32, i32) {
    %c0_i32 = arith.constant 0 : i32
    %c0_i32_0 = arith.constant 0 : i32
    %c0_i32_1 = arith.constant 0 : i32
    return %c0_i32, %c0_i32_0 : i32, i32
  }
  func.func @transform_7(%arg0: i32) -> (i32, i32) {
    %c0_i32 = arith.constant 0 : i32
    %c0_i32_0 = arith.constant 0 : i32
    return %arg0, %c0_i32 : i32, i32
  }
}

module attributes {stable_mosaic.version = 14 : i64} {
  func.func @_plane0_body(%arg0: i32, %arg1: memref<2048x128xf32, #tpu.memory_space<vmem>>, %arg2: memref<1x8x128xf32, #tpu.memory_space<vmem>>, %arg3: memref<1x2048x128xf32, #tpu.memory_space<vmem>>) attributes {dimension_semantics = [#tpu.dimension_semantics<arbitrary>], iteration_bounds = array<i64: 8>, scalar_prefetch = 0 : i64, scratch_operands = 0 : i64, tpu.core_type = #tpu.core_type<tc>, window_params = [{transform_indices = @transform_0, window_bounds = array<i64: 2048, 128>}, {transform_indices = @transform_1, window_bounds = array<i64: 1, 8, 128>}, {transform_indices = @transform_2, window_bounds = array<i64: 1, 2048, 128>}]} {
    %get3A = arith.constant 0 : index
    %get3A_0 = arith.constant 0 : index
    %get3A_1 = vector.load %arg1[%get3A, %get3A_0] : memref<2048x128xf32, #tpu.memory_space<vmem>>, vector<2048x128xf32>
    %broadcast_in_dim3A = vector.shape_cast %get3A_1 : vector<2048x128xf32> to vector<1x2048x128xf32>
    %swap3A = arith.constant 0 : index
    %swap3A_2 = arith.constant 0 : index
    %swap3A_3 = arith.constant 0 : index
    %swap3A_4 = vector.load %arg3[%swap3A, %swap3A_2, %swap3A_3] : memref<1x2048x128xf32, #tpu.memory_space<vmem>>, vector<1x2048x128xf32>
    tpu.vector_store %arg3[%swap3A, %swap3A_2, %swap3A_3], %broadcast_in_dim3A {strides = array<i32>} : memref<1x2048x128xf32, #tpu.memory_space<vmem>>, vector<1x2048x128xf32>,
    return
  }
  func.func @transform_0(%arg0: i32) -> (i32, i32) {
    %c0_i32 = arith.constant 0 : i32
    %c0_i32_0 = arith.constant 0 : i32
    return %arg0, %c0_i32 : i32, i32
  }
  func.func @transform_1(%arg0: i32) -> (i32, i32, i32) {
    %c0_i32 = arith.constant 0 : i32
    %c0_i32_0 = arith.constant 0 : i32
    %c0_i32_1 = arith.constant 0 : i32
    %c0_i32_2 = arith.constant 0 : i32
    return %c0_i32, %c0_i32_0, %c0_i32_1 : i32, i32, i32
  }
  func.func @transform_2(%arg0: i32) -> (i32, i32, i32) {
    %c0_i32 = arith.constant 0 : i32
    %c0_i32_0 = arith.constant 0 : i32
    %c0_i32_1 = arith.constant 0 : i32
    return %c0_i32, %arg0, %c0_i32_0 : i32, i32, i32
  }
}

</mosaic_0001>

<sc_bundles>
// kernel: kernel.5.cloned.1.call-start
scs
__scs_entry_jumppad:
0x0: {  	(pc) =	sbr.rel $0x88, $3  }
0x1: {  	(tag) =	ssettag $0x0;
	lr =	simm.s32 $0x1  }
0x2: {  	[smem:$0x3F98] =	sst lr;
	_ =	strace $0xD0000000  }
0x3: {  	_ = 	snop  }
0x4: {  	_ = 	snop  }
0x5: {  	_ = 	snop  }
0x6: {  	_ = 	snop  }
0x7: {  	_ = 	snop  }
__scs_overlays_trampoline_lowered:
0x8: {  	[smem:$0x3FA7] =	sst s0  }
0x9: {  	[smem:$0x3FA8] =	sst s1  }
0xa: {  	[smem:$0x3FA9] =	sst s2  }
0xb: {  	[smem:$0x3FAA] =	sst s3  }
0xc: {  	[smem:$0x3FAB] =	sst s4  }
0xd: {  	[smem:$0x3FAC] =	sst s5  }
0xe: {  	[smem:$0x3FAD] =	sst s6  }
0xf: {  	[smem:$0x3FAE] =	sst s7  }
0x10: {  	[smem:$0x3FAF] =	sst s8  }
0x11: {  	[smem:$0x3FB0] =	sst s9;
	s0 =	simm.s32 @!p0 $0x0  }
0x12: {  	s1 =	sld [smem:$0x3F96];
	s0 =	simm.s32 @p0 $0x1  }
0x13: {  	[smem:$0x3FB1] =	sst s0;
	s0 =	simm.s32 @!p1 $0x0  }
0x14: {  	s2 =	sld [smem:$0x3F95];
	s0 =	simm.s32 @p1 $0x1  }
0x15: {  	[smem:$0x3FB2] =	sst s0;
	s0 =	simm.s32 @!p2 $0x0  }
0x16: {  	s3 =	sld [smem:$0x3FDB];
	s0 =	simm.s32 @p2 $0x1  }
0x17: {  	s4 =	simm.s32 $0x1BF5;
	[smem:$0x3FB4] =	sst s0  }
0x18: {  	s0 =	sld [smem:$0x3F97];
	_ =	swait.ge [sflag:s4], $0x0  }
0x19: {  	s7 =	sld [smem:$0x3F98]  }
0x1a: {  	s8 =	sadd.s32 $0xFFFFE003, lr  }
0x1b: {  	s9 =	sadd.s32 $0xFFFFFEF7, lr;
	s5 =	simm.s32 $0xFFFFFFFF;
	p2 =	slt.u32 s8, $0xFFFFF086  }
0x1c: {  	p1 =	slt.u32 s9, $0xF7A;
	s5 =	simm.s32 @!p2 $0x0  }
0x1d: {  	s5 =	simm.s32 @p1 $0x1;
	p0 =	seq.s32 s7, s2  }
0x1e: {  	s7 =	smul.u32 @!p0 $0xF7A, s2;
	p2 =	seq.s32 @!p0 s5, $0x0  }
0x1f: {  	s9 =	smul.u32 $0xF7A, s1;
	s8 =	simm.s32 @!p0 $0x1BF5;
	p2 =	por !p2, p0  }
0x20: {  	[sflag:s8] =	ssyncset.s32 @!p0 $0xFFFFF086;
	s6 =	sadd.s32 @!p0 s3, s7;
	s7 =	simm.s32 @!p0 $0x108  }
0x21: {  	s3 =	sadd.s32 s3, s9;
	s6 =	sadd.s32 @!p0 $0x88, s6;
	s7 =	simm.s32 @p2 $0x1082  }
0x22: {  	[simem:s7], [sflag:s8] =	dma.local @!p0 [hbm:s6], $0xF7A  }
0x23: {  	s9 =	sor.u32 $0xD0000000, s2;
	s6 =	simm.s32 $0x108;
	_ =	swait.ge @!p0 [sflag:s8], $0x0  }
0x24: {  	s3 =	sadd.s32 $0x88, s3;
	s6 =	simm.s32 @!p1 $0x1082;
	[sflag:s4] =	ssyncset.s32 $0xFFFFF086  }
0x25: {  	[simem:s6], [sflag:s4] =	dma.local [hbm:s3], $0xF7A  }
0x26: {  	[smem:$0x3F98] =	sst s1;
	(tag) =	ssettag s2;
	_ =	strace s9  }
0x27: {  	s1 =	sld [smem:$0x3FA8]  }
0x28: {  	s2 =	sld [smem:$0x3FA9]  }
0x29: {  	s4 =	sld [smem:$0x3FAB]  }
0x2a: {  	p0 =	seq.s32 s5, $0x0;
	s5 =	sld [smem:$0x3FAC]  }
0x2b: {  	s6 =	sld [smem:$0x3FAD]  }
0x2c: {  	s7 =	sld [smem:$0x3FAE]  }
0x2d: {  	s3 =	simm.s32 $0x108;
	s8 =	sld [smem:$0x3FAF]  }
0x2e: {  	s3 =	simm.s32 @!p0 $0x1082;
	s9 =	sld [smem:$0x3FB0]  }
0x2f: {  	lr =	sadd.s32 s0, s3;
	s0 =	sld [smem:$0x3FA7]  }
0x30: {  	s3 =	sld [smem:$0x3FAA]  }
0x31: {  	[smem:$0x3FB3] =	sst s10  }
0x32: {  	s10 =	sld [smem:$0x3FB1];
	_ =	sdelay $0x3  }
0x33: {  	p0 =	seq.s32 s10, $0x1;
	s10 =	sld [smem:$0x3FB3];
	_ =	sdelay $0x3  }
0x34: {  	[smem:$0x3FB3] =	sst s10  }
0x35: {  	s10 =	sld [smem:$0x3FB2];
	_ =	sdelay $0x3  }
0x36: {  	p1 =	seq.s32 s10, $0x1;
	s10 =	sld [smem:$0x3FB3];
	_ =	sdelay $0x3  }
0x37: {  	[smem:$0x3FB3] =	sst s10  }
0x38: {  	s10 =	sld [smem:$0x3FB4]  }
0x39: {  	_ = 	snop;
	(pc) =	sbr.ind lr, $3  }
0x3a: {  	_ = 	snop  }
0x3b: {  	_ = 	snop  }
0x3c: {  	p2 =	seq.s32 s10, $0x1;
	s10 =	sld [smem:$0x3FB3]  }
0x3d: {  	_ =	shalt  }
0x3e: {  	_ =	shalt  }
0x3f: {  	_ =	shalt  }
0x40: {  	_ =	shalt  }
0x41: {  	_ =	shalt  }
0x42: {  	_ =	shalt  }
0x43: {  	_ =	shalt  }
0x44: {  	_ =	shalt  }
0x45: {  	_ =	shalt  }
0x46: {  	_ =	shalt  }
0x47: {  	_ =	shalt  }
0x48: {  	_ =	shalt  }
0x49: {  	_ =	shalt  }
0x4a: {  	_ =	shalt  }
0x4b: {  	_ =	shalt  }
0x4c: {  	_ =	shalt  }
0x4d: {  	_ =	shalt  }
0x4e: {  	_ =	shalt  }
0x4f: {  	_ =	shalt  }
0x50: {  	_ =	shalt  }
0x51: {  	_ =	shalt  }
0x52: {  	_ =	shalt  }
0x53: {  	_ =	shalt  }
0x54: {  	_ =	shalt  }
0x55: {  	_ =	shalt  }
0x56: {  	_ =	shalt  }
0x57: {  	_ =	shalt  }
0x58: {  	_ =	shalt  }
0x59: {  	_ =	shalt  }
0x5a: {  	_ =	shalt  }
0x5b: {  	_ =	shalt  }
0x5c: {  	_ =	shalt  }
0x5d: {  	_ =	shalt  }
0x5e: {  	_ =	shalt  }
0x5f: {  	_ =	shalt  }
0x60: {  	_ =	shalt  }
0x61: {  	_ =	shalt  }
0x62: {  	_ =	shalt  }
0x63: {  	_ =	shalt  }
0x64: {  	_ =	shalt  }
0x65: {  	_ =	shalt  }
0x66: {  	_ =	shalt  }
0x67: {  	_ =	shalt  }
0x68: {  	_ =	shalt  }
0x69: {  	_ =	shalt  }
0x6a: {  	_ =	shalt  }
0x6b: {  	_ =	shalt  }
0x6c: {  	_ =	shalt  }
0x6d: {  	_ =	shalt  }
0x6e: {  	_ =	shalt  }
0x6f: {  	_ =	shalt  }
0x70: {  	_ =	shalt  }
0x71: {  	_ =	shalt  }
0x72: {  	_ =	shalt  }
0x73: {  	_ =	shalt  }
0x74: {  	_ =	shalt  }
0x75: {  	_ =	shalt  }
0x76: {  	_ =	shalt  }
0x77: {  	_ =	shalt  }
0x78: {  	_ =	shalt  }
0x79: {  	_ =	shalt  }
0x7a: {  	_ =	shalt  }
0x7b: {  	_ =	shalt  }
0x7c: {  	_ =	shalt  }
0x7d: {  	_ =	shalt  }
0x7e: {  	_ =	shalt  }
0x7f: {  	_ =	shalt  }
0x80: {  	_ =	shalt  }
0x81: {  	_ =	shalt  }
0x82: {  	_ =	shalt  }
0x83: {  	_ =	shalt  }
0x84: {  	_ =	shalt  }
0x85: {  	_ =	shalt  }
0x86: {  	_ =	shalt  }
0x87: {  	_ =	shalt  }
.Lfunc_end0:
.L_simem_size_0:
called_computation_lowered:
.L_overlay_start_0:
0x88: {  	s2 =	sld [smem:$0x3FD9]  }
0x89: {  	s3 =	sld [smem:$0x3FFE];
	_ =	sdelay $0x1  }
0x8a: {  	s1 =	srdreg.scid  }
0x8b: {  	s0 =	sand.u32 $0x1, s1  }
0x8c: {  	s18 =	sshll.u32 s0, $0xA;
	s2 =	sadd.s32 s3, s2  }
0x8d: {  	s2 =	sadd.s32 s2, s18  }
0x8e: {  	[smem:$0x3FBF] =	sst s2  }
0x8f: {  	_ = 	snop  }
0x90: {  	s2 =	sld [smem:$0x3FC8]  }
0x91: {  	s19 =	sld [smem:$0x3FC7]  }
0x92: {  	s4 =	sld [smem:$0x3FD0];
	(tm) =	ssettm $0x1  }
0x93: {  	s5 =	sld [smem:$0x3FFB];
	_ =	sdelay $0x3  }
0x94: {  	_ =	strace s5  }
0x95: {  	s5 =	sld [smem:$0x3FFC];
	_ =	sdelay $0x3  }
0x96: {  	_ =	strace s5  }
0x97: {  	s5 =	sld [smem:$0x3FFD];
	_ =	sdelay $0x3  }
0x98: {  	_ =	strace s5  }
0x99: {  	_ =	strace $0x8FFFFFFF  }
0x9a: {  	s20 =	sld [smem:$0x3FDB];
	_ =	sdelay $0x1  }
0x9b: {  	s6 =	simm.s32 $_scs_section_size  }
0x9c: {  	s7 =	simm.s32 $_size__tile_overlayer_lowered;
	s8 =	simm.s32 $_tile_overlayer_lowered  }
0x9d: {  	s23 =	simm.s32 $0x1BFF;
	s22 =	sshll.u32 s8, $0x1;
	s5 =	sadd.s32 s6, s20  }
0x9e: {  	s9 =	simm.s32 $0x0;
	s21 =	sshll.u32 s7, $0x1;
	s7 =	sadd.s32 s22, s5  }
0x9f: {  	[timem:s9], [sflag:s23] =	dma.local [hbm:s7], s21  }
0xa0: {  	_ =	swait.ge [sflag:s23], s21  }
0xa1: {  	s6 =	ssub.s32 $0x0, s21;
	[sflag:s23] =	ssyncset.done $0x0  }
0xa2: {  	[sflag:s23] =	ssyncadd.s32 s6;
	_ =	sdelay $0x1  }
0xa3: {  	s24 =	simm.s32 $0x1B8B  }
0xa4: {  	_ =	swait.ge [sflag:s24], $0x1  }
0xa5: {  	[sflag:s24] =	ssyncset.done $0x0  }
0xa6: {  	s25 =	simm.s32 $0x1B8E;
	[sflag:s24] =	ssyncadd.s32 $0xFFFFFFFF  }
0xa7: {  	s26 =	simm.s32 $execute0_lowered;
	[smem:$0x3FD2] =	sst s25  }
0xa8: {  	s6 =	sshll.u32 s26, $0x1;
	_ =	strace $0x80000046;
	[dreg:$0x1] =	wrdreg $0xFFFFFFFF  }
0xa9: {  	s28 =	simm.s32 $_size_execute0_lowered;
	s5 =	sadd.s32 s5, s6;
	[dreg:$0x0] =	wrdreg $0x0  }
0xaa: {  	s6 =	sshll.u32 s28, $0x1;
	[dreg:$0x2] =	wrdreg s5  }
0xab: {  	[dreg:$0x3] =	wrdreg s6  }
0xac: {  	[dreg:$0x4] =	wrdreg $0xC0  }
0xad: {  	_ =	task [dreg:s9], $0x5FFFF  }
0xae: {  	[dreg:$0x1] =	wrdreg $0xFFFFFFFF  }
0xaf: {  	[dreg:$0x0] =	wrdreg $0x60  }
0xb0: {  	[dreg:$0x2] =	wrdreg s19  }
0xb1: {  	[dreg:$0x3] =	wrdreg s2  }
0xb2: {  	[dreg:$0x4] =	wrdreg s4  }
0xb3: {  	[dreg:$0x5] =	wrdreg $0x9  }
0xb4: {  	_ =	task.clear_ibuf [dreg:s9], $0x6FFFF;
	_ =	strace $0x90000046  }
0xb5: {  	s29 =	simm.s32 $0x9;
	_ =	strace $0x80000048  }
0xb6: {  	_ =	swait.ge [sflag:s29], $0x1  }
0xb7: {  	[sflag:s29] =	ssyncadd.s32 $0xFFFFFFFF  }
0xb8: {  	_ =	strace $0x90000048  }
0xb9: {  	_ =	sfence  }
0xba: {  	s30 =	sld [smem:$0x0];
	_ =	sdelay $0x2  }
0xbb: {  	s31 =	sshll.u32 s1, $0xD;
	s1 =	sshrl.u32 s1, $0x2  }
0xbc: {  	s3 =	sand.u32 $0x4000, s31;
	s1 =	sadd.s32 s1, s30  }
0xbd: {  	s0 =	sor.u32 s3, s0;
	s1 =	sshll.u32 s1, $0x11  }
0xbe: {  	s0 =	sor.u32 s1, s0  }
0xbf: {  	s0 =	sadd.s32 $0x8F2B, s0  }
0xc0: {  	[sflag:s0] =	ssyncadd.remote.s32 $0x1  }
0xc1: {  	_ =	sfence.sel $0xFFFF  }
0xc2: {  	[dreg:$0x0] =	wrdreg $0xFFFFFFFF;
	(pc) =	sbr.abs _section_cstart, $3  }
0xc3: {  	[dreg:$0x1] =	wrdreg $0xFFFFFFFF  }
0xc4: {  	_ =	task.clear_ibuf [dreg:s9], $0x2FFFF;
	_ =	strace $0x9FFFFFFF  }
0xc5: {  	(tm) =	ssettm $0x7FFFFFFF  }
tec
execute0_lowered:
.L_overlay_start_1:
0x0: {  	(tag) =	ssettag $0x1  }
0x1: {  	s1 =	rddreg [dreg:$0x0]  }
0x2: {  	s0 =	rddreg [dreg:$0x1]  }
0x3: {  	s3 =	rddreg [dreg:$0x2]  }
0x4: {  	s2 =	srdreg.scid;
	s5 =	stileid.u32;
	s4 =	simm.s32 $0x0  }
0x5: {  	s14 =	simm.s32 $0x4000;
	s15 =	simm.s32 $0x8000;
	s28 =	simm.s32 $0x10000  }
0x6: {  	s17 =	simm.s32 $0x3;
	s2 =	sand.u32 $0x1, s2;
	s5 =	sshll.u32 s5, $0xA  }
0x7: {  	[smem:$0x7FF] =	sst s4;
	s6 =	sshll.u32 s2, $0x9;
	s2 =	ssub.s32 $0x2, s2  }
0x8: {  	_ =	strace $0x80000047;
	s5 =	sor.u32 s6, s5;
	s20 =	sshrl.u32 s2, $0x1  }
0x9: {  	s7 =	sshll.u32 s5, $0x4;
	s2 =	ssub.s32 s2, s20;
	s0 =	sadd.s32 s0, s5  }
0xa: {  	s7 =	sadd.s32 s7, s3;
	[dreg:$0x7] =	wrdreg s0;
	s31 =	smax.u32 s2, $0x1  }
0xb: {  	s18 =	simm.s32 $0x4;
	s8 =	sadd.s32 $0x640000, s7;
	[dreg:$0xd] =	wrdreg s31  }
0xc: {  	s30 =	simm.s32 $0x8;
	s21 =	sadd.s32 $0x640800, s7;
	[dreg:$0x4] =	wrdreg s8  }
0xd: {  	s9 =	simm.s32 $0xB;
	s22 =	sadd.s32 $0x641000, s7;
	[dreg:$0x5] =	wrdreg s21  }
0xe: {  	s10 =	simm.s32 $0xC;
	s23 =	sadd.s32 $0x641800, s7;
	[dreg:$0x6] =	wrdreg s22  }
0xf: {  	s12 =	simm.s32 $0x0;
	s24 =	sadd.s32 $0x680800, s7;
	[dreg:$0x8] =	wrdreg s23  }
0x10: {  	s6 =	sadd.s32 $0x40000, s3;
	s25 =	sadd.s32 $0x680000, s7;
	[dreg:$0x9] =	wrdreg s24  }
0x11: {  	s20 =	simm.s32 $0x80;
	s26 =	sadd.s32 $0x681000, s7;
	[dreg:$0xa] =	wrdreg s25  }
0x12: {  	s0 =	simm.s32 $0x1;
	s29 =	sadd.s32 $0x681800, s7;
	[dreg:$0xb] =	wrdreg s26  }
0x13: {  	s2 =	simm.s32 $0x2;
	s7 =	simm.s32 $0x9;
	[dreg:$0xc] =	wrdreg s29  }
0x14: {  	s22 =	simm.s32 $0xC000;
	s25 =	simm.s32 $0x14000;
	s21 =	simm.s32 $0x18000  }
0x15: {  	s24 =	simm.s32 $0x6;
	s26 =	simm.s32 $0x7;
	s8 =	simm.s32 $0xA  }
.LBB2_1:
0x16: {  	[dreg:$0xe] =	wrdreg s12  }
0x17: {  	s11 =	rddreg [dreg:$0x7]  }
0x18: {  	s31 =	simm.s32 $0x1000;
	s13 =	simm.s32 $0x20000;
	s16 =	simm.s32 $0xD  }
0x19: {  	[tilespmem:s4], [sflag:$0xD] =	stream.strided.gather [hbm4b:s11+s31], $0x4000, s13, s31, $0x38;
	[tilespmem:$0x1C000] =	vst v63  }
0x1a: {  	_ =	swait.ge [sflag:s16], $0x4000  }
0x1b: {  	[sflag:s16] =	ssyncset.done $0x0  }
0x1c: {  	[sflag:s16] =	ssyncadd.s32 $0xFFFFC000  }
0x1d: {  	[tilespmem:s14], [sflag:$0x1] =	stream.indirect.gather [hbm4b:s1+s20], $0x80, s4, s20, $0xb8;
	[tilespmem:$0x1C000] =	vst v63  }
0x1e: {  	s19 =	simm.s32 $0x400  }
0x1f: {  	[tilespmem:s15], [sflag:$0x3] =	stream.indirect.gather [hbm4b:s1+s20], $0x80, s19, s20, $0xb8;
	[tilespmem:$0x1C000] =	vst v63  }
0x20: {  	s23 =	simm.s32 $0x800  }
0x21: {  	[tilespmem:s22], [sflag:$0x5] =	stream.indirect.gather [hbm4b:s1+s20], $0x80, s23, s20, $0xb8;
	[tilespmem:$0x1C000] =	vst v63  }
0x22: {  	s29 =	simm.s32 $0xC00  }
0x23: {  	[tilespmem:s28], [sflag:$0x7] =	stream.indirect.gather [hbm4b:s1+s20], $0x80, s29, s20, $0xb8;
	[tilespmem:$0x1C000] =	vst v63  }
0x24: {  	v0 =	vld [tilespmem:$0x80]  }
0x25: {  	v1 =	vld [tilespmem:$0x90]  }
0x26: {  	v2 =	vld [tilespmem:$0xA0]  }
0x27: {  	v3 =	vld [tilespmem:$0xB0]  }
0x28: {  	v4 =	vld [tilespmem:$0xC0]  }
0x29: {  	v5 =	vld [tilespmem:$0xD0];
	v0 =	vadd.s32 $0x186A0, v0  }
0x2a: {  	v41 =	vld [tilespmem:$0xE0];
	v40 =	vadd.s32 $0x186A0, v1;
	[tilespmem:$0x80] =	vst v0  }
0x2b: {  	v43 =	vld [tilespmem:$0xF0];
	v42 =	vadd.s32 $0x186A0, v2;
	[tilespmem:$0x90] =	vst v40  }
0x2c: {  	v44 =	vadd.s32 $0x186A0, v3;
	[tilespmem:$0xA0] =	vst v42  }
0x2d: {  	v45 =	vadd.s32 $0x186A0, v4;
	[tilespmem:$0xB0] =	vst v44  }
0x2e: {  	v46 =	vadd.s32 $0x186A0, v5;
	[tilespmem:$0xC0] =	vst v45  }
0x2f: {  	v47 =	vadd.s32 $0x186A0, v41;
	[tilespmem:$0xD0] =	vst v46  }
0x30: {  	v48 =	vadd.s32 $0x186A0, v43;
	[tilespmem:$0xE0] =	vst v47  }
0x31: {  	[tilespmem:$0xF0] =	vst v48  }
0x32: {  	[tilespmem:s25], [sflag:$0x9] =	stream.indirect.gather [hbm4b:s1+s20], $0x80, s20, s20, $0xb8;
	[tilespmem:$0x1C000] =	vst v63  }
0x33: {  	v49 =	vld [tilespmem:$0x480]  }
0x34: {  	v50 =	vld [tilespmem:$0x490]  }
0x35: {  	v51 =	vld [tilespmem:$0x4A0]  }
0x36: {  	v52 =	vld [tilespmem:$0x4B0]  }
0x37: {  	v53 =	vld [tilespmem:$0x4C0]  }
0x38: {  	v54 =	vld [tilespmem:$0x4D0];
	v0 =	vadd.s32 $0x186A0, v49  }
0x39: {  	v56 =	vld [tilespmem:$0x4E0];
	v55 =	vadd.s32 $0x186A0, v50;
	[tilespmem:$0x480] =	vst v0  }
0x3a: {  	v58 =	vld [tilespmem:$0x4F0];
	v57 =	vadd.s32 $0x186A0, v51;
	[tilespmem:$0x490] =	vst v55  }
0x3b: {  	v59 =	vadd.s32 $0x186A0, v52;
	[tilespmem:$0x4A0] =	vst v57  }
0x3c: {  	v60 =	vadd.s32 $0x186A0, v53;
	[tilespmem:$0x4B0] =	vst v59  }
0x3d: {  	v61 =	vadd.s32 $0x186A0, v54;
	[tilespmem:$0x4C0] =	vst v60  }
0x3e: {  	s12 =	simm.s32 $0xB000;
	v62 =	vadd.s32 $0x186A0, v56;
	[tilespmem:$0x4D0] =	vst v61  }
0x3f: {  	s31 =	simm.s32 $0x480;
	s13 =	simm.s32 $0x50000;
	s16 =	simm.s32 $0x0;
	v63 =	vadd.s32 $0x186A0, v58;
	[tilespmem:$0x4E0] =	vst v62  }
0x40: {  	s14 =	simm.s32 $0x280;
	s15 =	simm.s32 $0x200000;
	s19 =	simm.s32 $0xB;
	[tilespmem:$0x4F0] =	vst v63  }
0x41: {  	[tilespmem:s21], [sflag:$0xB] =	stream.indirect.gather [hbm4b:s1+s20], $0x80, s31, s20, $0xb8;
	[tilespmem:$0x1C000] =	vst v63  }
.LBB2_2:
0x42: {  	s25 =	sand.u32 $0x100, s16  }
0x43: {  	s11 =	sadd.s32 $0xFFE00000, s15;
	s28 =	sor.u32 s5, s25  }
0x44: {  	_ =	swait.ge [sflag:s0], $0x4000;
	s29 =	sand.u32 $0x3E00000, s11;
	s11 =	sshll.u32 s28, $0x7  }
0x45: {  	s22 =	simm.s32 $0x4000;
	s31 =	sadd.s32 $0xFFFFB000, s12;
	s28 =	sor.u32 s11, s29  }
0x46: {  	[sflag:s0] =	ssyncset.done $0x0;
	s31 =	sand.u32 $0x2000, s31;
	s28 =	sadd.s32 $0x200000, s28  }
0x47: {  	[sflag:s0] =	ssyncadd.s32 $0xFFFFC000;
	s29 =	sadd.s32 $0xFFFFFFFB, s19;
	s28 =	sshrl.u32 s28, $0x3  }
0x48: {  	s31 =	sshrl.u32 s31, $0x2;
	s21 =	sshll.u32 s29, $0x7;
	s23 =	sadd.s32 s3, s28  }
0x49: {  	[hbm4b:s23+s4] =	stream.linear.scatter [tilespmem:s22], [sflag:$0x2], $0x4000, $0x38;
	[tilespmem:$0x1C000] =	vst v63  }
0x4a: {  	s21 =	sand.u32 $0x7000, s21;
	s23 =	sshll.u32 s29, $0x5;
	_ =	swait.ge [sflag:s2], $0x4000  }
0x4b: {  	s21 =	sor.u32 s31, s21;
	s23 =	sand.u32 $0x380, s23;
	[sflag:s2] =	ssyncset.done $0x0  }
0x4c: {  	s21 =	sor.u32 s23, s21;
	[sflag:s2] =	ssyncadd.s32 $0xFFFFC000  }
0x4d: {  	v0 =	vld [tilespmem:s21+$0x0]  }
0x4e: {  	v1 =	vld [tilespmem:s21+$0x10]  }
0x4f: {  	s29 =	sshrl.u32 s29, $0x2;
	v2 =	vld [tilespmem:s21+$0x20]  }
0x50: {  	s23 =	smul.u32 $0x186A0, s29;
	v3 =	vld [tilespmem:s21+$0x30]  }
0x51: {  	v4 =	vld [tilespmem:s21+$0x40]  }
0x52: {  	v5 =	vld [tilespmem:s21+$0x50];
	v0 =	vadd.s32 s23, v0  }
0x53: {  	v37 =	vld [tilespmem:s21+$0x60];
	v36 =	vadd.s32 s23, v1;
	[tilespmem:s21+$0x0] =	vst v0  }
0x54: {  	v39 =	vld [tilespmem:s21+$0x70];
	v38 =	vadd.s32 s23, v2;
	[tilespmem:s21+$0x10] =	vst v36  }
0x55: {  	v40 =	vadd.s32 s23, v3;
	[tilespmem:s21+$0x20] =	vst v38  }
0x56: {  	v41 =	vadd.s32 s23, v4;
	[tilespmem:s21+$0x30] =	vst v40  }
0x57: {  	v42 =	vadd.s32 s23, v5;
	[tilespmem:s21+$0x40] =	vst v41  }
0x58: {  	v43 =	vadd.s32 s23, v37;
	[tilespmem:s21+$0x50] =	vst v42  }
0x59: {  	v44 =	vadd.s32 s23, v39;
	[tilespmem:s21+$0x60] =	vst v43  }
0x5a: {  	[tilespmem:s21+$0x70] =	vst v44  }
0x5b: {  	[tilespmem:s22], [sflag:$0x1] =	stream.indirect.gather [hbm4b:s1+s20], $0x80, s21, s20, $0xb8;
	[tilespmem:$0x1C000] =	vst v63  }
0x5c: {  	_ =	swait.ge [sflag:s17], $0x4000  }
0x5d: {  	s29 =	sadd.s32 $0xFFFFC000, s12;
	s23 =	sor.u32 $0x800, s28;
	[sflag:s17] =	ssyncset.done $0x0  }
0x5e: {  	s21 =	sadd.s32 s3, s23;
	s22 =	simm.s32 $0x8000;
	[sflag:s17] =	ssyncadd.s32 $0xFFFFC000  }
0x5f: {  	[hbm4b:s21+s4] =	stream.linear.scatter [tilespmem:s22], [sflag:$0x4], $0x4000, $0x38;
	[tilespmem:$0x1C000] =	vst v63  }
0x60: {  	s23 =	sand.u32 $0x3000, s29;
	s21 =	sadd.s32 $0xFFFFFFFC, s19  }
0x61: {  	s23 =	sshrl.u32 s23, $0x2;
	s28 =	sshll.u32 s21, $0x7  }
0x62: {  	_ =	swait.ge [sflag:s18], $0x4000;
	s29 =	sshll.u32 s21, $0x5;
	s28 =	sand.u32 $0x7000, s28  }
0x63: {  	[sflag:s18] =	ssyncset.done $0x0;
	s23 =	sor.u32 s23, s28;
	s28 =	sand.u32 $0x380, s29  }
0x64: {  	[sflag:s18] =	ssyncadd.s32 $0xFFFFC000;
	s23 =	sor.u32 s28, s23  }
0x65: {  	v45 =	vld [tilespmem:s23+$0x0]  }
0x66: {  	v46 =	vld [tilespmem:s23+$0x10]  }
0x67: {  	s21 =	sshrl.u32 s21, $0x2;
	v47 =	vld [tilespmem:s23+$0x20]  }
0x68: {  	s21 =	smul.u32 $0x186A0, s21;
	v48 =	vld [tilespmem:s23+$0x30]  }
0x69: {  	v49 =	vld [tilespmem:s23+$0x40]  }
0x6a: {  	v50 =	vld [tilespmem:s23+$0x50];
	v0 =	vadd.s32 s21, v45  }
0x6b: {  	v52 =	vld [tilespmem:s23+$0x60];
	v51 =	vadd.s32 s21, v46;
	[tilespmem:s23+$0x0] =	vst v0  }
0x6c: {  	v54 =	vld [tilespmem:s23+$0x70];
	v53 =	vadd.s32 s21, v47;
	[tilespmem:s23+$0x10] =	vst v51  }
0x6d: {  	v55 =	vadd.s32 s21, v48;
	[tilespmem:s23+$0x20] =	vst v53  }
0x6e: {  	v56 =	vadd.s32 s21, v49;
	[tilespmem:s23+$0x30] =	vst v55  }
0x6f: {  	v57 =	vadd.s32 s21, v50;
	[tilespmem:s23+$0x40] =	vst v56  }
0x70: {  	v58 =	vadd.s32 s21, v52;
	[tilespmem:s23+$0x50] =	vst v57  }
0x71: {  	v59 =	vadd.s32 s21, v54;
	[tilespmem:s23+$0x60] =	vst v58  }
0x72: {  	[tilespmem:s23+$0x70] =	vst v59  }
0x73: {  	[tilespmem:s22], [sflag:$0x3] =	stream.indirect.gather [hbm4b:s1+s20], $0x80, s23, s20, $0xb8;
	[tilespmem:$0x1C000] =	vst v63  }
0x74: {  	s23 =	sadd.s32 $0xFFFFFE80, s14  }
0x75: {  	s31 =	simm.s32 $0x5;
	s29 =	sadd.s32 $0xFFFD0000, s13;
	s21 =	sand.u32 $0x100, s23  }
0x76: {  	_ =	swait.ge [sflag:s31], $0x4000;
	s23 =	sand.u32 $0xFC0000, s29;
	s21 =	sor.u32 s5, s21  }
0x77: {  	[sflag:s31] =	ssyncset.done $0x0;
	s23 =	sadd.s32 s23, s6;
	s21 =	sshll.u32 s21, $0x4  }
0x78: {  	s29 =	simm.s32 $0xC000;
	[sflag:s31] =	ssyncadd.s32 $0xFFFFC000;
	s21 =	sadd.s32 s21, s23  }
0x79: {  	[hbm4b:s21+s4] =	stream.linear.scatter [tilespmem:s29], [sflag:$0x6], $0x4000, $0x38;
	[tilespmem:$0x1C000] =	vst v63  }
0x7a: {  	s21 =	sadd.s32 $0xFFFFFFFD, s19  }
0x7b: {  	s25 =	sshll.u32 s25, $0x3;
	s22 =	sshll.u32 s21, $0x7  }
0x7c: {  	_ =	swait.ge [sflag:s24], $0x4000;
	s28 =	sshll.u32 s21, $0x5;
	s23 =	sand.u32 $0x7000, s22  }
0x7d: {  	[sflag:s24] =	ssyncset.done $0x0;
	s28 =	sand.u32 $0x380, s28;
	s23 =	sor.u32 s25, s23  }
0x7e: {  	[sflag:s24] =	ssyncadd.s32 $0xFFFFC000;
	s23 =	sor.u32 s28, s23  }
0x7f: {  	v60 =	vld [tilespmem:s23+$0x0]  }
0x80: {  	v61 =	vld [tilespmem:s23+$0x10]  }
0x81: {  	s21 =	sshrl.u32 s21, $0x2;
	v62 =	vld [tilespmem:s23+$0x20]  }
0x82: {  	s21 =	smul.u32 $0x186A0, s21;
	v63 =	vld [tilespmem:s23+$0x30]  }
0x83: {  	v8 =	vld [tilespmem:s23+$0x40]  }
0x84: {  	v9 =	vld [tilespmem:s23+$0x50];
	v0 =	vadd.s32 s21, v60  }
0x85: {  	v11 =	vld [tilespmem:s23+$0x60];
	v10 =	vadd.s32 s21, v61;
	[tilespmem:s23+$0x0] =	vst v0  }
0x86: {  	v13 =	vld [tilespmem:s23+$0x70];
	v12 =	vadd.s32 s21, v62;
	[tilespmem:s23+$0x10] =	vst v10  }
0x87: {  	v14 =	vadd.s32 s21, v63;
	[tilespmem:s23+$0x20] =	vst v12  }
0x88: {  	v15 =	vadd.s32 s21, v8;
	[tilespmem:s23+$0x30] =	vst v14  }
0x89: {  	v16 =	vadd.s32 s21, v9;
	[tilespmem:s23+$0x40] =	vst v15  }
0x8a: {  	v17 =	vadd.s32 s21, v11;
	[tilespmem:s23+$0x50] =	vst v16  }
0x8b: {  	v18 =	vadd.s32 s21, v13;
	[tilespmem:s23+$0x60] =	vst v17  }
0x8c: {  	s25 =	sadd.s32 $0xFFFFFF00, s14;
	[tilespmem:s23+$0x70] =	vst v18  }
0x8d: {  	[tilespmem:s29], [sflag:$0x5] =	stream.indirect.gather [hbm4b:s1+s20], $0x80, s23, s20, $0xb8;
	[tilespmem:$0x1C000] =	vst v63  }
0x8e: {  	s21 =	sand.u32 $0x180, s25;
	s25 =	sadd.s32 $0xFFFFE000, s12;
	s29 =	sadd.s32 $0xFFFE0000, s13  }
0x8f: {  	s21 =	sor.u32 s5, s21;
	_ =	swait.ge [sflag:s26], $0x4000;
	s23 =	sand.u32 $0xFC0000, s29  }
0x90: {  	s21 =	sshll.u32 s21, $0x4;
	[sflag:s26] =	ssyncset.done $0x0;
	s23 =	sadd.s32 s23, s6  }
0x91: {  	s29 =	simm.s32 $0x10000;
	[sflag:s26] =	ssyncadd.s32 $0xFFFFC000;
	s21 =	sadd.s32 s21, s23  }
0x92: {  	[hbm4b:s21+s4] =	stream.linear.scatter [tilespmem:s29], [sflag:$0x8], $0x4000, $0x38;
	[tilespmem:$0x1C000] =	vst v63  }
0x93: {  	s23 =	sand.u32 $0x3000, s25;
	s21 =	sadd.s32 $0xFFFFFFFE, s19  }
0x94: {  	s23 =	sshrl.u32 s23, $0x2;
	s25 =	sshll.u32 s21, $0x7  }
0x95: {  	_ =	swait.ge [sflag:s30], $0x4000;
	s28 =	sshll.u32 s21, $0x5;
	s25 =	sand.u32 $0x7000, s25  }
0x96: {  	[sflag:s30] =	ssyncset.done $0x0;
	s23 =	sor.u32 s23, s25;
	s25 =	sand.u32 $0x380, s28  }
0x97: {  	[sflag:s30] =	ssyncadd.s32 $0xFFFFC000;
	s23 =	sor.u32 s25, s23  }
0x98: {  	v19 =	vld [tilespmem:s23+$0x0]  }
0x99: {  	v20 =	vld [tilespmem:s23+$0x10]  }
0x9a: {  	s21 =	sshrl.u32 s21, $0x2;
	v21 =	vld [tilespmem:s23+$0x20]  }
0x9b: {  	s21 =	smul.u32 $0x186A0, s21;
	v22 =	vld [tilespmem:s23+$0x30]  }
0x9c: {  	v23 =	vld [tilespmem:s23+$0x40]  }
0x9d: {  	v24 =	vld [tilespmem:s23+$0x50];
	v0 =	vadd.s32 s21, v19  }
0x9e: {  	v26 =	vld [tilespmem:s23+$0x60];
	v25 =	vadd.s32 s21, v20;
	[tilespmem:s23+$0x0] =	vst v0  }
0x9f: {  	v28 =	vld [tilespmem:s23+$0x70];
	v27 =	vadd.s32 s21, v21;
	[tilespmem:s23+$0x10] =	vst v25  }
0xa0: {  	v29 =	vadd.s32 s21, v22;
	[tilespmem:s23+$0x20] =	vst v27  }
0xa1: {  	v30 =	vadd.s32 s21, v23;
	[tilespmem:s23+$0x30] =	vst v29  }
0xa2: {  	v31 =	vadd.s32 s21, v24;
	[tilespmem:s23+$0x40] =	vst v30  }
0xa3: {  	v32 =	vadd.s32 s21, v26;
	[tilespmem:s23+$0x50] =	vst v31  }
0xa4: {  	v33 =	vadd.s32 s21, v28;
	[tilespmem:s23+$0x60] =	vst v32  }
0xa5: {  	[tilespmem:s23+$0x70] =	vst v33  }
0xa6: {  	[tilespmem:s29], [sflag:$0x7] =	stream.indirect.gather [hbm4b:s1+s20], $0x80, s23, s20, $0xb8;
	[tilespmem:$0x1C000] =	vst v63  }
0xa7: {  	s29 =	sand.u32 $0x7E00000, s15  }
0xa8: {  	s11 =	sor.u32 s11, s29  }
0xa9: {  	_ =	swait.ge [sflag:s7], $0x4000;
	s11 =	sadd.s32 $0x200000, s11  }
0xaa: {  	s23 =	sadd.s32 $0xFFFFF000, s12;
	[sflag:s7] =	ssyncset.done $0x0;
	s11 =	sshrl.u32 s11, $0x3  }
0xab: {  	s29 =	simm.s32 $0x14000;
	[sflag:s7] =	ssyncadd.s32 $0xFFFFC000;
	s11 =	sadd.s32 s3, s11  }
0xac: {  	[hbm4b:s11+s4] =	stream.linear.scatter [tilespmem:s29], [sflag:$0xA], $0x4000, $0x38;
	[tilespmem:$0x1C000] =	vst v63  }
0xad: {  	s21 =	sand.u32 $0x2000, s23;
	s11 =	sadd.s32 $0xFFFFFFFF, s19  }
0xae: {  	s21 =	sshrl.u32 s21, $0x2;
	s25 =	sshll.u32 s11, $0x7  }
0xaf: {  	_ =	swait.ge [sflag:s8], $0x4000;
	s23 =	sand.u32 $0x7000, s25;
	s25 =	sshll.u32 s11, $0x5  }
0xb0: {  	[sflag:s8] =	ssyncset.done $0x0;
	s21 =	sor.u32 s21, s23;
	s25 =	sand.u32 $0x380, s25  }
0xb1: {  	[sflag:s8] =	ssyncadd.s32 $0xFFFFC000;
	s21 =	sor.u32 s25, s21  }
0xb2: {  	v34 =	vld [tilespmem:s21+$0x0]  }
0xb3: {  	v35 =	vld [tilespmem:s21+$0x10]  }
0xb4: {  	s11 =	sshrl.u32 s11, $0x2;
	v36 =	vld [tilespmem:s21+$0x20]  }
0xb5: {  	s11 =	smul.u32 $0x186A0, s11;
	v37 =	vld [tilespmem:s21+$0x30]  }
0xb6: {  	v38 =	vld [tilespmem:s21+$0x40]  }
0xb7: {  	v39 =	vld [tilespmem:s21+$0x50];
	v0 =	vadd.s32 s11, v34  }
0xb8: {  	v41 =	vld [tilespmem:s21+$0x60];
	v40 =	vadd.s32 s11, v35;
	[tilespmem:s21+$0x0] =	vst v0  }
0xb9: {  	v43 =	vld [tilespmem:s21+$0x70];
	v42 =	vadd.s32 s11, v36;
	[tilespmem:s21+$0x10] =	vst v40  }
0xba: {  	v44 =	vadd.s32 s11, v37;
	[tilespmem:s21+$0x20] =	vst v42  }
0xbb: {  	v45 =	vadd.s32 s11, v38;
	[tilespmem:s21+$0x30] =	vst v44  }
0xbc: {  	v46 =	vadd.s32 s11, v39;
	[tilespmem:s21+$0x40] =	vst v45  }
0xbd: {  	v47 =	vadd.s32 s11, v41;
	[tilespmem:s21+$0x50] =	vst v46  }
0xbe: {  	s23 =	sand.u32 $0x180, s14;
	v48 =	vadd.s32 s11, v43;
	[tilespmem:s21+$0x60] =	vst v47  }
0xbf: {  	s11 =	sor.u32 s5, s23;
	[tilespmem:s21+$0x70] =	vst v48  }
0xc0: {  	[tilespmem:s29], [sflag:$0x9] =	stream.indirect.gather [hbm4b:s1+s20], $0x80, s21, s20, $0xb8;
	[tilespmem:$0x1C000] =	vst v63  }
0xc1: {  	s23 =	sshll.u32 s19, $0x7;
	s29 =	sand.u32 $0xFC0000, s13;
	_ =	swait.ge [sflag:s9], $0x4000  }
0xc2: {  	s11 =	sshll.u32 s11, $0x4;
	s21 =	sadd.s32 s29, s6;
	[sflag:s9] =	ssyncset.done $0x0  }
0xc3: {  	s29 =	simm.s32 $0x18000;
	s11 =	sadd.s32 s11, s21;
	[sflag:s9] =	ssyncadd.s32 $0xFFFFC000  }
0xc4: {  	[hbm4b:s11+s4] =	stream.linear.scatter [tilespmem:s29], [sflag:$0xC], $0x4000, $0x38;
	[tilespmem:$0x1C000] =	vst v63  }
0xc5: {  	s21 =	sand.u32 $0x7000, s23;
	s11 =	sand.u32 $0x3000, s12  }
0xc6: {  	s23 =	sshll.u32 s19, $0x5;
	_ =	swait.ge [sflag:s10], $0x4000;
	s11 =	sshrl.u32 s11, $0x2  }
0xc7: {  	s23 =	sand.u32 $0x380, s23;
	s11 =	sor.u32 s11, s21;
	[sflag:s10] =	ssyncset.done $0x0  }
0xc8: {  	[sflag:s10] =	ssyncadd.s32 $0xFFFFC000;
	s11 =	sor.u32 s23, s11  }
0xc9: {  	v49 =	vld [tilespmem:s11+$0x0]  }
0xca: {  	v50 =	vld [tilespmem:s11+$0x10]  }
0xcb: {  	s23 =	sshrl.u32 s19, $0x2;
	v51 =	vld [tilespmem:s11+$0x20]  }
0xcc: {  	s21 =	smul.u32 $0x186A0, s23;
	v52 =	vld [tilespmem:s11+$0x30]  }
0xcd: {  	v53 =	vld [tilespmem:s11+$0x40]  }
0xce: {  	v54 =	vld [tilespmem:s11+$0x50];
	v0 =	vadd.s32 s21, v49  }
0xcf: {  	v56 =	vld [tilespmem:s11+$0x60];
	v55 =	vadd.s32 s21, v50;
	[tilespmem:s11+$0x0] =	vst v0  }
0xd0: {  	v58 =	vld [tilespmem:s11+$0x70];
	v57 =	vadd.s32 s21, v51;
	[tilespmem:s11+$0x10] =	vst v55  }
0xd1: {  	v59 =	vadd.s32 s21, v52;
	[tilespmem:s11+$0x20] =	vst v57  }
0xd2: {  	p0 =	sne.s32 s19, $0x65;
	v60 =	vadd.s32 s21, v53;
	[tilespmem:s11+$0x30] =	vst v59  }
.Ltmp0:
0xd3: {  	s16 =	sadd.s32 $0x100, s16;
	v61 =	vadd.s32 s21, v54;
	[tilespmem:s11+$0x40] =	vst v60;
	(pc) =	sbr.rel @p0 .LBB2_2-.Ltmp0, $4  }
0xd4: {  	s22 =	simm.s32 $0xC000;
	s28 =	simm.s32 $0x10000;
	s15 =	sadd.s32 $0x300000, s15;
	v62 =	vadd.s32 s21, v56;
	[tilespmem:s11+$0x50] =	vst v61  }
0xd5: {  	s14 =	sadd.s32 $0x300, s14;
	s25 =	simm.s32 $0x14000;
	s13 =	sadd.s32 $0x60000, s13;
	v63 =	vadd.s32 s21, v58;
	[tilespmem:s11+$0x60] =	vst v62  }
0xd6: {  	s12 =	sadd.s32 $0x6000, s12;
	s19 =	sadd.s32 $0x6, s19;
	s21 =	simm.s32 $0x18000;
	[tilespmem:s11+$0x70] =	vst v63  }
0xd7: {  	[tilespmem:s29], [sflag:$0xB] =	stream.indirect.gather [hbm4b:s1+s20], $0x80, s11, s20, $0xb8;
	[tilespmem:$0x1C000] =	vst v63  }
0xd8: {  	_ =	swait.ge [sflag:s0], $0x4000  }
0xd9: {  	[sflag:s0] =	ssyncset.done $0x0  }
0xda: {  	s12 =	simm.s32 $0x4000;
	s11 =	rddreg [dreg:$0x4];
	[sflag:s0] =	ssyncadd.s32 $0xFFFFC000  }
0xdb: {  	[hbm4b:s11+s4] =	stream.linear.scatter [tilespmem:s12], [sflag:$0x2], $0x4000, $0x38;
	[tilespmem:$0x1C000] =	vst v63  }
0xdc: {  	_ =	swait.ge [sflag:s2], $0x4000  }
0xdd: {  	[sflag:s2] =	ssyncset.done $0x0  }
0xde: {  	[sflag:s2] =	ssyncadd.s32 $0xFFFFC000  }
0xdf: {  	v0 =	vld [tilespmem:$0x3880]  }
0xe0: {  	v1 =	vld [tilespmem:$0x3890]  }
0xe1: {  	v2 =	vld [tilespmem:$0x38A0]  }
0xe2: {  	v3 =	vld [tilespmem:$0x38B0]  }
0xe3: {  	v4 =	vld [tilespmem:$0x38C0]  }
0xe4: {  	v5 =	vld [tilespmem:$0x38D0];
	v0 =	vadd.s32 $0x2625A0, v0  }
0xe5: {  	v41 =	vld [tilespmem:$0x38E0];
	v40 =	vadd.s32 $0x2625A0, v1;
	[tilespmem:$0x3880] =	vst v0  }
0xe6: {  	v43 =	vld [tilespmem:$0x38F0];
	v42 =	vadd.s32 $0x2625A0, v2;
	[tilespmem:$0x3890] =	vst v40  }
0xe7: {  	v44 =	vadd.s32 $0x2625A0, v3;
	[tilespmem:$0x38A0] =	vst v42  }
0xe8: {  	v45 =	vadd.s32 $0x2625A0, v4;
	[tilespmem:$0x38B0] =	vst v44  }
0xe9: {  	v46 =	vadd.s32 $0x2625A0, v5;
	[tilespmem:$0x38C0] =	vst v45  }
0xea: {  	v47 =	vadd.s32 $0x2625A0, v41;
	[tilespmem:$0x38D0] =	vst v46  }
0xeb: {  	v48 =	vadd.s32 $0x2625A0, v43;
	[tilespmem:$0x38E0] =	vst v47  }
0xec: {  	s19 =	simm.s32 $0x3880;
	[tilespmem:$0x38F0] =	vst v48  }
0xed: {  	[tilespmem:s12], [sflag:$0x1] =	stream.indirect.gather [hbm4b:s1+s20], $0x80, s19, s20, $0xb8;
	[tilespmem:$0x1C000] =	vst v63  }
0xee: {  	_ =	swait.ge [sflag:s17], $0x4000  }
0xef: {  	[sflag:s17] =	ssyncset.done $0x0  }
0xf0: {  	s13 =	simm.s32 $0x8000;
	s23 =	rddreg [dreg:$0x5];
	[sflag:s17] =	ssyncadd.s32 $0xFFFFC000  }
0xf1: {  	[hbm4b:s23+s4] =	stream.linear.scatter [tilespmem:s13], [sflag:$0x4], $0x4000, $0x38;
	[tilespmem:$0x1C000] =	vst v63  }
0xf2: {  	_ =	swait.ge [sflag:s18], $0x4000  }
0xf3: {  	[sflag:s18] =	ssyncset.done $0x0  }
0xf4: {  	[sflag:s18] =	ssyncadd.s32 $0xFFFFC000  }
0xf5: {  	v49 =	vld [tilespmem:$0x3C80]  }
0xf6: {  	v50 =	vld [tilespmem:$0x3C90]  }
0xf7: {  	v51 =	vld [tilespmem:$0x3CA0]  }
0xf8: {  	v52 =	vld [tilespmem:$0x3CB0]  }
0xf9: {  	v53 =	vld [tilespmem:$0x3CC0]  }
0xfa: {  	v54 =	vld [tilespmem:$0x3CD0];
	v0 =	vadd.s32 $0x2625A0, v49  }
0xfb: {  	v56 =	vld [tilespmem:$0x3CE0];
	v55 =	vadd.s32 $0x2625A0, v50;
	[tilespmem:$0x3C80] =	vst v0  }
0xfc: {  	v58 =	vld [tilespmem:$0x3CF0];
	v57 =	vadd.s32 $0x2625A0, v51;
	[tilespmem:$0x3C90] =	vst v55  }
0xfd: {  	v59 =	vadd.s32 $0x2625A0, v52;
	[tilespmem:$0x3CA0] =	vst v57  }
0xfe: {  	v60 =	vadd.s32 $0x2625A0, v53;
	[tilespmem:$0x3CB0] =	vst v59  }
0xff: {  	v61 =	vadd.s32 $0x2625A0, v54;
	[tilespmem:$0x3CC0] =	vst v60  }
0x100: {  	v62 =	vadd.s32 $0x2625A0, v56;
	[tilespmem:$0x3CD0] =	vst v61  }
0x101: {  	v63 =	vadd.s32 $0x2625A0, v58;
	[tilespmem:$0x3CE0] =	vst v62  }
0x102: {  	s29 =	simm.s32 $0x3C80;
	[tilespmem:$0x3CF0] =	vst v63  }
0x103: {  	[tilespmem:s13], [sflag:$0x3] =	stream.indirect.gather [hbm4b:s1+s20], $0x80, s29, s20, $0xb8;
	[tilespmem:$0x1C000] =	vst v63  }
0x104: {  	_ =	swait.ge [sflag:s31], $0x4000  }
0x105: {  	[sflag:s31] =	ssyncset.done $0x0  }
0x106: {  	[sflag:s31] =	ssyncadd.s32 $0xFFFFC000;
	s31 =	rddreg [dreg:$0x6]  }
0x107: {  	[hbm4b:s31+s4] =	stream.linear.scatter [tilespmem:s22], [sflag:$0x6], $0x4000, $0x38;
	[tilespmem:$0x1C000] =	vst v63  }
0x108: {  	_ =	swait.ge [sflag:s26], $0x4000  }
0x109: {  	[sflag:s26] =	ssyncset.done $0x0  }
0x10a: {  	s14 =	rddreg [dreg:$0x8];
	[sflag:s26] =	ssyncadd.s32 $0xFFFFC000  }
0x10b: {  	[hbm4b:s14+s4] =	stream.linear.scatter [tilespmem:s28], [sflag:$0x8], $0x4000, $0x38;
	[tilespmem:$0x1C000] =	vst v63  }
0x10c: {  	_ =	swait.ge [sflag:s7], $0x4000  }
0x10d: {  	[sflag:s7] =	ssyncset.done $0x0  }
0x10e: {  	s15 =	rddreg [dreg:$0xa];
	[sflag:s7] =	ssyncadd.s32 $0xFFFFC000  }
0x10f: {  	[hbm4b:s15+s4] =	stream.linear.scatter [tilespmem:s25], [sflag:$0xA], $0x4000, $0x38;
	[tilespmem:$0x1C000] =	vst v63  }
0x110: {  	_ =	swait.ge [sflag:s9], $0x4000  }
0x111: {  	[sflag:s9] =	ssyncset.done $0x0  }
0x112: {  	s16 =	rddreg [dreg:$0x9];
	[sflag:s9] =	ssyncadd.s32 $0xFFFFC000  }
0x113: {  	[hbm4b:s16+s4] =	stream.linear.scatter [tilespmem:s21], [sflag:$0xC], $0x4000, $0x38;
	[tilespmem:$0x1C000] =	vst v63  }
0x114: {  	_ =	swait.ge [sflag:s0], $0x4000  }
0x115: {  	[sflag:s0] =	ssyncset.done $0x0  }
0x116: {  	s19 =	rddreg [dreg:$0xb];
	[sflag:s0] =	ssyncadd.s32 $0xFFFFC000  }
0x117: {  	[hbm4b:s19+s4] =	stream.linear.scatter [tilespmem:s12], [sflag:$0x2], $0x4000, $0x38;
	[tilespmem:$0x1C000] =	vst v63  }
0x118: {  	_ =	swait.ge [sflag:s17], $0x4000  }
0x119: {  	[sflag:s17] =	ssyncset.done $0x0  }
0x11a: {  	s23 =	rddreg [dreg:$0xc];
	[sflag:s17] =	ssyncadd.s32 $0xFFFFC000  }
0x11b: {  	[hbm4b:s23+s4] =	stream.linear.scatter [tilespmem:s13], [sflag:$0x4], $0x4000, $0x38;
	[tilespmem:$0x1C000] =	vst v63  }
0x11c: {  	_ =	swait.ge [sflag:s24], $0x4000  }
0x11d: {  	[sflag:s24] =	ssyncset.done $0x0  }
0x11e: {  	[sflag:s24] =	ssyncadd.s32 $0xFFFFC000  }
0x11f: {  	_ =	swait.ge [sflag:s30], $0x4000  }
0x120: {  	[sflag:s30] =	ssyncset.done $0x0  }
0x121: {  	[sflag:s30] =	ssyncadd.s32 $0xFFFFC000  }
0x122: {  	_ =	swait.ge [sflag:s8], $0x4000  }
0x123: {  	[sflag:s8] =	ssyncset.done $0x0  }
0x124: {  	[sflag:s8] =	ssyncadd.s32 $0xFFFFC000  }
0x125: {  	_ =	swait.ge [sflag:s10], $0x4000  }
0x126: {  	[sflag:s10] =	ssyncset.done $0x0  }
0x127: {  	[sflag:s10] =	ssyncadd.s32 $0xFFFFC000  }
0x128: {  	_ =	swait.ge [sflag:s2], $0x4000  }
0x129: {  	[sflag:s2] =	ssyncset.done $0x0  }
0x12a: {  	[sflag:s2] =	ssyncadd.s32 $0xFFFFC000  }
0x12b: {  	_ =	swait.ge [sflag:s18], $0x4000  }
0x12c: {  	s29 =	rddreg [dreg:$0xe]  }
0x12d: {  	s31 =	rddreg [dreg:$0xd];
	s12 =	sadd.s32 $0x1, s29  }
0x12e: {  	p0 =	sne.s32 s12, s31  }
.Ltmp1:
0x12f: {  	_ = 	snop;
	(pc) =	sbr.rel @p0 .LBB2_1-.Ltmp1, $3  }
0x130: {  	_ =	sdelay $0x1  }
0x131: {  	[sflag:s18] =	ssyncset.done $0x0  }
0x132: {  	s14 =	simm.s32 $0x4000;
	s15 =	simm.s32 $0x8000;
	[sflag:s18] =	ssyncadd.s32 $0xFFFFC000  }
0x133: {  	_ =	sfence.sel $0x180000  }
0x134: {  	[bflag:$0x0] =	sbarrier.arrive $0xFFFF  }
0x135: {  	_ =	strace $0x90000047  }
0x136: {  	s0 =	stileid.u32;
	[bflag:$0x2] =	sbarrier.arrive $0xFFFF  }
0x137: {  	p0 =	sne.s32 s0, $0x0;
	s0 =	rddreg [dreg:$0x3]  }
0x138: {  	s0 =	sadd.s32 @!p0 $0x100000, s0  }
0x139: {  	[sflag:s0] =	ssyncadd.tile.s32 @!p0 $0x1;
	_ =	shalt  }
.Lfunc_end2:
_tile_overlayer_lowered:
.L_overlay_start_2:
0x13a: {  	(tag) =	ssettag $0x2  }
0x13b: {  	s0 =	rddreg [dreg:$0x0];
	s2 =	stileid.u32  }
0x13c: {  	s1 =	rddreg [dreg:$0x1];
	p0 =	sne.s32 s2, $0x0  }
0x13d: {  	s3 =	rddreg [dreg:$0x2];
	[bflag:$0x3] =	sbarrier.arrive $0xFFFF;
	s2 =	simm.s32 @!p0 $0x1C0D  }
0x13e: {  	[timem:s3], [sflag:s2] =	dma.local @!p0 [hbm:s0], s1  }
0x13f: {  	s0 =	simm.s32 @!p0 $0xD  }
0x140: {  	_ =	swait.ge @!p0 [sflag:s0], s1  }
0x141: {  	s1 =	ssub.s32 @!p0 $0x0, s1;
	[sflag:s0] =	ssyncset.done @!p0 $0x0  }
0x142: {  	[sflag:s0] =	ssyncadd.s32 @!p0 s1  }
0x143: {  	[bflag:$0x3] =	sbarrier.arrive $0xFFFF  }
0x144: {  	_ =	shalt  }

</sc_bundles>
